<compile_context>
chip_gen: v7x
topology: tpu7x:2x2x1
jax: 0.10.2.dev20260603
libtpu: 0.0.44.dev20260713+nightly
codegen_flags: <defaults>
</compile_context>

<pallas_src>
import jax
import jax.numpy as jnp
from jax import lax
from jax.experimental import pallas as pl
from jax.experimental.pallas import tpu as pltpu
from jax.experimental.pallas import tpu_sc as plsc

NC, NSUB, L = 2, 16, 16
NW = NC * NSUB
NPAIR = 16 * 32
PAIRS_PER_W = NPAIR // NW
NCH = 4
WORDS = 8192 * NCH
K = 16
NBLK = WORDS // (8 * L)
NGRP = NBLK * NCH
GVECS = NGRP // L


def _sortd(v):
    k, _ = plsc.sort_key_val(v, v, descending=True)
    return k


def _merge(a, b):
    return _sortd(jnp.maximum(a, lax.rev(b, (0,))))


def _sortd_kv(k, v):
    sk, sv = plsc.sort_key_val(k, v, descending=True)
    return sk, sv


def _merge_kv(ak, av, bk, bv):
    rk, rv = lax.rev(bk, (0,)), lax.rev(bv, (0,))
    m = ak >= rk
    return _sortd_kv(jnp.where(m, ak, rk), jnp.where(m, av, rv))


def _tree_top16(vs):
    s = list(vs)
    while len(s) > 1:
        if len(s) % 2:
            s.append(None)
        s = [s[2 * j] if s[2 * j + 1] is None else _merge(s[2 * j], s[2 * j + 1])
             for j in range(len(s) // 2)]
    return s[0]


def _start_pair_dma(in_hbm, buf, p, half, sem):
    pltpu.async_copy(in_hbm.at[p], buf.at[pl.ds(half * WORDS, WORDS)], sem)


def _wait_pair_dma(in_hbm, buf, p, half, sem):
    pltpu.make_async_copy(in_hbm.at[p], buf.at[pl.ds(half * WORDS, WORDS)],
                          sem).wait()


def _sc_body(in_hbm, out_hbm, buf, gmax, outbuf, sem):
    wid = lax.axis_index("s") * NC + lax.axis_index("c")
    iota = lax.iota(jnp.int32, L)
    p0 = wid * PAIRS_PER_W

    _start_pair_dma(in_hbm, buf, p0, 0, sem)

    def pair_body(i, carry):
        p = p0 + i
        sel = lax.rem(i, 2)
        bbase = sel * WORDS
        _wait_pair_dma(in_hbm, buf, p, sel, sem)

        @pl.when(i + 1 < PAIRS_PER_W)
        def _prefetch():
            _start_pair_dma(in_hbm, buf, p + 1, 1 - sel, sem)

        def p1_body(g, carry_):
            base = bbase + g * (16 * L)
            for half in range(2):
                hb = base + half * (8 * L)
                acc = buf[pl.ds(hb, L)]
                for m in range(1, 8):
                    acc = jnp.maximum(acc, buf[pl.ds(hb + m * L, L)])
                gmax[pl.ds((2 * g + half) * L, L)] = acc
            return carry_

        lax.fori_loop(0, NBLK // 2, p1_body, 0)

        for c in range(NCH):
            idx0 = iota * NCH + c

            def p2_body(n, tkv):
                tk, tv = tkv
                sub = []
                for j in range(4):
                    vbase = (4 * n + j) * L
                    keys = plsc.load_gather(gmax, [idx0 + NCH * vbase])
                    sub.append(_sortd_kv(keys, vbase + iota))
                (k0, v0), (k1, v1), (k2, v2), (k3, v3) = sub
                ka, va = _merge_kv(k0, v0, k1, v1)
                kb, vb = _merge_kv(k2, v2, k3, v3)
                kc, vc = _merge_kv(ka, va, kb, vb)
                return _merge_kv(tk, tv, kc, vc)

            neg_inf = jnp.full((L,), -jnp.inf, dtype=jnp.float32)
            _, gsel = lax.fori_loop(0, GVECS // 4, p2_body,
                                    (neg_inf, jnp.zeros((L,), jnp.int32)))

            w = bbase + ((gsel >> 2) << 7) + ((gsel & 3) << 2) + c
            vs = [_sortd(plsc.load_gather(buf, [w + m * L])) for m in range(8)]
            outbuf[pl.ds(c * K, K)] = _tree_top16(vs)

        pltpu.sync_copy(outbuf, out_hbm.at[p])
        return carry

    lax.fori_loop(0, PAIRS_PER_W, pair_body, 0)


def kernel(inputs):
    flat = inputs.reshape(NPAIR, WORDS)
    mesh = plsc.VectorSubcoreMesh(
        core_axis_name="c", subcore_axis_name="s",
        num_cores=NC, num_subcores=NSUB)
    out = pl.kernel(
        _sc_body,
        out_type=jax.ShapeDtypeStruct((NPAIR, NCH * K), jnp.float32),
        mesh=mesh,
        scratch_types=[
            pltpu.VMEM((2 * WORDS,), jnp.float32),
            pltpu.VMEM((NGRP * NCH,), jnp.float32),
            pltpu.VMEM((NCH * K,), jnp.float32),
            pltpu.SemaphoreType.DMA,
        ],
        compiler_params=pltpu.CompilerParams(needs_layout_passes=False),
    )(flat)
    return out.reshape(16, 32, NCH * K)

# --- scband reference (transcript-rebuilt; emitter-appended) ---
"""Pipeline reference for scband-row-wise-max-pooling-17239998726694 (READ-ONLY COPY).

The authoritative reference and input builder live on the scoring server;
editing this copy changes nothing except your own understanding.
"""

import jax, jax.numpy as jnp
import numpy as np

NS = 16
LG = 4

def setup_inputs(seed: int = 0) -> dict:
    key = jax.random.key(seed)
    inputs = jax.random.normal(key, (16, 32, 8192, LG), dtype=jnp.float32)
    return {"inputs": inputs}

def reference(inputs):
    # Faithful translation of Row_wise_max_pooling.call:
    # for each channel i in [0, lg), take top-ns values along the last
    # spatial axis of inputs[:, :, :, i] -> [B, R, ns], then concatenate
    # all channels along the last axis -> [B, R, ns * lg].
    outs = []
    for i in range(LG):
        vals, _ = jax.lax.top_k(inputs[:, :, :, i], NS)
        outs.append(vals)
    return jnp.concatenate(outs, axis=-1)

if __name__ == "__main__":
    import jax
    _d = setup_inputs()
    print(jax.jit(kernel)(*tuple(_d.values())))

</pallas_src>

<mosaic_0001>
#map = affine_map<(d0, d1) -> (0, 0)>
module attributes {stable_mosaic.version = 14 : i64} {
  func.func @_sc_body(%arg0: i32, %arg1: i32, %arg2: memref<512x32768xf32, #tpu.memory_space<hbm>>, %arg3: memref<512x64xf32, #tpu.memory_space<hbm>>, %arg4: memref<65536xf32, #tpu.memory_space<vmem>>, %arg5: memref<4096xf32, #tpu.memory_space<vmem>>, %arg6: memref<64xf32, #tpu.memory_space<vmem>>, %arg7: memref<!tpu.dma_semaphore, #tpu.memory_space<semaphore_mem>>) attributes {dimension_semantics = [#tpu.dimension_semantics<core_parallel>, #tpu.dimension_semantics<subcore_parallel>], iteration_bounds = array<i64: 2, 16>, scalar_prefetch = 0 : i64, scratch_operands = 4 : i64, tpu.core_type = #tpu.core_type<sc_vector_subcore>, window_params = [{transform_indices = #map}, {transform_indices = #map}]} {
    %mul3A = arith.constant 2 : i32
    %mul3A_0 = arith.muli %arg1, %mul3A : i32
    %add3A = arith.addi %mul3A_0, %arg0 : i32
    %iota3A = tpu.iota {dimensions = array<i32: 0>} : vector<16xi32>
    %mul3A_1 = arith.constant 16 : i32
    %mul3A_2 = arith.muli %add3A, %mul3A_1 : i32
    %dma_start3A = arith.constant 0 : i32
    %dma_start3A_3 = tpu.memref_slice %arg4[%dma_start3A] : memref<65536xf32, #tpu.memory_space<vmem>> -> memref<32768xf32, #tpu.memory_space<vmem>>
    %dma_start3A_4 = arith.constant 0 : i32
    %dma_start3A_5 = tpu.memref_slice %arg2[%mul3A_2, %dma_start3A_4] : memref<512x32768xf32, #tpu.memory_space<hbm>> -> memref<1x32768xf32, #tpu.memory_space<hbm>>
    %dma_start3A_6 = tpu.memref_squeeze %dma_start3A_5 : memref<1x32768xf32, #tpu.memory_space<hbm>> -> memref<32768xf32, #tpu.memory_space<hbm>>
    %dma_start3A_7 = arith.constant 0 : i32
    %dma_start3A_8 = tpu.memref_slice %arg4[%dma_start3A_7] : memref<65536xf32, #tpu.memory_space<vmem>> -> memref<32768xf32, #tpu.memory_space<vmem>>
    %dma_start3A_9 = arith.constant 0 : i32
    %dma_start3A_10 = tpu.memref_slice %arg2[%mul3A_2, %dma_start3A_9] : memref<512x32768xf32, #tpu.memory_space<hbm>> -> memref<1x32768xf32, #tpu.memory_space<hbm>>
    %dma_start3A_11 = tpu.memref_squeeze %dma_start3A_10 : memref<1x32768xf32, #tpu.memory_space<hbm>> -> memref<32768xf32, #tpu.memory_space<hbm>>
    tpu.enqueue_dma source(%dma_start3A_11 : memref<32768xf32, #tpu.memory_space<hbm>>) target(%dma_start3A_8 : memref<32768xf32, #tpu.memory_space<vmem>>) target_semaphore(%arg7 : memref<!tpu.dma_semaphore, #tpu.memory_space<semaphore_mem>>)
    %scan3A = arith.constant 0 : i32
    %scan3A_12 = arith.constant 0 : i32
    %scan3A_13 = arith.constant 16 : i32
    %scan3A_14 = arith.addi %scan3A_12, %scan3A_13 : i32
    %scan3A_15 = arith.constant 1 : i32
    scf.for %scan3A_17 = %scan3A_12 to %scan3A_14 step %scan3A_15  : i32 {
      %add3A_18 = arith.addi %mul3A_2, %scan3A_17 : i32
      %rem3A = arith.constant 2 : i32
      %rem3A_19 = arith.remsi %scan3A_17, %rem3A : i32
      %mul3A_20 = arith.constant 32768 : i32
      %mul3A_21 = arith.muli %rem3A_19, %mul3A_20 : i32
      %mul3A_22 = arith.constant 32768 : i32
      %mul3A_23 = arith.muli %rem3A_19, %mul3A_22 : i32
      %dma_wait3A = tpu.memref_slice %arg4[%mul3A_23] : memref<65536xf32, #tpu.memory_space<vmem>> -> memref<32768xf32, #tpu.memory_space<vmem>>
      %dma_wait3A_24 = arith.constant 0 : i32
      %dma_wait3A_25 = tpu.memref_slice %arg2[%add3A_18, %dma_wait3A_24] : memref<512x32768xf32, #tpu.memory_space<hbm>> -> memref<1x32768xf32, #tpu.memory_space<hbm>>
      %dma_wait3A_26 = tpu.memref_squeeze %dma_wait3A_25 : memref<1x32768xf32, #tpu.memory_space<hbm>> -> memref<32768xf32, #tpu.memory_space<hbm>>
      %dma_wait3A_27 = tpu.memref_slice %arg4[%mul3A_23] : memref<65536xf32, #tpu.memory_space<vmem>> -> memref<32768xf32, #tpu.memory_space<vmem>>
      %dma_wait3A_28 = arith.constant 0 : i32
      %dma_wait3A_29 = tpu.memref_slice %arg2[%add3A_18, %dma_wait3A_28] : memref<512x32768xf32, #tpu.memory_space<hbm>> -> memref<1x32768xf32, #tpu.memory_space<hbm>>
      %dma_wait3A_30 = tpu.memref_squeeze %dma_wait3A_29 : memref<1x32768xf32, #tpu.memory_space<hbm>> -> memref<32768xf32, #tpu.memory_space<hbm>>
      tpu.wait_dma2 semaphore(%arg7 : memref<!tpu.dma_semaphore, #tpu.memory_space<semaphore_mem>>) src(%dma_wait3A_30 : memref<32768xf32, #tpu.memory_space<hbm>>) dst(%dma_wait3A_27 : memref<32768xf32, #tpu.memory_space<vmem>>)
      %add3A_31 = arith.constant 1 : i32
      %add3A_32 = arith.addi %scan3A_17, %add3A_31 : i32
      %lt3A = arith.constant 16 : i32
      %lt3A_33 = arith.cmpi slt, %add3A_32, %lt3A : i32
      %convert_element_type3A = arith.extui %lt3A_33 : i1 to i32
      %cond3A = arith.constant 0 : i32
      %cond3A_34 = arith.cmpi ne, %convert_element_type3A, %cond3A : i32
      scf.if %cond3A_34 {
        %add3A_712 = arith.constant 1 : i32
        %add3A_713 = arith.addi %add3A_18, %add3A_712 : i32
        %sub3A = arith.constant 1 : i32
        %sub3A_714 = arith.subi %sub3A, %rem3A_19 : i32
        %mul3A_715 = arith.constant 32768 : i32
        %mul3A_716 = arith.muli %sub3A_714, %mul3A_715 : i32
        %dma_start3A_717 = tpu.memref_slice %arg4[%mul3A_716] : memref<65536xf32, #tpu.memory_space<vmem>> -> memref<32768xf32, #tpu.memory_space<vmem>>
        %dma_start3A_718 = arith.constant 0 : i32
        %dma_start3A_719 = tpu.memref_slice %arg2[%add3A_713, %dma_start3A_718] : memref<512x32768xf32, #tpu.memory_space<hbm>> -> memref<1x32768xf32, #tpu.memory_space<hbm>>
        %dma_start3A_720 = tpu.memref_squeeze %dma_start3A_719 : memref<1x32768xf32, #tpu.memory_space<hbm>> -> memref<32768xf32, #tpu.memory_space<hbm>>
        %dma_start3A_721 = tpu.memref_slice %arg4[%mul3A_716] : memref<65536xf32, #tpu.memory_space<vmem>> -> memref<32768xf32, #tpu.memory_space<vmem>>
        %dma_start3A_722 = arith.constant 0 : i32
        %dma_start3A_723 = tpu.memref_slice %arg2[%add3A_713, %dma_start3A_722] : memref<512x32768xf32, #tpu.memory_space<hbm>> -> memref<1x32768xf32, #tpu.memory_space<hbm>>
        %dma_start3A_724 = tpu.memref_squeeze %dma_start3A_723 : memref<1x32768xf32, #tpu.memory_space<hbm>> -> memref<32768xf32, #tpu.memory_space<hbm>>
        tpu.enqueue_dma source(%dma_start3A_724 : memref<32768xf32, #tpu.memory_space<hbm>>) target(%dma_start3A_721 : memref<32768xf32, #tpu.memory_space<vmem>>) target_semaphore(%arg7 : memref<!tpu.dma_semaphore, #tpu.memory_space<semaphore_mem>>)
      } else {
      }
      %scan3A_35 = arith.constant 0 : i32
      %scan3A_36 = arith.constant 0 : i32
      %scan3A_37 = arith.constant 128 : i32
      %scan3A_38 = arith.addi %scan3A_36, %scan3A_37 : i32
      %scan3A_39 = arith.constant 1 : i32
      scf.for %scan3A_712 = %scan3A_36 to %scan3A_38 step %scan3A_39  : i32 {
        %mul3A_713 = arith.constant 256 : i32
        %mul3A_714 = arith.muli %scan3A_712, %mul3A_713 : i32
        %add3A_715 = arith.addi %mul3A_21, %mul3A_714 : i32
        %add3A_716 = arith.constant 0 : i32
        %add3A_717 = arith.addi %add3A_715, %add3A_716 : i32
        %get3A = arith.index_cast %add3A_717 : i32 to index
        %get3A_718 = tpu.vector_load %arg4[%get3A] {strides = array<i32>} : memref<65536xf32, #tpu.memory_space<vmem>>, vector<16xf32>,
        %add3A_719 = arith.constant 16 : i32
        %add3A_720 = arith.addi %add3A_717, %add3A_719 : i32
        %get3A_721 = arith.index_cast %add3A_720 : i32 to index
        %get3A_722 = tpu.vector_load %arg4[%get3A_721] {strides = array<i32>} : memref<65536xf32, #tpu.memory_space<vmem>>, vector<16xf32>,
        %max3A_723 = arith.maximumf %get3A_718, %get3A_722 : vector<16xf32>
        %add3A_724 = arith.constant 32 : i32
        %add3A_725 = arith.addi %add3A_717, %add3A_724 : i32
        %get3A_726 = arith.index_cast %add3A_725 : i32 to index
        %get3A_727 = tpu.vector_load %arg4[%get3A_726] {strides = array<i32>} : memref<65536xf32, #tpu.memory_space<vmem>>, vector<16xf32>,
        %max3A_728 = arith.maximumf %max3A_723, %get3A_727 : vector<16xf32>
        %add3A_729 = arith.constant 48 : i32
        %add3A_730 = arith.addi %add3A_717, %add3A_729 : i32
        %get3A_731 = arith.index_cast %add3A_730 : i32 to index
        %get3A_732 = tpu.vector_load %arg4[%get3A_731] {strides = array<i32>} : memref<65536xf32, #tpu.memory_space<vmem>>, vector<16xf32>,
        %max3A_733 = arith.maximumf %max3A_728, %get3A_732 : vector<16xf32>
        %add3A_734 = arith.constant 64 : i32
        %add3A_735 = arith.addi %add3A_717, %add3A_734 : i32
        %get3A_736 = arith.index_cast %add3A_735 : i32 to index
        %get3A_737 = tpu.vector_load %arg4[%get3A_736] {strides = array<i32>} : memref<65536xf32, #tpu.memory_space<vmem>>, vector<16xf32>,
        %max3A_738 = arith.maximumf %max3A_733, %get3A_737 : vector<16xf32>
        %add3A_739 = arith.constant 80 : i32
        %add3A_740 = arith.addi %add3A_717, %add3A_739 : i32
        %get3A_741 = arith.index_cast %add3A_740 : i32 to index
        %get3A_742 = tpu.vector_load %arg4[%get3A_741] {strides = array<i32>} : memref<65536xf32, #tpu.memory_space<vmem>>, vector<16xf32>,
        %max3A_743 = arith.maximumf %max3A_738, %get3A_742 : vector<16xf32>
        %add3A_744 = arith.constant 96 : i32
        %add3A_745 = arith.addi %add3A_717, %add3A_744 : i32
        %get3A_746 = arith.index_cast %add3A_745 : i32 to index
        %get3A_747 = tpu.vector_load %arg4[%get3A_746] {strides = array<i32>} : memref<65536xf32, #tpu.memory_space<vmem>>, vector<16xf32>,
        %max3A_748 = arith.maximumf %max3A_743, %get3A_747 : vector<16xf32>
        %add3A_749 = arith.constant 112 : i32
        %add3A_750 = arith.addi %add3A_717, %add3A_749 : i32
        %get3A_751 = arith.index_cast %add3A_750 : i32 to index
        %get3A_752 = tpu.vector_load %arg4[%get3A_751] {strides = array<i32>} : memref<65536xf32, #tpu.memory_space<vmem>>, vector<16xf32>,
        %max3A_753 = arith.maximumf %max3A_748, %get3A_752 : vector<16xf32>
        %mul3A_754 = arith.constant 2 : i32
        %mul3A_755 = arith.muli %mul3A_754, %scan3A_712 : i32
        %add3A_756 = arith.constant 0 : i32
        %add3A_757 = arith.addi %mul3A_755, %add3A_756 : i32
        %mul3A_758 = arith.constant 16 : i32
        %mul3A_759 = arith.muli %add3A_757, %mul3A_758 : i32
        %swap3A_760 = arith.index_cast %mul3A_759 : i32 to index
        %swap3A_761 = tpu.vector_load %arg5[%swap3A_760] {strides = array<i32>} : memref<4096xf32, #tpu.memory_space<vmem>>, vector<16xf32>,
        tpu.vector_store %arg5[%swap3A_760], %max3A_753 {strides = array<i32>} : memref<4096xf32, #tpu.memory_space<vmem>>, vector<16xf32>,
        %add3A_762 = arith.constant 128 : i32
        %add3A_763 = arith.addi %add3A_715, %add3A_762 : i32
        %get3A_764 = arith.index_cast %add3A_763 : i32 to index
        %get3A_765 = tpu.vector_load %arg4[%get3A_764] {strides = array<i32>} : memref<65536xf32, #tpu.memory_space<vmem>>, vector<16xf32>,
        %add3A_766 = arith.constant 16 : i32
        %add3A_767 = arith.addi %add3A_763, %add3A_766 : i32
        %get3A_768 = arith.index_cast %add3A_767 : i32 to index
        %get3A_769 = tpu.vector_load %arg4[%get3A_768] {strides = array<i32>} : memref<65536xf32, #tpu.memory_space<vmem>>, vector<16xf32>,
        %max3A_770 = arith.maximumf %get3A_765, %get3A_769 : vector<16xf32>
        %add3A_771 = arith.constant 32 : i32
        %add3A_772 = arith.addi %add3A_763, %add3A_771 : i32
        %get3A_773 = arith.index_cast %add3A_772 : i32 to index
        %get3A_774 = tpu.vector_load %arg4[%get3A_773] {strides = array<i32>} : memref<65536xf32, #tpu.memory_space<vmem>>, vector<16xf32>,
        %max3A_775 = arith.maximumf %max3A_770, %get3A_774 : vector<16xf32>
        %add3A_776 = arith.constant 48 : i32
        %add3A_777 = arith.addi %add3A_763, %add3A_776 : i32
        %get3A_778 = arith.index_cast %add3A_777 : i32 to index
        %get3A_779 = tpu.vector_load %arg4[%get3A_778] {strides = array<i32>} : memref<65536xf32, #tpu.memory_space<vmem>>, vector<16xf32>,
        %max3A_780 = arith.maximumf %max3A_775, %get3A_779 : vector<16xf32>
        %add3A_781 = arith.constant 64 : i32
        %add3A_782 = arith.addi %add3A_763, %add3A_781 : i32
        %get3A_783 = arith.index_cast %add3A_782 : i32 to index
        %get3A_784 = tpu.vector_load %arg4[%get3A_783] {strides = array<i32>} : memref<65536xf32, #tpu.memory_space<vmem>>, vector<16xf32>,
        %max3A_785 = arith.maximumf %max3A_780, %get3A_784 : vector<16xf32>
        %add3A_786 = arith.constant 80 : i32
        %add3A_787 = arith.addi %add3A_763, %add3A_786 : i32
        %get3A_788 = arith.index_cast %add3A_787 : i32 to index
        %get3A_789 = tpu.vector_load %arg4[%get3A_788] {strides = array<i32>} : memref<65536xf32, #tpu.memory_space<vmem>>, vector<16xf32>,
        %max3A_790 = arith.maximumf %max3A_785, %get3A_789 : vector<16xf32>
        %add3A_791 = arith.constant 96 : i32
        %add3A_792 = arith.addi %add3A_763, %add3A_791 : i32
        %get3A_793 = arith.index_cast %add3A_792 : i32 to index
        %get3A_794 = tpu.vector_load %arg4[%get3A_793] {strides = array<i32>} : memref<65536xf32, #tpu.memory_space<vmem>>, vector<16xf32>,
        %max3A_795 = arith.maximumf %max3A_790, %get3A_794 : vector<16xf32>
        %add3A_796 = arith.constant 112 : i32
        %add3A_797 = arith.addi %add3A_763, %add3A_796 : i32
        %get3A_798 = arith.index_cast %add3A_797 : i32 to index
        %get3A_799 = tpu.vector_load %arg4[%get3A_798] {strides = array<i32>} : memref<65536xf32, #tpu.memory_space<vmem>>, vector<16xf32>,
        %max3A_800 = arith.maximumf %max3A_795, %get3A_799 : vector<16xf32>
        %mul3A_801 = arith.constant 2 : i32
        %mul3A_802 = arith.muli %mul3A_801, %scan3A_712 : i32
        %add3A_803 = arith.constant 1 : i32
        %add3A_804 = arith.addi %mul3A_802, %add3A_803 : i32
        %mul3A_805 = arith.constant 16 : i32
        %mul3A_806 = arith.muli %add3A_804, %mul3A_805 : i32
        %swap3A_807 = arith.index_cast %mul3A_806 : i32 to index
        %swap3A_808 = tpu.vector_load %arg5[%swap3A_807] {strides = array<i32>} : memref<4096xf32, #tpu.memory_space<vmem>>, vector<16xf32>,
        tpu.vector_store %arg5[%swap3A_807], %max3A_800 {strides = array<i32>} : memref<4096xf32, #tpu.memory_space<vmem>>, vector<16xf32>,
      }
      %scan3A_40 = arith.constant 128 : i32
      %mul3A_41 = arith.constant 4 : i32
      %mul3A_42 = vector.broadcast %mul3A_41 : i32 to vector<16xi32>
      %mul3A_43 = arith.muli %iota3A, %mul3A_42 : vector<16xi32>
      %add3A_44 = arith.constant 0 : i32
      %add3A_45 = vector.broadcast %add3A_44 : i32 to vector<16xi32>
      %add3A_46 = arith.addi %mul3A_43, %add3A_45 : vector<16xi32>
      %broadcast_in_dim3A = arith.constant 0xFF800000 : f32
      %broadcast_in_dim3A_47 = vector.broadcast %broadcast_in_dim3A : f32 to vector<16xf32>
      %broadcast_in_dim3A_48 = arith.constant 0 : i32
      %broadcast_in_dim3A_49 = vector.broadcast %broadcast_in_dim3A_48 : i32 to vector<16xi32>
      %scan3A_50 = arith.constant 0 : i32
      %scan3A_51 = arith.constant 16 : i32
      %scan3A_52 = arith.addi %scan3A_50, %scan3A_51 : i32
      %scan3A_53 = arith.constant 1 : i32
      %scan3A_54:2 = scf.for %scan3A_712 = %scan3A_50 to %scan3A_52 step %scan3A_53 iter_args(%scan3A_713 = %broadcast_in_dim3A_47, %scan3A_714 = %broadcast_in_dim3A_49) -> (vector<16xf32>, vector<16xi32>)  : i32 {
        %mul3A_715 = arith.constant 4 : i32
        %mul3A_716 = arith.muli %mul3A_715, %scan3A_712 : i32
        %add3A_717 = arith.constant 0 : i32
        %add3A_718 = arith.addi %mul3A_716, %add3A_717 : i32
        %mul3A_719 = arith.constant 16 : i32
        %mul3A_720 = arith.muli %add3A_718, %mul3A_719 : i32
        %mul3A_721 = arith.constant 4 : i32
        %mul3A_722 = arith.muli %mul3A_721, %mul3A_720 : i32
        %add3A_723 = vector.broadcast %mul3A_722 : i32 to vector<16xi32>
        %add3A_724 = arith.addi %add3A_46, %add3A_723 : vector<16xi32>
        %gather3A_725 = tpu.vector_load_idx %arg5[%add3A_724] : memref<4096xf32, #tpu.memory_space<vmem>>[vector<16xi32>], vector<16xf32>,
        %add3A_726 = vector.broadcast %mul3A_720 : i32 to vector<16xi32>
        %add3A_727 = arith.addi %add3A_726, %iota3A : vector<16xi32>
        %masked_sort3A_728 = arith.constant dense<true> : vector<16xi1>
        %masked_sort3A_729, %masked_sort3A_730, %masked_sort3A_731 = tpu.sort %gather3A_725, %add3A_727 masked %masked_sort3A_728 {descending = true} : (vector<16xf32>, vector<16xi32>, vector<16xi1>) -> (vector<16xi1>, vector<16xf32>, vector<16xi32>)
        %mul3A_732 = arith.constant 4 : i32
        %mul3A_733 = arith.muli %mul3A_732, %scan3A_712 : i32
        %add3A_734 = arith.constant 1 : i32
        %add3A_735 = arith.addi %mul3A_733, %add3A_734 : i32
        %mul3A_736 = arith.constant 16 : i32
        %mul3A_737 = arith.muli %add3A_735, %mul3A_736 : i32
        %mul3A_738 = arith.constant 4 : i32
        %mul3A_739 = arith.muli %mul3A_738, %mul3A_737 : i32
        %add3A_740 = vector.broadcast %mul3A_739 : i32 to vector<16xi32>
        %add3A_741 = arith.addi %add3A_46, %add3A_740 : vector<16xi32>
        %gather3A_742 = tpu.vector_load_idx %arg5[%add3A_741] : memref<4096xf32, #tpu.memory_space<vmem>>[vector<16xi32>], vector<16xf32>,
        %add3A_743 = vector.broadcast %mul3A_737 : i32 to vector<16xi32>
        %add3A_744 = arith.addi %add3A_743, %iota3A : vector<16xi32>
        %masked_sort3A_745 = arith.constant dense<true> : vector<16xi1>
        %masked_sort3A_746, %masked_sort3A_747, %masked_sort3A_748 = tpu.sort %gather3A_742, %add3A_744 masked %masked_sort3A_745 {descending = true} : (vector<16xf32>, vector<16xi32>, vector<16xi1>) -> (vector<16xi1>, vector<16xf32>, vector<16xi32>)
        %mul3A_749 = arith.constant 4 : i32
        %mul3A_750 = arith.muli %mul3A_749, %scan3A_712 : i32
        %add3A_751 = arith.constant 2 : i32
        %add3A_752 = arith.addi %mul3A_750, %add3A_751 : i32
        %mul3A_753 = arith.constant 16 : i32
        %mul3A_754 = arith.muli %add3A_752, %mul3A_753 : i32
        %mul3A_755 = arith.constant 4 : i32
        %mul3A_756 = arith.muli %mul3A_755, %mul3A_754 : i32
        %add3A_757 = vector.broadcast %mul3A_756 : i32 to vector<16xi32>
        %add3A_758 = arith.addi %add3A_46, %add3A_757 : vector<16xi32>
        %gather3A_759 = tpu.vector_load_idx %arg5[%add3A_758] : memref<4096xf32, #tpu.memory_space<vmem>>[vector<16xi32>], vector<16xf32>,
        %add3A_760 = vector.broadcast %mul3A_754 : i32 to vector<16xi32>
        %add3A_761 = arith.addi %add3A_760, %iota3A : vector<16xi32>
        %masked_sort3A_762 = arith.constant dense<true> : vector<16xi1>
        %masked_sort3A_763, %masked_sort3A_764, %masked_sort3A_765 = tpu.sort %gather3A_759, %add3A_761 masked %masked_sort3A_762 {descending = true} : (vector<16xf32>, vector<16xi32>, vector<16xi1>) -> (vector<16xi1>, vector<16xf32>, vector<16xi32>)
        %mul3A_766 = arith.constant 4 : i32
        %mul3A_767 = arith.muli %mul3A_766, %scan3A_712 : i32
        %add3A_768 = arith.constant 3 : i32
        %add3A_769 = arith.addi %mul3A_767, %add3A_768 : i32
        %mul3A_770 = arith.constant 16 : i32
        %mul3A_771 = arith.muli %add3A_769, %mul3A_770 : i32
        %mul3A_772 = arith.constant 4 : i32
        %mul3A_773 = arith.muli %mul3A_772, %mul3A_771 : i32
        %add3A_774 = vector.broadcast %mul3A_773 : i32 to vector<16xi32>
        %add3A_775 = arith.addi %add3A_46, %add3A_774 : vector<16xi32>
        %gather3A_776 = tpu.vector_load_idx %arg5[%add3A_775] : memref<4096xf32, #tpu.memory_space<vmem>>[vector<16xi32>], vector<16xf32>,
        %add3A_777 = vector.broadcast %mul3A_771 : i32 to vector<16xi32>
        %add3A_778 = arith.addi %add3A_777, %iota3A : vector<16xi32>
        %masked_sort3A_779 = arith.constant dense<true> : vector<16xi1>
        %masked_sort3A_780, %masked_sort3A_781, %masked_sort3A_782 = tpu.sort %gather3A_776, %add3A_778 masked %masked_sort3A_779 {descending = true} : (vector<16xf32>, vector<16xi32>, vector<16xi1>) -> (vector<16xi1>, vector<16xf32>, vector<16xi32>)
        %rev3A_783 = arith.constant 15 : i32
        %rev3A_784 = vector.broadcast %rev3A_783 : i32 to vector<16xi32>
        %rev3A_785 = tpu.iota {dimensions = array<i32: 0>} : vector<16xi32>
        %rev3A_786 = arith.subi %rev3A_784, %rev3A_785 : vector<16xi32>
        %rev3A_787 = tpu.dynamic_gather %masked_sort3A_747[%rev3A_786] in [0] : vector<16xf32>, vector<16xi32> -> vector<16xf32>
        %rev3A_788 = arith.constant 15 : i32
        %rev3A_789 = vector.broadcast %rev3A_788 : i32 to vector<16xi32>
        %rev3A_790 = tpu.iota {dimensions = array<i32: 0>} : vector<16xi32>
        %rev3A_791 = arith.subi %rev3A_789, %rev3A_790 : vector<16xi32>
        %rev3A_792 = tpu.dynamic_gather %masked_sort3A_748[%rev3A_791] in [0] : vector<16xi32>, vector<16xi32> -> vector<16xi32>
        %ge3A = arith.cmpf oge, %masked_sort3A_730, %rev3A_787 : vector<16xf32>
        %select_n3A = arith.select %ge3A, %masked_sort3A_730, %rev3A_787 : vector<16xi1>, vector<16xf32>
        %select_n3A_793 = arith.select %ge3A, %masked_sort3A_731, %rev3A_792 : vector<16xi1>, vector<16xi32>
        %masked_sort3A_794 = arith.constant dense<true> : vector<16xi1>
        %masked_sort3A_795, %masked_sort3A_796, %masked_sort3A_797 = tpu.sort %select_n3A, %select_n3A_793 masked %masked_sort3A_794 {descending = true} : (vector<16xf32>, vector<16xi32>, vector<16xi1>) -> (vector<16xi1>, vector<16xf32>, vector<16xi32>)
        %rev3A_798 = arith.constant 15 : i32
        %rev3A_799 = vector.broadcast %rev3A_798 : i32 to vector<16xi32>
        %rev3A_800 = tpu.iota {dimensions = array<i32: 0>} : vector<16xi32>
        %rev3A_801 = arith.subi %rev3A_799, %rev3A_800 : vector<16xi32>
        %rev3A_802 = tpu.dynamic_gather %masked_sort3A_781[%rev3A_801] in [0] : vector<16xf32>, vector<16xi32> -> vector<16xf32>
        %rev3A_803 = arith.constant 15 : i32
        %rev3A_804 = vector.broadcast %rev3A_803 : i32 to vector<16xi32>
        %rev3A_805 = tpu.iota {dimensions = array<i32: 0>} : vector<16xi32>
        %rev3A_806 = arith.subi %rev3A_804, %rev3A_805 : vector<16xi32>
        %rev3A_807 = tpu.dynamic_gather %masked_sort3A_782[%rev3A_806] in [0] : vector<16xi32>, vector<16xi32> -> vector<16xi32>
        %ge3A_808 = arith.cmpf oge, %masked_sort3A_764, %rev3A_802 : vector<16xf32>
        %select_n3A_809 = arith.select %ge3A_808, %masked_sort3A_764, %rev3A_802 : vector<16xi1>, vector<16xf32>
        %select_n3A_810 = arith.select %ge3A_808, %masked_sort3A_765, %rev3A_807 : vector<16xi1>, vector<16xi32>
        %masked_sort3A_811 = arith.constant dense<true> : vector<16xi1>
        %masked_sort3A_812, %masked_sort3A_813, %masked_sort3A_814 = tpu.sort %select_n3A_809, %select_n3A_810 masked %masked_sort3A_811 {descending = true} : (vector<16xf32>, vector<16xi32>, vector<16xi1>) -> (vector<16xi1>, vector<16xf32>, vector<16xi32>)
        %rev3A_815 = arith.constant 15 : i32
        %rev3A_816 = vector.broadcast %rev3A_815 : i32 to vector<16xi32>
        %rev3A_817 = tpu.iota {dimensions = array<i32: 0>} : vector<16xi32>
        %rev3A_818 = arith.subi %rev3A_816, %rev3A_817 : vector<16xi32>
        %rev3A_819 = tpu.dynamic_gather %masked_sort3A_813[%rev3A_818] in [0] : vector<16xf32>, vector<16xi32> -> vector<16xf32>
        %rev3A_820 = arith.constant 15 : i32
        %rev3A_821 = vector.broadcast %rev3A_820 : i32 to vector<16xi32>
        %rev3A_822 = tpu.iota {dimensions = array<i32: 0>} : vector<16xi32>
        %rev3A_823 = arith.subi %rev3A_821, %rev3A_822 : vector<16xi32>
        %rev3A_824 = tpu.dynamic_gather %masked_sort3A_814[%rev3A_823] in [0] : vector<16xi32>, vector<16xi32> -> vector<16xi32>
        %ge3A_825 = arith.cmpf oge, %masked_sort3A_796, %rev3A_819 : vector<16xf32>
        %select_n3A_826 = arith.select %ge3A_825, %masked_sort3A_796, %rev3A_819 : vector<16xi1>, vector<16xf32>
        %select_n3A_827 = arith.select %ge3A_825, %masked_sort3A_797, %rev3A_824 : vector<16xi1>, vector<16xi32>
        %masked_sort3A_828 = arith.constant dense<true> : vector<16xi1>
        %masked_sort3A_829, %masked_sort3A_830, %masked_sort3A_831 = tpu.sort %select_n3A_826, %select_n3A_827 masked %masked_sort3A_828 {descending = true} : (vector<16xf32>, vector<16xi32>, vector<16xi1>) -> (vector<16xi1>, vector<16xf32>, vector<16xi32>)
        %rev3A_832 = arith.constant 15 : i32
        %rev3A_833 = vector.broadcast %rev3A_832 : i32 to vector<16xi32>
        %rev3A_834 = tpu.iota {dimensions = array<i32: 0>} : vector<16xi32>
        %rev3A_835 = arith.subi %rev3A_833, %rev3A_834 : vector<16xi32>
        %rev3A_836 = tpu.dynamic_gather %masked_sort3A_830[%rev3A_835] in [0] : vector<16xf32>, vector<16xi32> -> vector<16xf32>
        %rev3A_837 = arith.constant 15 : i32
        %rev3A_838 = vector.broadcast %rev3A_837 : i32 to vector<16xi32>
        %rev3A_839 = tpu.iota {dimensions = array<i32: 0>} : vector<16xi32>
        %rev3A_840 = arith.subi %rev3A_838, %rev3A_839 : vector<16xi32>
        %rev3A_841 = tpu.dynamic_gather %masked_sort3A_831[%rev3A_840] in [0] : vector<16xi32>, vector<16xi32> -> vector<16xi32>
        %ge3A_842 = arith.cmpf oge, %scan3A_713, %rev3A_836 : vector<16xf32>
        %select_n3A_843 = arith.select %ge3A_842, %scan3A_713, %rev3A_836 : vector<16xi1>, vector<16xf32>
        %select_n3A_844 = arith.select %ge3A_842, %scan3A_714, %rev3A_841 : vector<16xi1>, vector<16xi32>
        %masked_sort3A_845 = arith.constant dense<true> : vector<16xi1>
        %masked_sort3A_846, %masked_sort3A_847, %masked_sort3A_848 = tpu.sort %select_n3A_843, %select_n3A_844 masked %masked_sort3A_845 {descending = true} : (vector<16xf32>, vector<16xi32>, vector<16xi1>) -> (vector<16xi1>, vector<16xf32>, vector<16xi32>)
        scf.yield %masked_sort3A_847, %masked_sort3A_848 : vector<16xf32>, vector<16xi32>
      }
      %scan3A_55 = arith.constant 16 : i32
      %shift_right_arithmetic3A = arith.constant 2 : i32
      %shift_right_arithmetic3A_56 = vector.broadcast %shift_right_arithmetic3A : i32 to vector<16xi32>
      %shift_right_arithmetic3A_57 = arith.shrsi %scan3A_54#1, %shift_right_arithmetic3A_56 : vector<16xi32>
      %shift_left3A = arith.constant 7 : i32
      %shift_left3A_58 = vector.broadcast %shift_left3A : i32 to vector<16xi32>
      %shift_left3A_59 = arith.shli %shift_right_arithmetic3A_57, %shift_left3A_58 : vector<16xi32>
      %add3A_60 = vector.broadcast %mul3A_21 : i32 to vector<16xi32>
      %add3A_61 = arith.addi %add3A_60, %shift_left3A_59 : vector<16xi32>
      %and3A = arith.constant 3 : i32
      %and3A_62 = vector.broadcast %and3A : i32 to vector<16xi32>
      %and3A_63 = arith.andi %scan3A_54#1, %and3A_62 : vector<16xi32>
      %shift_left3A_64 = arith.constant 2 : i32
      %shift_left3A_65 = vector.broadcast %shift_left3A_64 : i32 to vector<16xi32>
      %shift_left3A_66 = arith.shli %and3A_63, %shift_left3A_65 : vector<16xi32>
      %add3A_67 = arith.addi %add3A_61, %shift_left3A_66 : vector<16xi32>
      %add3A_68 = arith.constant 0 : i32
      %add3A_69 = vector.broadcast %add3A_68 : i32 to vector<16xi32>
      %add3A_70 = arith.addi %add3A_67, %add3A_69 : vector<16xi32>
      %add3A_71 = arith.constant 0 : i32
      %add3A_72 = vector.broadcast %add3A_71 : i32 to vector<16xi32>
      %add3A_73 = arith.addi %add3A_70, %add3A_72 : vector<16xi32>
      %gather3A = tpu.vector_load_idx %arg4[%add3A_73] : memref<65536xf32, #tpu.memory_space<vmem>>[vector<16xi32>], vector<16xf32>,
      %masked_sort3A = arith.constant dense<true> : vector<16xi1>
      %masked_sort3A_74, %masked_sort3A_75, %masked_sort3A_76 = tpu.sort %gather3A, %gather3A masked %masked_sort3A {descending = true} : (vector<16xf32>, vector<16xf32>, vector<16xi1>) -> (vector<16xi1>, vector<16xf32>, vector<16xf32>)
      %add3A_77 = arith.constant 16 : i32
      %add3A_78 = vector.broadcast %add3A_77 : i32 to vector<16xi32>
      %add3A_79 = arith.addi %add3A_70, %add3A_78 : vector<16xi32>
      %gather3A_80 = tpu.vector_load_idx %arg4[%add3A_79] : memref<65536xf32, #tpu.memory_space<vmem>>[vector<16xi32>], vector<16xf32>,
      %masked_sort3A_81 = arith.constant dense<true> : vector<16xi1>
      %masked_sort3A_82, %masked_sort3A_83, %masked_sort3A_84 = tpu.sort %gather3A_80, %gather3A_80 masked %masked_sort3A_81 {descending = true} : (vector<16xf32>, vector<16xf32>, vector<16xi1>) -> (vector<16xi1>, vector<16xf32>, vector<16xf32>)
      %add3A_85 = arith.constant 32 : i32
      %add3A_86 = vector.broadcast %add3A_85 : i32 to vector<16xi32>
      %add3A_87 = arith.addi %add3A_70, %add3A_86 : vector<16xi32>
      %gather3A_88 = tpu.vector_load_idx %arg4[%add3A_87] : memref<65536xf32, #tpu.memory_space<vmem>>[vector<16xi32>], vector<16xf32>,
      %masked_sort3A_89 = arith.constant dense<true> : vector<16xi1>
      %masked_sort3A_90, %masked_sort3A_91, %masked_sort3A_92 = tpu.sort %gather3A_88, %gather3A_88 masked %masked_sort3A_89 {descending = true} : (vector<16xf32>, vector<16xf32>, vector<16xi1>) -> (vector<16xi1>, vector<16xf32>, vector<16xf32>)
      %add3A_93 = arith.constant 48 : i32
      %add3A_94 = vector.broadcast %add3A_93 : i32 to vector<16xi32>
      %add3A_95 = arith.addi %add3A_70, %add3A_94 : vector<16xi32>
      %gather3A_96 = tpu.vector_load_idx %arg4[%add3A_95] : memref<65536xf32, #tpu.memory_space<vmem>>[vector<16xi32>], vector<16xf32>,
      %masked_sort3A_97 = arith.constant dense<true> : vector<16xi1>
      %masked_sort3A_98, %masked_sort3A_99, %masked_sort3A_100 = tpu.sort %gather3A_96, %gather3A_96 masked %masked_sort3A_97 {descending = true} : (vector<16xf32>, vector<16xf32>, vector<16xi1>) -> (vector<16xi1>, vector<16xf32>, vector<16xf32>)
      %add3A_101 = arith.constant 64 : i32
      %add3A_102 = vector.broadcast %add3A_101 : i32 to vector<16xi32>
      %add3A_103 = arith.addi %add3A_70, %add3A_102 : vector<16xi32>
      %gather3A_104 = tpu.vector_load_idx %arg4[%add3A_103] : memref<65536xf32, #tpu.memory_space<vmem>>[vector<16xi32>], vector<16xf32>,
      %masked_sort3A_105 = arith.constant dense<true> : vector<16xi1>
      %masked_sort3A_106, %masked_sort3A_107, %masked_sort3A_108 = tpu.sort %gather3A_104, %gather3A_104 masked %masked_sort3A_105 {descending = true} : (vector<16xf32>, vector<16xf32>, vector<16xi1>) -> (vector<16xi1>, vector<16xf32>, vector<16xf32>)
      %add3A_109 = arith.constant 80 : i32
      %add3A_110 = vector.broadcast %add3A_109 : i32 to vector<16xi32>
      %add3A_111 = arith.addi %add3A_70, %add3A_110 : vector<16xi32>
      %gather3A_112 = tpu.vector_load_idx %arg4[%add3A_111] : memref<65536xf32, #tpu.memory_space<vmem>>[vector<16xi32>], vector<16xf32>,
      %masked_sort3A_113 = arith.constant dense<true> : vector<16xi1>
      %masked_sort3A_114, %masked_sort3A_115, %masked_sort3A_116 = tpu.sort %gather3A_112, %gather3A_112 masked %masked_sort3A_113 {descending = true} : (vector<16xf32>, vector<16xf32>, vector<16xi1>) -> (vector<16xi1>, vector<16xf32>, vector<16xf32>)
      %add3A_117 = arith.constant 96 : i32
      %add3A_118 = vector.broadcast %add3A_117 : i32 to vector<16xi32>
      %add3A_119 = arith.addi %add3A_70, %add3A_118 : vector<16xi32>
      %gather3A_120 = tpu.vector_load_idx %arg4[%add3A_119] : memref<65536xf32, #tpu.memory_space<vmem>>[vector<16xi32>], vector<16xf32>,
      %masked_sort3A_121 = arith.constant dense<true> : vector<16xi1>
      %masked_sort3A_122, %masked_sort3A_123, %masked_sort3A_124 = tpu.sort %gather3A_120, %gather3A_120 masked %masked_sort3A_121 {descending = true} : (vector<16xf32>, vector<16xf32>, vector<16xi1>) -> (vector<16xi1>, vector<16xf32>, vector<16xf32>)
      %add3A_125 = arith.constant 112 : i32
      %add3A_126 = vector.broadcast %add3A_125 : i32 to vector<16xi32>
      %add3A_127 = arith.addi %add3A_70, %add3A_126 : vector<16xi32>
      %gather3A_128 = tpu.vector_load_idx %arg4[%add3A_127] : memref<65536xf32, #tpu.memory_space<vmem>>[vector<16xi32>], vector<16xf32>,
      %masked_sort3A_129 = arith.constant dense<true> : vector<16xi1>
      %masked_sort3A_130, %masked_sort3A_131, %masked_sort3A_132 = tpu.sort %gather3A_128, %gather3A_128 masked %masked_sort3A_129 {descending = true} : (vector<16xf32>, vector<16xf32>, vector<16xi1>) -> (vector<16xi1>, vector<16xf32>, vector<16xf32>)
      %rev3A = arith.constant 15 : i32
      %rev3A_133 = vector.broadcast %rev3A : i32 to vector<16xi32>
      %rev3A_134 = tpu.iota {dimensions = array<i32: 0>} : vector<16xi32>
      %rev3A_135 = arith.subi %rev3A_133, %rev3A_134 : vector<16xi32>
      %rev3A_136 = tpu.dynamic_gather %masked_sort3A_83[%rev3A_135] in [0] : vector<16xf32>, vector<16xi32> -> vector<16xf32>
      %max3A = arith.maximumf %masked_sort3A_75, %rev3A_136 : vector<16xf32>
      %masked_sort3A_137 = arith.constant dense<true> : vector<16xi1>
      %masked_sort3A_138, %masked_sort3A_139, %masked_sort3A_140 = tpu.sort %max3A, %max3A masked %masked_sort3A_137 {descending = true} : (vector<16xf32>, vector<16xf32>, vector<16xi1>) -> (vector<16xi1>, vector<16xf32>, vector<16xf32>)
      %rev3A_141 = arith.constant 15 : i32
      %rev3A_142 = vector.broadcast %rev3A_141 : i32 to vector<16xi32>
      %rev3A_143 = tpu.iota {dimensions = array<i32: 0>} : vector<16xi32>
      %rev3A_144 = arith.subi %rev3A_142, %rev3A_143 : vector<16xi32>
      %rev3A_145 = tpu.dynamic_gather %masked_sort3A_99[%rev3A_144] in [0] : vector<16xf32>, vector<16xi32> -> vector<16xf32>
      %max3A_146 = arith.maximumf %masked_sort3A_91, %rev3A_145 : vector<16xf32>
      %masked_sort3A_147 = arith.constant dense<true> : vector<16xi1>
      %masked_sort3A_148, %masked_sort3A_149, %masked_sort3A_150 = tpu.sort %max3A_146, %max3A_146 masked %masked_sort3A_147 {descending = true} : (vector<16xf32>, vector<16xf32>, vector<16xi1>) -> (vector<16xi1>, vector<16xf32>, vector<16xf32>)
      %rev3A_151 = arith.constant 15 : i32
      %rev3A_152 = vector.broadcast %rev3A_151 : i32 to vector<16xi32>
      %rev3A_153 = tpu.iota {dimensions = array<i32: 0>} : vector<16xi32>
      %rev3A_154 = arith.subi %rev3A_152, %rev3A_153 : vector<16xi32>
      %rev3A_155 = tpu.dynamic_gather %masked_sort3A_115[%rev3A_154] in [0] : vector<16xf32>, vector<16xi32> -> vector<16xf32>
      %max3A_156 = arith.maximumf %masked_sort3A_107, %rev3A_155 : vector<16xf32>
      %masked_sort3A_157 = arith.constant dense<true> : vector<16xi1>
      %masked_sort3A_158, %masked_sort3A_159, %masked_sort3A_160 = tpu.sort %max3A_156, %max3A_156 masked %masked_sort3A_157 {descending = true} : (vector<16xf32>, vector<16xf32>, vector<16xi1>) -> (vector<16xi1>, vector<16xf32>, vector<16xf32>)
      %rev3A_161 = arith.constant 15 : i32
      %rev3A_162 = vector.broadcast %rev3A_161 : i32 to vector<16xi32>
      %rev3A_163 = tpu.iota {dimensions = array<i32: 0>} : vector<16xi32>
      %rev3A_164 = arith.subi %rev3A_162, %rev3A_163 : vector<16xi32>
      %rev3A_165 = tpu.dynamic_gather %masked_sort3A_131[%rev3A_164] in [0] : vector<16xf32>, vector<16xi32> -> vector<16xf32>
      %max3A_166 = arith.maximumf %masked_sort3A_123, %rev3A_165 : vector<16xf32>
      %masked_sort3A_167 = arith.constant dense<true> : vector<16xi1>
      %masked_sort3A_168, %masked_sort3A_169, %masked_sort3A_170 = tpu.sort %max3A_166, %max3A_166 masked %masked_sort3A_167 {descending = true} : (vector<16xf32>, vector<16xf32>, vector<16xi1>) -> (vector<16xi1>, vector<16xf32>, vector<16xf32>)
      %rev3A_171 = arith.constant 15 : i32
      %rev3A_172 = vector.broadcast %rev3A_171 : i32 to vector<16xi32>
      %rev3A_173 = tpu.iota {dimensions = array<i32: 0>} : vector<16xi32>
      %rev3A_174 = arith.subi %rev3A_172, %rev3A_173 : vector<16xi32>
      %rev3A_175 = tpu.dynamic_gather %masked_sort3A_149[%rev3A_174] in [0] : vector<16xf32>, vector<16xi32> -> vector<16xf32>
      %max3A_176 = arith.maximumf %masked_sort3A_139, %rev3A_175 : vector<16xf32>
      %masked_sort3A_177 = arith.constant dense<true> : vector<16xi1>
      %masked_sort3A_178, %masked_sort3A_179, %masked_sort3A_180 = tpu.sort %max3A_176, %max3A_176 masked %masked_sort3A_177 {descending = true} : (vector<16xf32>, vector<16xf32>, vector<16xi1>) -> (vector<16xi1>, vector<16xf32>, vector<16xf32>)
      %rev3A_181 = arith.constant 15 : i32
      %rev3A_182 = vector.broadcast %rev3A_181 : i32 to vector<16xi32>
      %rev3A_183 = tpu.iota {dimensions = array<i32: 0>} : vector<16xi32>
      %rev3A_184 = arith.subi %rev3A_182, %rev3A_183 : vector<16xi32>
      %rev3A_185 = tpu.dynamic_gather %masked_sort3A_169[%rev3A_184] in [0] : vector<16xf32>, vector<16xi32> -> vector<16xf32>
      %max3A_186 = arith.maximumf %masked_sort3A_159, %rev3A_185 : vector<16xf32>
      %masked_sort3A_187 = arith.constant dense<true> : vector<16xi1>
      %masked_sort3A_188, %masked_sort3A_189, %masked_sort3A_190 = tpu.sort %max3A_186, %max3A_186 masked %masked_sort3A_187 {descending = true} : (vector<16xf32>, vector<16xf32>, vector<16xi1>) -> (vector<16xi1>, vector<16xf32>, vector<16xf32>)
      %rev3A_191 = arith.constant 15 : i32
      %rev3A_192 = vector.broadcast %rev3A_191 : i32 to vector<16xi32>
      %rev3A_193 = tpu.iota {dimensions = array<i32: 0>} : vector<16xi32>
      %rev3A_194 = arith.subi %rev3A_192, %rev3A_193 : vector<16xi32>
      %rev3A_195 = tpu.dynamic_gather %masked_sort3A_189[%rev3A_194] in [0] : vector<16xf32>, vector<16xi32> -> vector<16xf32>
      %max3A_196 = arith.maximumf %masked_sort3A_179, %rev3A_195 : vector<16xf32>
      %masked_sort3A_197 = arith.constant dense<true> : vector<16xi1>
      %masked_sort3A_198, %masked_sort3A_199, %masked_sort3A_200 = tpu.sort %max3A_196, %max3A_196 masked %masked_sort3A_197 {descending = true} : (vector<16xf32>, vector<16xf32>, vector<16xi1>) -> (vector<16xi1>, vector<16xf32>, vector<16xf32>)
      %swap3A = arith.constant 0 : index
      %swap3A_201 = tpu.vector_load %arg6[%swap3A] {strides = array<i32>} : memref<64xf32, #tpu.memory_space<vmem>>, vector<16xf32>,
      tpu.vector_store %arg6[%swap3A], %masked_sort3A_199 {strides = array<i32>} : memref<64xf32, #tpu.memory_space<vmem>>, vector<16xf32>,
      %mul3A_202 = arith.constant 4 : i32
      %mul3A_203 = vector.broadcast %mul3A_202 : i32 to vector<16xi32>
      %mul3A_204 = arith.muli %iota3A, %mul3A_203 : vector<16xi32>
      %add3A_205 = arith.constant 1 : i32
      %add3A_206 = vector.broadcast %add3A_205 : i32 to vector<16xi32>
      %add3A_207 = arith.addi %mul3A_204, %add3A_206 : vector<16xi32>
      %broadcast_in_dim3A_208 = arith.constant 0xFF800000 : f32
      %broadcast_in_dim3A_209 = vector.broadcast %broadcast_in_dim3A_208 : f32 to vector<16xf32>
      %broadcast_in_dim3A_210 = arith.constant 0 : i32
      %broadcast_in_dim3A_211 = vector.broadcast %broadcast_in_dim3A_210 : i32 to vector<16xi32>
      %scan3A_212 = arith.constant 0 : i32
      %scan3A_213 = arith.constant 16 : i32
      %scan3A_214 = arith.addi %scan3A_212, %scan3A_213 : i32
      %scan3A_215 = arith.constant 1 : i32
      %scan3A_216:2 = scf.for %scan3A_712 = %scan3A_212 to %scan3A_214 step %scan3A_215 iter_args(%scan3A_713 = %broadcast_in_dim3A_209, %scan3A_714 = %broadcast_in_dim3A_211) -> (vector<16xf32>, vector<16xi32>)  : i32 {
        %mul3A_715 = arith.constant 4 : i32
        %mul3A_716 = arith.muli %mul3A_715, %scan3A_712 : i32
        %add3A_717 = arith.constant 0 : i32
        %add3A_718 = arith.addi %mul3A_716, %add3A_717 : i32
        %mul3A_719 = arith.constant 16 : i32
        %mul3A_720 = arith.muli %add3A_718, %mul3A_719 : i32
        %mul3A_721 = arith.constant 4 : i32
        %mul3A_722 = arith.muli %mul3A_721, %mul3A_720 : i32
        %add3A_723 = vector.broadcast %mul3A_722 : i32 to vector<16xi32>
        %add3A_724 = arith.addi %add3A_207, %add3A_723 : vector<16xi32>
        %gather3A_725 = tpu.vector_load_idx %arg5[%add3A_724] : memref<4096xf32, #tpu.memory_space<vmem>>[vector<16xi32>], vector<16xf32>,
        %add3A_726 = vector.broadcast %mul3A_720 : i32 to vector<16xi32>
        %add3A_727 = arith.addi %add3A_726, %iota3A : vector<16xi32>
        %masked_sort3A_728 = arith.constant dense<true> : vector<16xi1>
        %masked_sort3A_729, %masked_sort3A_730, %masked_sort3A_731 = tpu.sort %gather3A_725, %add3A_727 masked %masked_sort3A_728 {descending = true} : (vector<16xf32>, vector<16xi32>, vector<16xi1>) -> (vector<16xi1>, vector<16xf32>, vector<16xi32>)
        %mul3A_732 = arith.constant 4 : i32
        %mul3A_733 = arith.muli %mul3A_732, %scan3A_712 : i32
        %add3A_734 = arith.constant 1 : i32
        %add3A_735 = arith.addi %mul3A_733, %add3A_734 : i32
        %mul3A_736 = arith.constant 16 : i32
        %mul3A_737 = arith.muli %add3A_735, %mul3A_736 : i32
        %mul3A_738 = arith.constant 4 : i32
        %mul3A_739 = arith.muli %mul3A_738, %mul3A_737 : i32
        %add3A_740 = vector.broadcast %mul3A_739 : i32 to vector<16xi32>
        %add3A_741 = arith.addi %add3A_207, %add3A_740 : vector<16xi32>
        %gather3A_742 = tpu.vector_load_idx %arg5[%add3A_741] : memref<4096xf32, #tpu.memory_space<vmem>>[vector<16xi32>], vector<16xf32>,
        %add3A_743 = vector.broadcast %mul3A_737 : i32 to vector<16xi32>
        %add3A_744 = arith.addi %add3A_743, %iota3A : vector<16xi32>
        %masked_sort3A_745 = arith.constant dense<true> : vector<16xi1>
        %masked_sort3A_746, %masked_sort3A_747, %masked_sort3A_748 = tpu.sort %gather3A_742, %add3A_744 masked %masked_sort3A_745 {descending = true} : (vector<16xf32>, vector<16xi32>, vector<16xi1>) -> (vector<16xi1>, vector<16xf32>, vector<16xi32>)
        %mul3A_749 = arith.constant 4 : i32
        %mul3A_750 = arith.muli %mul3A_749, %scan3A_712 : i32
        %add3A_751 = arith.constant 2 : i32
        %add3A_752 = arith.addi %mul3A_750, %add3A_751 : i32
        %mul3A_753 = arith.constant 16 : i32
        %mul3A_754 = arith.muli %add3A_752, %mul3A_753 : i32
        %mul3A_755 = arith.constant 4 : i32
        %mul3A_756 = arith.muli %mul3A_755, %mul3A_754 : i32
        %add3A_757 = vector.broadcast %mul3A_756 : i32 to vector<16xi32>
        %add3A_758 = arith.addi %add3A_207, %add3A_757 : vector<16xi32>
        %gather3A_759 = tpu.vector_load_idx %arg5[%add3A_758] : memref<4096xf32, #tpu.memory_space<vmem>>[vector<16xi32>], vector<16xf32>,
        %add3A_760 = vector.broadcast %mul3A_754 : i32 to vector<16xi32>
        %add3A_761 = arith.addi %add3A_760, %iota3A : vector<16xi32>
        %masked_sort3A_762 = arith.constant dense<true> : vector<16xi1>
        %masked_sort3A_763, %masked_sort3A_764, %masked_sort3A_765 = tpu.sort %gather3A_759, %add3A_761 masked %masked_sort3A_762 {descending = true} : (vector<16xf32>, vector<16xi32>, vector<16xi1>) -> (vector<16xi1>, vector<16xf32>, vector<16xi32>)
        %mul3A_766 = arith.constant 4 : i32
        %mul3A_767 = arith.muli %mul3A_766, %scan3A_712 : i32
        %add3A_768 = arith.constant 3 : i32
        %add3A_769 = arith.addi %mul3A_767, %add3A_768 : i32
        %mul3A_770 = arith.constant 16 : i32
        %mul3A_771 = arith.muli %add3A_769, %mul3A_770 : i32
        %mul3A_772 = arith.constant 4 : i32
        %mul3A_773 = arith.muli %mul3A_772, %mul3A_771 : i32
        %add3A_774 = vector.broadcast %mul3A_773 : i32 to vector<16xi32>
        %add3A_775 = arith.addi %add3A_207, %add3A_774 : vector<16xi32>
        %gather3A_776 = tpu.vector_load_idx %arg5[%add3A_775] : memref<4096xf32, #tpu.memory_space<vmem>>[vector<16xi32>], vector<16xf32>,
        %add3A_777 = vector.broadcast %mul3A_771 : i32 to vector<16xi32>
        %add3A_778 = arith.addi %add3A_777, %iota3A : vector<16xi32>
        %masked_sort3A_779 = arith.constant dense<true> : vector<16xi1>
        %masked_sort3A_780, %masked_sort3A_781, %masked_sort3A_782 = tpu.sort %gather3A_776, %add3A_778 masked %masked_sort3A_779 {descending = true} : (vector<16xf32>, vector<16xi32>, vector<16xi1>) -> (vector<16xi1>, vector<16xf32>, vector<16xi32>)
        %rev3A_783 = arith.constant 15 : i32
        %rev3A_784 = vector.broadcast %rev3A_783 : i32 to vector<16xi32>
        %rev3A_785 = tpu.iota {dimensions = array<i32: 0>} : vector<16xi32>
        %rev3A_786 = arith.subi %rev3A_784, %rev3A_785 : vector<16xi32>
        %rev3A_787 = tpu.dynamic_gather %masked_sort3A_747[%rev3A_786] in [0] : vector<16xf32>, vector<16xi32> -> vector<16xf32>
        %rev3A_788 = arith.constant 15 : i32
        %rev3A_789 = vector.broadcast %rev3A_788 : i32 to vector<16xi32>
        %rev3A_790 = tpu.iota {dimensions = array<i32: 0>} : vector<16xi32>
        %rev3A_791 = arith.subi %rev3A_789, %rev3A_790 : vector<16xi32>
        %rev3A_792 = tpu.dynamic_gather %masked_sort3A_748[%rev3A_791] in [0] : vector<16xi32>, vector<16xi32> -> vector<16xi32>
        %ge3A = arith.cmpf oge, %masked_sort3A_730, %rev3A_787 : vector<16xf32>
        %select_n3A = arith.select %ge3A, %masked_sort3A_730, %rev3A_787 : vector<16xi1>, vector<16xf32>
        %select_n3A_793 = arith.select %ge3A, %masked_sort3A_731, %rev3A_792 : vector<16xi1>, vector<16xi32>
        %masked_sort3A_794 = arith.constant dense<true> : vector<16xi1>
        %masked_sort3A_795, %masked_sort3A_796, %masked_sort3A_797 = tpu.sort %select_n3A, %select_n3A_793 masked %masked_sort3A_794 {descending = true} : (vector<16xf32>, vector<16xi32>, vector<16xi1>) -> (vector<16xi1>, vector<16xf32>, vector<16xi32>)
        %rev3A_798 = arith.constant 15 : i32
        %rev3A_799 = vector.broadcast %rev3A_798 : i32 to vector<16xi32>
        %rev3A_800 = tpu.iota {dimensions = array<i32: 0>} : vector<16xi32>
        %rev3A_801 = arith.subi %rev3A_799, %rev3A_800 : vector<16xi32>
        %rev3A_802 = tpu.dynamic_gather %masked_sort3A_781[%rev3A_801] in [0] : vector<16xf32>, vector<16xi32> -> vector<16xf32>
        %rev3A_803 = arith.constant 15 : i32
        %rev3A_804 = vector.broadcast %rev3A_803 : i32 to vector<16xi32>
        %rev3A_805 = tpu.iota {dimensions = array<i32: 0>} : vector<16xi32>
        %rev3A_806 = arith.subi %rev3A_804, %rev3A_805 : vector<16xi32>
        %rev3A_807 = tpu.dynamic_gather %masked_sort3A_782[%rev3A_806] in [0] : vector<16xi32>, vector<16xi32> -> vector<16xi32>
        %ge3A_808 = arith.cmpf oge, %masked_sort3A_764, %rev3A_802 : vector<16xf32>
        %select_n3A_809 = arith.select %ge3A_808, %masked_sort3A_764, %rev3A_802 : vector<16xi1>, vector<16xf32>
        %select_n3A_810 = arith.select %ge3A_808, %masked_sort3A_765, %rev3A_807 : vector<16xi1>, vector<16xi32>
        %masked_sort3A_811 = arith.constant dense<true> : vector<16xi1>
        %masked_sort3A_812, %masked_sort3A_813, %masked_sort3A_814 = tpu.sort %select_n3A_809, %select_n3A_810 masked %masked_sort3A_811 {descending = true} : (vector<16xf32>, vector<16xi32>, vector<16xi1>) -> (vector<16xi1>, vector<16xf32>, vector<16xi32>)
        %rev3A_815 = arith.constant 15 : i32
        %rev3A_816 = vector.broadcast %rev3A_815 : i32 to vector<16xi32>
        %rev3A_817 = tpu.iota {dimensions = array<i32: 0>} : vector<16xi32>
        %rev3A_818 = arith.subi %rev3A_816, %rev3A_817 : vector<16xi32>
        %rev3A_819 = tpu.dynamic_gather %masked_sort3A_813[%rev3A_818] in [0] : vector<16xf32>, vector<16xi32> -> vector<16xf32>
        %rev3A_820 = arith.constant 15 : i32
        %rev3A_821 = vector.broadcast %rev3A_820 : i32 to vector<16xi32>
        %rev3A_822 = tpu.iota {dimensions = array<i32: 0>} : vector<16xi32>
        %rev3A_823 = arith.subi %rev3A_821, %rev3A_822 : vector<16xi32>
        %rev3A_824 = tpu.dynamic_gather %masked_sort3A_814[%rev3A_823] in [0] : vector<16xi32>, vector<16xi32> -> vector<16xi32>
        %ge3A_825 = arith.cmpf oge, %masked_sort3A_796, %rev3A_819 : vector<16xf32>
        %select_n3A_826 = arith.select %ge3A_825, %masked_sort3A_796, %rev3A_819 : vector<16xi1>, vector<16xf32>
        %select_n3A_827 = arith.select %ge3A_825, %masked_sort3A_797, %rev3A_824 : vector<16xi1>, vector<16xi32>
        %masked_sort3A_828 = arith.constant dense<true> : vector<16xi1>
        %masked_sort3A_829, %masked_sort3A_830, %masked_sort3A_831 = tpu.sort %select_n3A_826, %select_n3A_827 masked %masked_sort3A_828 {descending = true} : (vector<16xf32>, vector<16xi32>, vector<16xi1>) -> (vector<16xi1>, vector<16xf32>, vector<16xi32>)
        %rev3A_832 = arith.constant 15 : i32
        %rev3A_833 = vector.broadcast %rev3A_832 : i32 to vector<16xi32>
        %rev3A_834 = tpu.iota {dimensions = array<i32: 0>} : vector<16xi32>
        %rev3A_835 = arith.subi %rev3A_833, %rev3A_834 : vector<16xi32>
        %rev3A_836 = tpu.dynamic_gather %masked_sort3A_830[%rev3A_835] in [0] : vector<16xf32>, vector<16xi32> -> vector<16xf32>
        %rev3A_837 = arith.constant 15 : i32
        %rev3A_838 = vector.broadcast %rev3A_837 : i32 to vector<16xi32>
        %rev3A_839 = tpu.iota {dimensions = array<i32: 0>} : vector<16xi32>
        %rev3A_840 = arith.subi %rev3A_838, %rev3A_839 : vector<16xi32>
        %rev3A_841 = tpu.dynamic_gather %masked_sort3A_831[%rev3A_840] in [0] : vector<16xi32>, vector<16xi32> -> vector<16xi32>
        %ge3A_842 = arith.cmpf oge, %scan3A_713, %rev3A_836 : vector<16xf32>
        %select_n3A_843 = arith.select %ge3A_842, %scan3A_713, %rev3A_836 : vector<16xi1>, vector<16xf32>
        %select_n3A_844 = arith.select %ge3A_842, %scan3A_714, %rev3A_841 : vector<16xi1>, vector<16xi32>
        %masked_sort3A_845 = arith.constant dense<true> : vector<16xi1>
        %masked_sort3A_846, %masked_sort3A_847, %masked_sort3A_848 = tpu.sort %select_n3A_843, %select_n3A_844 masked %masked_sort3A_845 {descending = true} : (vector<16xf32>, vector<16xi32>, vector<16xi1>) -> (vector<16xi1>, vector<16xf32>, vector<16xi32>)
        scf.yield %masked_sort3A_847, %masked_sort3A_848 : vector<16xf32>, vector<16xi32>
      }
      %scan3A_217 = arith.constant 16 : i32
      %shift_right_arithmetic3A_218 = arith.constant 2 : i32
      %shift_right_arithmetic3A_219 = vector.broadcast %shift_right_arithmetic3A_218 : i32 to vector<16xi32>
      %shift_right_arithmetic3A_220 = arith.shrsi %scan3A_216#1, %shift_right_arithmetic3A_219 : vector<16xi32>
      %shift_left3A_221 = arith.constant 7 : i32
      %shift_left3A_222 = vector.broadcast %shift_left3A_221 : i32 to vector<16xi32>
      %shift_left3A_223 = arith.shli %shift_right_arithmetic3A_220, %shift_left3A_222 : vector<16xi32>
      %add3A_224 = vector.broadcast %mul3A_21 : i32 to vector<16xi32>
      %add3A_225 = arith.addi %add3A_224, %shift_left3A_223 : vector<16xi32>
      %and3A_226 = arith.constant 3 : i32
      %and3A_227 = vector.broadcast %and3A_226 : i32 to vector<16xi32>
      %and3A_228 = arith.andi %scan3A_216#1, %and3A_227 : vector<16xi32>
      %shift_left3A_229 = arith.constant 2 : i32
      %shift_left3A_230 = vector.broadcast %shift_left3A_229 : i32 to vector<16xi32>
      %shift_left3A_231 = arith.shli %and3A_228, %shift_left3A_230 : vector<16xi32>
      %add3A_232 = arith.addi %add3A_225, %shift_left3A_231 : vector<16xi32>
      %add3A_233 = arith.constant 1 : i32
      %add3A_234 = vector.broadcast %add3A_233 : i32 to vector<16xi32>
      %add3A_235 = arith.addi %add3A_232, %add3A_234 : vector<16xi32>
      %add3A_236 = arith.constant 0 : i32
      %add3A_237 = vector.broadcast %add3A_236 : i32 to vector<16xi32>
      %add3A_238 = arith.addi %add3A_235, %add3A_237 : vector<16xi32>
      %gather3A_239 = tpu.vector_load_idx %arg4[%add3A_238] : memref<65536xf32, #tpu.memory_space<vmem>>[vector<16xi32>], vector<16xf32>,
      %masked_sort3A_240 = arith.constant dense<true> : vector<16xi1>
      %masked_sort3A_241, %masked_sort3A_242, %masked_sort3A_243 = tpu.sort %gather3A_239, %gather3A_239 masked %masked_sort3A_240 {descending = true} : (vector<16xf32>, vector<16xf32>, vector<16xi1>) -> (vector<16xi1>, vector<16xf32>, vector<16xf32>)
      %add3A_244 = arith.constant 16 : i32
      %add3A_245 = vector.broadcast %add3A_244 : i32 to vector<16xi32>
      %add3A_246 = arith.addi %add3A_235, %add3A_245 : vector<16xi32>
      %gather3A_247 = tpu.vector_load_idx %arg4[%add3A_246] : memref<65536xf32, #tpu.memory_space<vmem>>[vector<16xi32>], vector<16xf32>,
      %masked_sort3A_248 = arith.constant dense<true> : vector<16xi1>
      %masked_sort3A_249, %masked_sort3A_250, %masked_sort3A_251 = tpu.sort %gather3A_247, %gather3A_247 masked %masked_sort3A_248 {descending = true} : (vector<16xf32>, vector<16xf32>, vector<16xi1>) -> (vector<16xi1>, vector<16xf32>, vector<16xf32>)
      %add3A_252 = arith.constant 32 : i32
      %add3A_253 = vector.broadcast %add3A_252 : i32 to vector<16xi32>
      %add3A_254 = arith.addi %add3A_235, %add3A_253 : vector<16xi32>
      %gather3A_255 = tpu.vector_load_idx %arg4[%add3A_254] : memref<65536xf32, #tpu.memory_space<vmem>>[vector<16xi32>], vector<16xf32>,
      %masked_sort3A_256 = arith.constant dense<true> : vector<16xi1>
      %masked_sort3A_257, %masked_sort3A_258, %masked_sort3A_259 = tpu.sort %gather3A_255, %gather3A_255 masked %masked_sort3A_256 {descending = true} : (vector<16xf32>, vector<16xf32>, vector<16xi1>) -> (vector<16xi1>, vector<16xf32>, vector<16xf32>)
      %add3A_260 = arith.constant 48 : i32
      %add3A_261 = vector.broadcast %add3A_260 : i32 to vector<16xi32>
      %add3A_262 = arith.addi %add3A_235, %add3A_261 : vector<16xi32>
      %gather3A_263 = tpu.vector_load_idx %arg4[%add3A_262] : memref<65536xf32, #tpu.memory_space<vmem>>[vector<16xi32>], vector<16xf32>,
      %masked_sort3A_264 = arith.constant dense<true> : vector<16xi1>
      %masked_sort3A_265, %masked_sort3A_266, %masked_sort3A_267 = tpu.sort %gather3A_263, %gather3A_263 masked %masked_sort3A_264 {descending = true} : (vector<16xf32>, vector<16xf32>, vector<16xi1>) -> (vector<16xi1>, vector<16xf32>, vector<16xf32>)
      %add3A_268 = arith.constant 64 : i32
      %add3A_269 = vector.broadcast %add3A_268 : i32 to vector<16xi32>
      %add3A_270 = arith.addi %add3A_235, %add3A_269 : vector<16xi32>
      %gather3A_271 = tpu.vector_load_idx %arg4[%add3A_270] : memref<65536xf32, #tpu.memory_space<vmem>>[vector<16xi32>], vector<16xf32>,
      %masked_sort3A_272 = arith.constant dense<true> : vector<16xi1>
      %masked_sort3A_273, %masked_sort3A_274, %masked_sort3A_275 = tpu.sort %gather3A_271, %gather3A_271 masked %masked_sort3A_272 {descending = true} : (vector<16xf32>, vector<16xf32>, vector<16xi1>) -> (vector<16xi1>, vector<16xf32>, vector<16xf32>)
      %add3A_276 = arith.constant 80 : i32
      %add3A_277 = vector.broadcast %add3A_276 : i32 to vector<16xi32>
      %add3A_278 = arith.addi %add3A_235, %add3A_277 : vector<16xi32>
      %gather3A_279 = tpu.vector_load_idx %arg4[%add3A_278] : memref<65536xf32, #tpu.memory_space<vmem>>[vector<16xi32>], vector<16xf32>,
      %masked_sort3A_280 = arith.constant dense<true> : vector<16xi1>
      %masked_sort3A_281, %masked_sort3A_282, %masked_sort3A_283 = tpu.sort %gather3A_279, %gather3A_279 masked %masked_sort3A_280 {descending = true} : (vector<16xf32>, vector<16xf32>, vector<16xi1>) -> (vector<16xi1>, vector<16xf32>, vector<16xf32>)
      %add3A_284 = arith.constant 96 : i32
      %add3A_285 = vector.broadcast %add3A_284 : i32 to vector<16xi32>
      %add3A_286 = arith.addi %add3A_235, %add3A_285 : vector<16xi32>
      %gather3A_287 = tpu.vector_load_idx %arg4[%add3A_286] : memref<65536xf32, #tpu.memory_space<vmem>>[vector<16xi32>], vector<16xf32>,
      %masked_sort3A_288 = arith.constant dense<true> : vector<16xi1>
      %masked_sort3A_289, %masked_sort3A_290, %masked_sort3A_291 = tpu.sort %gather3A_287, %gather3A_287 masked %masked_sort3A_288 {descending = true} : (vector<16xf32>, vector<16xf32>, vector<16xi1>) -> (vector<16xi1>, vector<16xf32>, vector<16xf32>)
      %add3A_292 = arith.constant 112 : i32
      %add3A_293 = vector.broadcast %add3A_292 : i32 to vector<16xi32>
      %add3A_294 = arith.addi %add3A_235, %add3A_293 : vector<16xi32>
      %gather3A_295 = tpu.vector_load_idx %arg4[%add3A_294] : memref<65536xf32, #tpu.memory_space<vmem>>[vector<16xi32>], vector<16xf32>,
      %masked_sort3A_296 = arith.constant dense<true> : vector<16xi1>
      %masked_sort3A_297, %masked_sort3A_298, %masked_sort3A_299 = tpu.sort %gather3A_295, %gather3A_295 masked %masked_sort3A_296 {descending = true} : (vector<16xf32>, vector<16xf32>, vector<16xi1>) -> (vector<16xi1>, vector<16xf32>, vector<16xf32>)
      %rev3A_300 = arith.constant 15 : i32
      %rev3A_301 = vector.broadcast %rev3A_300 : i32 to vector<16xi32>
      %rev3A_302 = tpu.iota {dimensions = array<i32: 0>} : vector<16xi32>
      %rev3A_303 = arith.subi %rev3A_301, %rev3A_302 : vector<16xi32>
      %rev3A_304 = tpu.dynamic_gather %masked_sort3A_250[%rev3A_303] in [0] : vector<16xf32>, vector<16xi32> -> vector<16xf32>
      %max3A_305 = arith.maximumf %masked_sort3A_242, %rev3A_304 : vector<16xf32>
      %masked_sort3A_306 = arith.constant dense<true> : vector<16xi1>
      %masked_sort3A_307, %masked_sort3A_308, %masked_sort3A_309 = tpu.sort %max3A_305, %max3A_305 masked %masked_sort3A_306 {descending = true} : (vector<16xf32>, vector<16xf32>, vector<16xi1>) -> (vector<16xi1>, vector<16xf32>, vector<16xf32>)
      %rev3A_310 = arith.constant 15 : i32
      %rev3A_311 = vector.broadcast %rev3A_310 : i32 to vector<16xi32>
      %rev3A_312 = tpu.iota {dimensions = array<i32: 0>} : vector<16xi32>
      %rev3A_313 = arith.subi %rev3A_311, %rev3A_312 : vector<16xi32>
      %rev3A_314 = tpu.dynamic_gather %masked_sort3A_266[%rev3A_313] in [0] : vector<16xf32>, vector<16xi32> -> vector<16xf32>
      %max3A_315 = arith.maximumf %masked_sort3A_258, %rev3A_314 : vector<16xf32>
      %masked_sort3A_316 = arith.constant dense<true> : vector<16xi1>
      %masked_sort3A_317, %masked_sort3A_318, %masked_sort3A_319 = tpu.sort %max3A_315, %max3A_315 masked %masked_sort3A_316 {descending = true} : (vector<16xf32>, vector<16xf32>, vector<16xi1>) -> (vector<16xi1>, vector<16xf32>, vector<16xf32>)
      %rev3A_320 = arith.constant 15 : i32
      %rev3A_321 = vector.broadcast %rev3A_320 : i32 to vector<16xi32>
      %rev3A_322 = tpu.iota {dimensions = array<i32: 0>} : vector<16xi32>
      %rev3A_323 = arith.subi %rev3A_321, %rev3A_322 : vector<16xi32>
      %rev3A_324 = tpu.dynamic_gather %masked_sort3A_282[%rev3A_323] in [0] : vector<16xf32>, vector<16xi32> -> vector<16xf32>
      %max3A_325 = arith.maximumf %masked_sort3A_274, %rev3A_324 : vector<16xf32>
      %masked_sort3A_326 = arith.constant dense<true> : vector<16xi1>
      %masked_sort3A_327, %masked_sort3A_328, %masked_sort3A_329 = tpu.sort %max3A_325, %max3A_325 masked %masked_sort3A_326 {descending = true} : (vector<16xf32>, vector<16xf32>, vector<16xi1>) -> (vector<16xi1>, vector<16xf32>, vector<16xf32>)
      %rev3A_330 = arith.constant 15 : i32
      %rev3A_331 = vector.broadcast %rev3A_330 : i32 to vector<16xi32>
      %rev3A_332 = tpu.iota {dimensions = array<i32: 0>} : vector<16xi32>
      %rev3A_333 = arith.subi %rev3A_331, %rev3A_332 : vector<16xi32>
      %rev3A_334 = tpu.dynamic_gather %masked_sort3A_298[%rev3A_333] in [0] : vector<16xf32>, vector<16xi32> -> vector<16xf32>
      %max3A_335 = arith.maximumf %masked_sort3A_290, %rev3A_334 : vector<16xf32>
      %masked_sort3A_336 = arith.constant dense<true> : vector<16xi1>
      %masked_sort3A_337, %masked_sort3A_338, %masked_sort3A_339 = tpu.sort %max3A_335, %max3A_335 masked %masked_sort3A_336 {descending = true} : (vector<16xf32>, vector<16xf32>, vector<16xi1>) -> (vector<16xi1>, vector<16xf32>, vector<16xf32>)
      %rev3A_340 = arith.constant 15 : i32
      %rev3A_341 = vector.broadcast %rev3A_340 : i32 to vector<16xi32>
      %rev3A_342 = tpu.iota {dimensions = array<i32: 0>} : vector<16xi32>
      %rev3A_343 = arith.subi %rev3A_341, %rev3A_342 : vector<16xi32>
      %rev3A_344 = tpu.dynamic_gather %masked_sort3A_318[%rev3A_343] in [0] : vector<16xf32>, vector<16xi32> -> vector<16xf32>
      %max3A_345 = arith.maximumf %masked_sort3A_308, %rev3A_344 : vector<16xf32>
      %masked_sort3A_346 = arith.constant dense<true> : vector<16xi1>
      %masked_sort3A_347, %masked_sort3A_348, %masked_sort3A_349 = tpu.sort %max3A_345, %max3A_345 masked %masked_sort3A_346 {descending = true} : (vector<16xf32>, vector<16xf32>, vector<16xi1>) -> (vector<16xi1>, vector<16xf32>, vector<16xf32>)
      %rev3A_350 = arith.constant 15 : i32
      %rev3A_351 = vector.broadcast %rev3A_350 : i32 to vector<16xi32>
      %rev3A_352 = tpu.iota {dimensions = array<i32: 0>} : vector<16xi32>
      %rev3A_353 = arith.subi %rev3A_351, %rev3A_352 : vector<16xi32>
      %rev3A_354 = tpu.dynamic_gather %masked_sort3A_338[%rev3A_353] in [0] : vector<16xf32>, vector<16xi32> -> vector<16xf32>
      %max3A_355 = arith.maximumf %masked_sort3A_328, %rev3A_354 : vector<16xf32>
      %masked_sort3A_356 = arith.constant dense<true> : vector<16xi1>
      %masked_sort3A_357, %masked_sort3A_358, %masked_sort3A_359 = tpu.sort %max3A_355, %max3A_355 masked %masked_sort3A_356 {descending = true} : (vector<16xf32>, vector<16xf32>, vector<16xi1>) -> (vector<16xi1>, vector<16xf32>, vector<16xf32>)
      %rev3A_360 = arith.constant 15 : i32
      %rev3A_361 = vector.broadcast %rev3A_360 : i32 to vector<16xi32>
      %rev3A_362 = tpu.iota {dimensions = array<i32: 0>} : vector<16xi32>
      %rev3A_363 = arith.subi %rev3A_361, %rev3A_362 : vector<16xi32>
      %rev3A_364 = tpu.dynamic_gather %masked_sort3A_358[%rev3A_363] in [0] : vector<16xf32>, vector<16xi32> -> vector<16xf32>
      %max3A_365 = arith.maximumf %masked_sort3A_348, %rev3A_364 : vector<16xf32>
      %masked_sort3A_366 = arith.constant dense<true> : vector<16xi1>
      %masked_sort3A_367, %masked_sort3A_368, %masked_sort3A_369 = tpu.sort %max3A_365, %max3A_365 masked %masked_sort3A_366 {descending = true} : (vector<16xf32>, vector<16xf32>, vector<16xi1>) -> (vector<16xi1>, vector<16xf32>, vector<16xf32>)
      %swap3A_370 = arith.constant 16 : index
      %swap3A_371 = tpu.vector_load %arg6[%swap3A_370] {strides = array<i32>} : memref<64xf32, #tpu.memory_space<vmem>>, vector<16xf32>,
      tpu.vector_store %arg6[%swap3A_370], %masked_sort3A_368 {strides = array<i32>} : memref<64xf32, #tpu.memory_space<vmem>>, vector<16xf32>,
      %mul3A_372 = arith.constant 4 : i32
      %mul3A_373 = vector.broadcast %mul3A_372 : i32 to vector<16xi32>
      %mul3A_374 = arith.muli %iota3A, %mul3A_373 : vector<16xi32>
      %add3A_375 = arith.constant 2 : i32
      %add3A_376 = vector.broadcast %add3A_375 : i32 to vector<16xi32>
      %add3A_377 = arith.addi %mul3A_374, %add3A_376 : vector<16xi32>
      %broadcast_in_dim3A_378 = arith.constant 0xFF800000 : f32
      %broadcast_in_dim3A_379 = vector.broadcast %broadcast_in_dim3A_378 : f32 to vector<16xf32>
      %broadcast_in_dim3A_380 = arith.constant 0 : i32
      %broadcast_in_dim3A_381 = vector.broadcast %broadcast_in_dim3A_380 : i32 to vector<16xi32>
      %scan3A_382 = arith.constant 0 : i32
      %scan3A_383 = arith.constant 16 : i32
      %scan3A_384 = arith.addi %scan3A_382, %scan3A_383 : i32
      %scan3A_385 = arith.constant 1 : i32
      %scan3A_386:2 = scf.for %scan3A_712 = %scan3A_382 to %scan3A_384 step %scan3A_385 iter_args(%scan3A_713 = %broadcast_in_dim3A_379, %scan3A_714 = %broadcast_in_dim3A_381) -> (vector<16xf32>, vector<16xi32>)  : i32 {
        %mul3A_715 = arith.constant 4 : i32
        %mul3A_716 = arith.muli %mul3A_715, %scan3A_712 : i32
        %add3A_717 = arith.constant 0 : i32
        %add3A_718 = arith.addi %mul3A_716, %add3A_717 : i32
        %mul3A_719 = arith.constant 16 : i32
        %mul3A_720 = arith.muli %add3A_718, %mul3A_719 : i32
        %mul3A_721 = arith.constant 4 : i32
        %mul3A_722 = arith.muli %mul3A_721, %mul3A_720 : i32
        %add3A_723 = vector.broadcast %mul3A_722 : i32 to vector<16xi32>
        %add3A_724 = arith.addi %add3A_377, %add3A_723 : vector<16xi32>
        %gather3A_725 = tpu.vector_load_idx %arg5[%add3A_724] : memref<4096xf32, #tpu.memory_space<vmem>>[vector<16xi32>], vector<16xf32>,
        %add3A_726 = vector.broadcast %mul3A_720 : i32 to vector<16xi32>
        %add3A_727 = arith.addi %add3A_726, %iota3A : vector<16xi32>
        %masked_sort3A_728 = arith.constant dense<true> : vector<16xi1>
        %masked_sort3A_729, %masked_sort3A_730, %masked_sort3A_731 = tpu.sort %gather3A_725, %add3A_727 masked %masked_sort3A_728 {descending = true} : (vector<16xf32>, vector<16xi32>, vector<16xi1>) -> (vector<16xi1>, vector<16xf32>, vector<16xi32>)
        %mul3A_732 = arith.constant 4 : i32
        %mul3A_733 = arith.muli %mul3A_732, %scan3A_712 : i32
        %add3A_734 = arith.constant 1 : i32
        %add3A_735 = arith.addi %mul3A_733, %add3A_734 : i32
        %mul3A_736 = arith.constant 16 : i32
        %mul3A_737 = arith.muli %add3A_735, %mul3A_736 : i32
        %mul3A_738 = arith.constant 4 : i32
        %mul3A_739 = arith.muli %mul3A_738, %mul3A_737 : i32
        %add3A_740 = vector.broadcast %mul3A_739 : i32 to vector<16xi32>
        %add3A_741 = arith.addi %add3A_377, %add3A_740 : vector<16xi32>
        %gather3A_742 = tpu.vector_load_idx %arg5[%add3A_741] : memref<4096xf32, #tpu.memory_space<vmem>>[vector<16xi32>], vector<16xf32>,
        %add3A_743 = vector.broadcast %mul3A_737 : i32 to vector<16xi32>
        %add3A_744 = arith.addi %add3A_743, %iota3A : vector<16xi32>
        %masked_sort3A_745 = arith.constant dense<true> : vector<16xi1>
        %masked_sort3A_746, %masked_sort3A_747, %masked_sort3A_748 = tpu.sort %gather3A_742, %add3A_744 masked %masked_sort3A_745 {descending = true} : (vector<16xf32>, vector<16xi32>, vector<16xi1>) -> (vector<16xi1>, vector<16xf32>, vector<16xi32>)
        %mul3A_749 = arith.constant 4 : i32
        %mul3A_750 = arith.muli %mul3A_749, %scan3A_712 : i32
        %add3A_751 = arith.constant 2 : i32
        %add3A_752 = arith.addi %mul3A_750, %add3A_751 : i32
        %mul3A_753 = arith.constant 16 : i32
        %mul3A_754 = arith.muli %add3A_752, %mul3A_753 : i32
        %mul3A_755 = arith.constant 4 : i32
        %mul3A_756 = arith.muli %mul3A_755, %mul3A_754 : i32
        %add3A_757 = vector.broadcast %mul3A_756 : i32 to vector<16xi32>
        %add3A_758 = arith.addi %add3A_377, %add3A_757 : vector<16xi32>
        %gather3A_759 = tpu.vector_load_idx %arg5[%add3A_758] : memref<4096xf32, #tpu.memory_space<vmem>>[vector<16xi32>], vector<16xf32>,
        %add3A_760 = vector.broadcast %mul3A_754 : i32 to vector<16xi32>
        %add3A_761 = arith.addi %add3A_760, %iota3A : vector<16xi32>
        %masked_sort3A_762 = arith.constant dense<true> : vector<16xi1>
        %masked_sort3A_763, %masked_sort3A_764, %masked_sort3A_765 = tpu.sort %gather3A_759, %add3A_761 masked %masked_sort3A_762 {descending = true} : (vector<16xf32>, vector<16xi32>, vector<16xi1>) -> (vector<16xi1>, vector<16xf32>, vector<16xi32>)
        %mul3A_766 = arith.constant 4 : i32
        %mul3A_767 = arith.muli %mul3A_766, %scan3A_712 : i32
        %add3A_768 = arith.constant 3 : i32
        %add3A_769 = arith.addi %mul3A_767, %add3A_768 : i32
        %mul3A_770 = arith.constant 16 : i32
        %mul3A_771 = arith.muli %add3A_769, %mul3A_770 : i32
        %mul3A_772 = arith.constant 4 : i32
        %mul3A_773 = arith.muli %mul3A_772, %mul3A_771 : i32
        %add3A_774 = vector.broadcast %mul3A_773 : i32 to vector<16xi32>
        %add3A_775 = arith.addi %add3A_377, %add3A_774 : vector<16xi32>
        %gather3A_776 = tpu.vector_load_idx %arg5[%add3A_775] : memref<4096xf32, #tpu.memory_space<vmem>>[vector<16xi32>], vector<16xf32>,
        %add3A_777 = vector.broadcast %mul3A_771 : i32 to vector<16xi32>
        %add3A_778 = arith.addi %add3A_777, %iota3A : vector<16xi32>
        %masked_sort3A_779 = arith.constant dense<true> : vector<16xi1>
        %masked_sort3A_780, %masked_sort3A_781, %masked_sort3A_782 = tpu.sort %gather3A_776, %add3A_778 masked %masked_sort3A_779 {descending = true} : (vector<16xf32>, vector<16xi32>, vector<16xi1>) -> (vector<16xi1>, vector<16xf32>, vector<16xi32>)
        %rev3A_783 = arith.constant 15 : i32
        %rev3A_784 = vector.broadcast %rev3A_783 : i32 to vector<16xi32>
        %rev3A_785 = tpu.iota {dimensions = array<i32: 0>} : vector<16xi32>
        %rev3A_786 = arith.subi %rev3A_784, %rev3A_785 : vector<16xi32>
        %rev3A_787 = tpu.dynamic_gather %masked_sort3A_747[%rev3A_786] in [0] : vector<16xf32>, vector<16xi32> -> vector<16xf32>
        %rev3A_788 = arith.constant 15 : i32
        %rev3A_789 = vector.broadcast %rev3A_788 : i32 to vector<16xi32>
        %rev3A_790 = tpu.iota {dimensions = array<i32: 0>} : vector<16xi32>
        %rev3A_791 = arith.subi %rev3A_789, %rev3A_790 : vector<16xi32>
        %rev3A_792 = tpu.dynamic_gather %masked_sort3A_748[%rev3A_791] in [0] : vector<16xi32>, vector<16xi32> -> vector<16xi32>
        %ge3A = arith.cmpf oge, %masked_sort3A_730, %rev3A_787 : vector<16xf32>
        %select_n3A = arith.select %ge3A, %masked_sort3A_730, %rev3A_787 : vector<16xi1>, vector<16xf32>
        %select_n3A_793 = arith.select %ge3A, %masked_sort3A_731, %rev3A_792 : vector<16xi1>, vector<16xi32>
        %masked_sort3A_794 = arith.constant dense<true> : vector<16xi1>
        %masked_sort3A_795, %masked_sort3A_796, %masked_sort3A_797 = tpu.sort %select_n3A, %select_n3A_793 masked %masked_sort3A_794 {descending = true} : (vector<16xf32>, vector<16xi32>, vector<16xi1>) -> (vector<16xi1>, vector<16xf32>, vector<16xi32>)
        %rev3A_798 = arith.constant 15 : i32
        %rev3A_799 = vector.broadcast %rev3A_798 : i32 to vector<16xi32>
        %rev3A_800 = tpu.iota {dimensions = array<i32: 0>} : vector<16xi32>
        %rev3A_801 = arith.subi %rev3A_799, %rev3A_800 : vector<16xi32>
        %rev3A_802 = tpu.dynamic_gather %masked_sort3A_781[%rev3A_801] in [0] : vector<16xf32>, vector<16xi32> -> vector<16xf32>
        %rev3A_803 = arith.constant 15 : i32
        %rev3A_804 = vector.broadcast %rev3A_803 : i32 to vector<16xi32>
        %rev3A_805 = tpu.iota {dimensions = array<i32: 0>} : vector<16xi32>
        %rev3A_806 = arith.subi %rev3A_804, %rev3A_805 : vector<16xi32>
        %rev3A_807 = tpu.dynamic_gather %masked_sort3A_782[%rev3A_806] in [0] : vector<16xi32>, vector<16xi32> -> vector<16xi32>
        %ge3A_808 = arith.cmpf oge, %masked_sort3A_764, %rev3A_802 : vector<16xf32>
        %select_n3A_809 = arith.select %ge3A_808, %masked_sort3A_764, %rev3A_802 : vector<16xi1>, vector<16xf32>
        %select_n3A_810 = arith.select %ge3A_808, %masked_sort3A_765, %rev3A_807 : vector<16xi1>, vector<16xi32>
        %masked_sort3A_811 = arith.constant dense<true> : vector<16xi1>
        %masked_sort3A_812, %masked_sort3A_813, %masked_sort3A_814 = tpu.sort %select_n3A_809, %select_n3A_810 masked %masked_sort3A_811 {descending = true} : (vector<16xf32>, vector<16xi32>, vector<16xi1>) -> (vector<16xi1>, vector<16xf32>, vector<16xi32>)
        %rev3A_815 = arith.constant 15 : i32
        %rev3A_816 = vector.broadcast %rev3A_815 : i32 to vector<16xi32>
        %rev3A_817 = tpu.iota {dimensions = array<i32: 0>} : vector<16xi32>
        %rev3A_818 = arith.subi %rev3A_816, %rev3A_817 : vector<16xi32>
        %rev3A_819 = tpu.dynamic_gather %masked_sort3A_813[%rev3A_818] in [0] : vector<16xf32>, vector<16xi32> -> vector<16xf32>
        %rev3A_820 = arith.constant 15 : i32
        %rev3A_821 = vector.broadcast %rev3A_820 : i32 to vector<16xi32>
        %rev3A_822 = tpu.iota {dimensions = array<i32: 0>} : vector<16xi32>
        %rev3A_823 = arith.subi %rev3A_821, %rev3A_822 : vector<16xi32>
        %rev3A_824 = tpu.dynamic_gather %masked_sort3A_814[%rev3A_823] in [0] : vector<16xi32>, vector<16xi32> -> vector<16xi32>
        %ge3A_825 = arith.cmpf oge, %masked_sort3A_796, %rev3A_819 : vector<16xf32>
        %select_n3A_826 = arith.select %ge3A_825, %masked_sort3A_796, %rev3A_819 : vector<16xi1>, vector<16xf32>
        %select_n3A_827 = arith.select %ge3A_825, %masked_sort3A_797, %rev3A_824 : vector<16xi1>, vector<16xi32>
        %masked_sort3A_828 = arith.constant dense<true> : vector<16xi1>
        %masked_sort3A_829, %masked_sort3A_830, %masked_sort3A_831 = tpu.sort %select_n3A_826, %select_n3A_827 masked %masked_sort3A_828 {descending = true} : (vector<16xf32>, vector<16xi32>, vector<16xi1>) -> (vector<16xi1>, vector<16xf32>, vector<16xi32>)
        %rev3A_832 = arith.constant 15 : i32
        %rev3A_833 = vector.broadcast %rev3A_832 : i32 to vector<16xi32>
        %rev3A_834 = tpu.iota {dimensions = array<i32: 0>} : vector<16xi32>
        %rev3A_835 = arith.subi %rev3A_833, %rev3A_834 : vector<16xi32>
        %rev3A_836 = tpu.dynamic_gather %masked_sort3A_830[%rev3A_835] in [0] : vector<16xf32>, vector<16xi32> -> vector<16xf32>
        %rev3A_837 = arith.constant 15 : i32
        %rev3A_838 = vector.broadcast %rev3A_837 : i32 to vector<16xi32>
        %rev3A_839 = tpu.iota {dimensions = array<i32: 0>} : vector<16xi32>
        %rev3A_840 = arith.subi %rev3A_838, %rev3A_839 : vector<16xi32>
        %rev3A_841 = tpu.dynamic_gather %masked_sort3A_831[%rev3A_840] in [0] : vector<16xi32>, vector<16xi32> -> vector<16xi32>
        %ge3A_842 = arith.cmpf oge, %scan3A_713, %rev3A_836 : vector<16xf32>
        %select_n3A_843 = arith.select %ge3A_842, %scan3A_713, %rev3A_836 : vector<16xi1>, vector<16xf32>
        %select_n3A_844 = arith.select %ge3A_842, %scan3A_714, %rev3A_841 : vector<16xi1>, vector<16xi32>
        %masked_sort3A_845 = arith.constant dense<true> : vector<16xi1>
        %masked_sort3A_846, %masked_sort3A_847, %masked_sort3A_848 = tpu.sort %select_n3A_843, %select_n3A_844 masked %masked_sort3A_845 {descending = true} : (vector<16xf32>, vector<16xi32>, vector<16xi1>) -> (vector<16xi1>, vector<16xf32>, vector<16xi32>)
        scf.yield %masked_sort3A_847, %masked_sort3A_848 : vector<16xf32>, vector<16xi32>
      }
      %scan3A_387 = arith.constant 16 : i32
      %shift_right_arithmetic3A_388 = arith.constant 2 : i32
      %shift_right_arithmetic3A_389 = vector.broadcast %shift_right_arithmetic3A_388 : i32 to vector<16xi32>
      %shift_right_arithmetic3A_390 = arith.shrsi %scan3A_386#1, %shift_right_arithmetic3A_389 : vector<16xi32>
      %shift_left3A_391 = arith.constant 7 : i32
      %shift_left3A_392 = vector.broadcast %shift_left3A_391 : i32 to vector<16xi32>
      %shift_left3A_393 = arith.shli %shift_right_arithmetic3A_390, %shift_left3A_392 : vector<16xi32>
      %add3A_394 = vector.broadcast %mul3A_21 : i32 to vector<16xi32>
      %add3A_395 = arith.addi %add3A_394, %shift_left3A_393 : vector<16xi32>
      %and3A_396 = arith.constant 3 : i32
      %and3A_397 = vector.broadcast %and3A_396 : i32 to vector<16xi32>
      %and3A_398 = arith.andi %scan3A_386#1, %and3A_397 : vector<16xi32>
      %shift_left3A_399 = arith.constant 2 : i32
      %shift_left3A_400 = vector.broadcast %shift_left3A_399 : i32 to vector<16xi32>
      %shift_left3A_401 = arith.shli %and3A_398, %shift_left3A_400 : vector<16xi32>
      %add3A_402 = arith.addi %add3A_395, %shift_left3A_401 : vector<16xi32>
      %add3A_403 = arith.constant 2 : i32
      %add3A_404 = vector.broadcast %add3A_403 : i32 to vector<16xi32>
      %add3A_405 = arith.addi %add3A_402, %add3A_404 : vector<16xi32>
      %add3A_406 = arith.constant 0 : i32
      %add3A_407 = vector.broadcast %add3A_406 : i32 to vector<16xi32>
      %add3A_408 = arith.addi %add3A_405, %add3A_407 : vector<16xi32>
      %gather3A_409 = tpu.vector_load_idx %arg4[%add3A_408] : memref<65536xf32, #tpu.memory_space<vmem>>[vector<16xi32>], vector<16xf32>,
      %masked_sort3A_410 = arith.constant dense<true> : vector<16xi1>
      %masked_sort3A_411, %masked_sort3A_412, %masked_sort3A_413 = tpu.sort %gather3A_409, %gather3A_409 masked %masked_sort3A_410 {descending = true} : (vector<16xf32>, vector<16xf32>, vector<16xi1>) -> (vector<16xi1>, vector<16xf32>, vector<16xf32>)
      %add3A_414 = arith.constant 16 : i32
      %add3A_415 = vector.broadcast %add3A_414 : i32 to vector<16xi32>
      %add3A_416 = arith.addi %add3A_405, %add3A_415 : vector<16xi32>
      %gather3A_417 = tpu.vector_load_idx %arg4[%add3A_416] : memref<65536xf32, #tpu.memory_space<vmem>>[vector<16xi32>], vector<16xf32>,
      %masked_sort3A_418 = arith.constant dense<true> : vector<16xi1>
      %masked_sort3A_419, %masked_sort3A_420, %masked_sort3A_421 = tpu.sort %gather3A_417, %gather3A_417 masked %masked_sort3A_418 {descending = true} : (vector<16xf32>, vector<16xf32>, vector<16xi1>) -> (vector<16xi1>, vector<16xf32>, vector<16xf32>)
      %add3A_422 = arith.constant 32 : i32
      %add3A_423 = vector.broadcast %add3A_422 : i32 to vector<16xi32>
      %add3A_424 = arith.addi %add3A_405, %add3A_423 : vector<16xi32>
      %gather3A_425 = tpu.vector_load_idx %arg4[%add3A_424] : memref<65536xf32, #tpu.memory_space<vmem>>[vector<16xi32>], vector<16xf32>,
      %masked_sort3A_426 = arith.constant dense<true> : vector<16xi1>
      %masked_sort3A_427, %masked_sort3A_428, %masked_sort3A_429 = tpu.sort %gather3A_425, %gather3A_425 masked %masked_sort3A_426 {descending = true} : (vector<16xf32>, vector<16xf32>, vector<16xi1>) -> (vector<16xi1>, vector<16xf32>, vector<16xf32>)
      %add3A_430 = arith.constant 48 : i32
      %add3A_431 = vector.broadcast %add3A_430 : i32 to vector<16xi32>
      %add3A_432 = arith.addi %add3A_405, %add3A_431 : vector<16xi32>
      %gather3A_433 = tpu.vector_load_idx %arg4[%add3A_432] : memref<65536xf32, #tpu.memory_space<vmem>>[vector<16xi32>], vector<16xf32>,
      %masked_sort3A_434 = arith.constant dense<true> : vector<16xi1>
      %masked_sort3A_435, %masked_sort3A_436, %masked_sort3A_437 = tpu.sort %gather3A_433, %gather3A_433 masked %masked_sort3A_434 {descending = true} : (vector<16xf32>, vector<16xf32>, vector<16xi1>) -> (vector<16xi1>, vector<16xf32>, vector<16xf32>)
      %add3A_438 = arith.constant 64 : i32
      %add3A_439 = vector.broadcast %add3A_438 : i32 to vector<16xi32>
      %add3A_440 = arith.addi %add3A_405, %add3A_439 : vector<16xi32>
      %gather3A_441 = tpu.vector_load_idx %arg4[%add3A_440] : memref<65536xf32, #tpu.memory_space<vmem>>[vector<16xi32>], vector<16xf32>,
      %masked_sort3A_442 = arith.constant dense<true> : vector<16xi1>
      %masked_sort3A_443, %masked_sort3A_444, %masked_sort3A_445 = tpu.sort %gather3A_441, %gather3A_441 masked %masked_sort3A_442 {descending = true} : (vector<16xf32>, vector<16xf32>, vector<16xi1>) -> (vector<16xi1>, vector<16xf32>, vector<16xf32>)
      %add3A_446 = arith.constant 80 : i32
      %add3A_447 = vector.broadcast %add3A_446 : i32 to vector<16xi32>
      %add3A_448 = arith.addi %add3A_405, %add3A_447 : vector<16xi32>
      %gather3A_449 = tpu.vector_load_idx %arg4[%add3A_448] : memref<65536xf32, #tpu.memory_space<vmem>>[vector<16xi32>], vector<16xf32>,
      %masked_sort3A_450 = arith.constant dense<true> : vector<16xi1>
      %masked_sort3A_451, %masked_sort3A_452, %masked_sort3A_453 = tpu.sort %gather3A_449, %gather3A_449 masked %masked_sort3A_450 {descending = true} : (vector<16xf32>, vector<16xf32>, vector<16xi1>) -> (vector<16xi1>, vector<16xf32>, vector<16xf32>)
      %add3A_454 = arith.constant 96 : i32
      %add3A_455 = vector.broadcast %add3A_454 : i32 to vector<16xi32>
      %add3A_456 = arith.addi %add3A_405, %add3A_455 : vector<16xi32>
      %gather3A_457 = tpu.vector_load_idx %arg4[%add3A_456] : memref<65536xf32, #tpu.memory_space<vmem>>[vector<16xi32>], vector<16xf32>,
      %masked_sort3A_458 = arith.constant dense<true> : vector<16xi1>
      %masked_sort3A_459, %masked_sort3A_460, %masked_sort3A_461 = tpu.sort %gather3A_457, %gather3A_457 masked %masked_sort3A_458 {descending = true} : (vector<16xf32>, vector<16xf32>, vector<16xi1>) -> (vector<16xi1>, vector<16xf32>, vector<16xf32>)
      %add3A_462 = arith.constant 112 : i32
      %add3A_463 = vector.broadcast %add3A_462 : i32 to vector<16xi32>
      %add3A_464 = arith.addi %add3A_405, %add3A_463 : vector<16xi32>
      %gather3A_465 = tpu.vector_load_idx %arg4[%add3A_464] : memref<65536xf32, #tpu.memory_space<vmem>>[vector<16xi32>], vector<16xf32>,
      %masked_sort3A_466 = arith.constant dense<true> : vector<16xi1>
      %masked_sort3A_467, %masked_sort3A_468, %masked_sort3A_469 = tpu.sort %gather3A_465, %gather3A_465 masked %masked_sort3A_466 {descending = true} : (vector<16xf32>, vector<16xf32>, vector<16xi1>) -> (vector<16xi1>, vector<16xf32>, vector<16xf32>)
      %rev3A_470 = arith.constant 15 : i32
      %rev3A_471 = vector.broadcast %rev3A_470 : i32 to vector<16xi32>
      %rev3A_472 = tpu.iota {dimensions = array<i32: 0>} : vector<16xi32>
      %rev3A_473 = arith.subi %rev3A_471, %rev3A_472 : vector<16xi32>
      %rev3A_474 = tpu.dynamic_gather %masked_sort3A_420[%rev3A_473] in [0] : vector<16xf32>, vector<16xi32> -> vector<16xf32>
      %max3A_475 = arith.maximumf %masked_sort3A_412, %rev3A_474 : vector<16xf32>
      %masked_sort3A_476 = arith.constant dense<true> : vector<16xi1>
      %masked_sort3A_477, %masked_sort3A_478, %masked_sort3A_479 = tpu.sort %max3A_475, %max3A_475 masked %masked_sort3A_476 {descending = true} : (vector<16xf32>, vector<16xf32>, vector<16xi1>) -> (vector<16xi1>, vector<16xf32>, vector<16xf32>)
      %rev3A_480 = arith.constant 15 : i32
      %rev3A_481 = vector.broadcast %rev3A_480 : i32 to vector<16xi32>
      %rev3A_482 = tpu.iota {dimensions = array<i32: 0>} : vector<16xi32>
      %rev3A_483 = arith.subi %rev3A_481, %rev3A_482 : vector<16xi32>
      %rev3A_484 = tpu.dynamic_gather %masked_sort3A_436[%rev3A_483] in [0] : vector<16xf32>, vector<16xi32> -> vector<16xf32>
      %max3A_485 = arith.maximumf %masked_sort3A_428, %rev3A_484 : vector<16xf32>
      %masked_sort3A_486 = arith.constant dense<true> : vector<16xi1>
      %masked_sort3A_487, %masked_sort3A_488, %masked_sort3A_489 = tpu.sort %max3A_485, %max3A_485 masked %masked_sort3A_486 {descending = true} : (vector<16xf32>, vector<16xf32>, vector<16xi1>) -> (vector<16xi1>, vector<16xf32>, vector<16xf32>)
      %rev3A_490 = arith.constant 15 : i32
      %rev3A_491 = vector.broadcast %rev3A_490 : i32 to vector<16xi32>
      %rev3A_492 = tpu.iota {dimensions = array<i32: 0>} : vector<16xi32>
      %rev3A_493 = arith.subi %rev3A_491, %rev3A_492 : vector<16xi32>
      %rev3A_494 = tpu.dynamic_gather %masked_sort3A_452[%rev3A_493] in [0] : vector<16xf32>, vector<16xi32> -> vector<16xf32>
      %max3A_495 = arith.maximumf %masked_sort3A_444, %rev3A_494 : vector<16xf32>
      %masked_sort3A_496 = arith.constant dense<true> : vector<16xi1>
      %masked_sort3A_497, %masked_sort3A_498, %masked_sort3A_499 = tpu.sort %max3A_495, %max3A_495 masked %masked_sort3A_496 {descending = true} : (vector<16xf32>, vector<16xf32>, vector<16xi1>) -> (vector<16xi1>, vector<16xf32>, vector<16xf32>)
      %rev3A_500 = arith.constant 15 : i32
      %rev3A_501 = vector.broadcast %rev3A_500 : i32 to vector<16xi32>
      %rev3A_502 = tpu.iota {dimensions = array<i32: 0>} : vector<16xi32>
      %rev3A_503 = arith.subi %rev3A_501, %rev3A_502 : vector<16xi32>
      %rev3A_504 = tpu.dynamic_gather %masked_sort3A_468[%rev3A_503] in [0] : vector<16xf32>, vector<16xi32> -> vector<16xf32>
      %max3A_505 = arith.maximumf %masked_sort3A_460, %rev3A_504 : vector<16xf32>
      %masked_sort3A_506 = arith.constant dense<true> : vector<16xi1>
      %masked_sort3A_507, %masked_sort3A_508, %masked_sort3A_509 = tpu.sort %max3A_505, %max3A_505 masked %masked_sort3A_506 {descending = true} : (vector<16xf32>, vector<16xf32>, vector<16xi1>) -> (vector<16xi1>, vector<16xf32>, vector<16xf32>)
      %rev3A_510 = arith.constant 15 : i32
      %rev3A_511 = vector.broadcast %rev3A_510 : i32 to vector<16xi32>
      %rev3A_512 = tpu.iota {dimensions = array<i32: 0>} : vector<16xi32>
      %rev3A_513 = arith.subi %rev3A_511, %rev3A_512 : vector<16xi32>
      %rev3A_514 = tpu.dynamic_gather %masked_sort3A_488[%rev3A_513] in [0] : vector<16xf32>, vector<16xi32> -> vector<16xf32>
      %max3A_515 = arith.maximumf %masked_sort3A_478, %rev3A_514 : vector<16xf32>
      %masked_sort3A_516 = arith.constant dense<true> : vector<16xi1>
      %masked_sort3A_517, %masked_sort3A_518, %masked_sort3A_519 = tpu.sort %max3A_515, %max3A_515 masked %masked_sort3A_516 {descending = true} : (vector<16xf32>, vector<16xf32>, vector<16xi1>) -> (vector<16xi1>, vector<16xf32>, vector<16xf32>)
      %rev3A_520 = arith.constant 15 : i32
      %rev3A_521 = vector.broadcast %rev3A_520 : i32 to vector<16xi32>
      %rev3A_522 = tpu.iota {dimensions = array<i32: 0>} : vector<16xi32>
      %rev3A_523 = arith.subi %rev3A_521, %rev3A_522 : vector<16xi32>
      %rev3A_524 = tpu.dynamic_gather %masked_sort3A_508[%rev3A_523] in [0] : vector<16xf32>, vector<16xi32> -> vector<16xf32>
      %max3A_525 = arith.maximumf %masked_sort3A_498, %rev3A_524 : vector<16xf32>
      %masked_sort3A_526 = arith.constant dense<true> : vector<16xi1>
      %masked_sort3A_527, %masked_sort3A_528, %masked_sort3A_529 = tpu.sort %max3A_525, %max3A_525 masked %masked_sort3A_526 {descending = true} : (vector<16xf32>, vector<16xf32>, vector<16xi1>) -> (vector<16xi1>, vector<16xf32>, vector<16xf32>)
      %rev3A_530 = arith.constant 15 : i32
      %rev3A_531 = vector.broadcast %rev3A_530 : i32 to vector<16xi32>
      %rev3A_532 = tpu.iota {dimensions = array<i32: 0>} : vector<16xi32>
      %rev3A_533 = arith.subi %rev3A_531, %rev3A_532 : vector<16xi32>
      %rev3A_534 = tpu.dynamic_gather %masked_sort3A_528[%rev3A_533] in [0] : vector<16xf32>, vector<16xi32> -> vector<16xf32>
      %max3A_535 = arith.maximumf %masked_sort3A_518, %rev3A_534 : vector<16xf32>
      %masked_sort3A_536 = arith.constant dense<true> : vector<16xi1>
      %masked_sort3A_537, %masked_sort3A_538, %masked_sort3A_539 = tpu.sort %max3A_535, %max3A_535 masked %masked_sort3A_536 {descending = true} : (vector<16xf32>, vector<16xf32>, vector<16xi1>) -> (vector<16xi1>, vector<16xf32>, vector<16xf32>)
      %swap3A_540 = arith.constant 32 : index
      %swap3A_541 = tpu.vector_load %arg6[%swap3A_540] {strides = array<i32>} : memref<64xf32, #tpu.memory_space<vmem>>, vector<16xf32>,
      tpu.vector_store %arg6[%swap3A_540], %masked_sort3A_538 {strides = array<i32>} : memref<64xf32, #tpu.memory_space<vmem>>, vector<16xf32>,
      %mul3A_542 = arith.constant 4 : i32
      %mul3A_543 = vector.broadcast %mul3A_542 : i32 to vector<16xi32>
      %mul3A_544 = arith.muli %iota3A, %mul3A_543 : vector<16xi32>
      %add3A_545 = arith.constant 3 : i32
      %add3A_546 = vector.broadcast %add3A_545 : i32 to vector<16xi32>
      %add3A_547 = arith.addi %mul3A_544, %add3A_546 : vector<16xi32>
      %broadcast_in_dim3A_548 = arith.constant 0xFF800000 : f32
      %broadcast_in_dim3A_549 = vector.broadcast %broadcast_in_dim3A_548 : f32 to vector<16xf32>
      %broadcast_in_dim3A_550 = arith.constant 0 : i32
      %broadcast_in_dim3A_551 = vector.broadcast %broadcast_in_dim3A_550 : i32 to vector<16xi32>
      %scan3A_552 = arith.constant 0 : i32
      %scan3A_553 = arith.constant 16 : i32
      %scan3A_554 = arith.addi %scan3A_552, %scan3A_553 : i32
      %scan3A_555 = arith.constant 1 : i32
      %scan3A_556:2 = scf.for %scan3A_712 = %scan3A_552 to %scan3A_554 step %scan3A_555 iter_args(%scan3A_713 = %broadcast_in_dim3A_549, %scan3A_714 = %broadcast_in_dim3A_551) -> (vector<16xf32>, vector<16xi32>)  : i32 {
        %mul3A_715 = arith.constant 4 : i32
        %mul3A_716 = arith.muli %mul3A_715, %scan3A_712 : i32
        %add3A_717 = arith.constant 0 : i32
        %add3A_718 = arith.addi %mul3A_716, %add3A_717 : i32
        %mul3A_719 = arith.constant 16 : i32
        %mul3A_720 = arith.muli %add3A_718, %mul3A_719 : i32
        %mul3A_721 = arith.constant 4 : i32
        %mul3A_722 = arith.muli %mul3A_721, %mul3A_720 : i32
        %add3A_723 = vector.broadcast %mul3A_722 : i32 to vector<16xi32>
        %add3A_724 = arith.addi %add3A_547, %add3A_723 : vector<16xi32>
        %gather3A_725 = tpu.vector_load_idx %arg5[%add3A_724] : memref<4096xf32, #tpu.memory_space<vmem>>[vector<16xi32>], vector<16xf32>,
        %add3A_726 = vector.broadcast %mul3A_720 : i32 to vector<16xi32>
        %add3A_727 = arith.addi %add3A_726, %iota3A : vector<16xi32>
        %masked_sort3A_728 = arith.constant dense<true> : vector<16xi1>
        %masked_sort3A_729, %masked_sort3A_730, %masked_sort3A_731 = tpu.sort %gather3A_725, %add3A_727 masked %masked_sort3A_728 {descending = true} : (vector<16xf32>, vector<16xi32>, vector<16xi1>) -> (vector<16xi1>, vector<16xf32>, vector<16xi32>)
        %mul3A_732 = arith.constant 4 : i32
        %mul3A_733 = arith.muli %mul3A_732, %scan3A_712 : i32
        %add3A_734 = arith.constant 1 : i32
        %add3A_735 = arith.addi %mul3A_733, %add3A_734 : i32
        %mul3A_736 = arith.constant 16 : i32
        %mul3A_737 = arith.muli %add3A_735, %mul3A_736 : i32
        %mul3A_738 = arith.constant 4 : i32
        %mul3A_739 = arith.muli %mul3A_738, %mul3A_737 : i32
        %add3A_740 = vector.broadcast %mul3A_739 : i32 to vector<16xi32>
        %add3A_741 = arith.addi %add3A_547, %add3A_740 : vector<16xi32>
        %gather3A_742 = tpu.vector_load_idx %arg5[%add3A_741] : memref<4096xf32, #tpu.memory_space<vmem>>[vector<16xi32>], vector<16xf32>,
        %add3A_743 = vector.broadcast %mul3A_737 : i32 to vector<16xi32>
        %add3A_744 = arith.addi %add3A_743, %iota3A : vector<16xi32>
        %masked_sort3A_745 = arith.constant dense<true> : vector<16xi1>
        %masked_sort3A_746, %masked_sort3A_747, %masked_sort3A_748 = tpu.sort %gather3A_742, %add3A_744 masked %masked_sort3A_745 {descending = true} : (vector<16xf32>, vector<16xi32>, vector<16xi1>) -> (vector<16xi1>, vector<16xf32>, vector<16xi32>)
        %mul3A_749 = arith.constant 4 : i32
        %mul3A_750 = arith.muli %mul3A_749, %scan3A_712 : i32
        %add3A_751 = arith.constant 2 : i32
        %add3A_752 = arith.addi %mul3A_750, %add3A_751 : i32
        %mul3A_753 = arith.constant 16 : i32
        %mul3A_754 = arith.muli %add3A_752, %mul3A_753 : i32
        %mul3A_755 = arith.constant 4 : i32
        %mul3A_756 = arith.muli %mul3A_755, %mul3A_754 : i32
        %add3A_757 = vector.broadcast %mul3A_756 : i32 to vector<16xi32>
        %add3A_758 = arith.addi %add3A_547, %add3A_757 : vector<16xi32>
        %gather3A_759 = tpu.vector_load_idx %arg5[%add3A_758] : memref<4096xf32, #tpu.memory_space<vmem>>[vector<16xi32>], vector<16xf32>,
        %add3A_760 = vector.broadcast %mul3A_754 : i32 to vector<16xi32>
        %add3A_761 = arith.addi %add3A_760, %iota3A : vector<16xi32>
        %masked_sort3A_762 = arith.constant dense<true> : vector<16xi1>
        %masked_sort3A_763, %masked_sort3A_764, %masked_sort3A_765 = tpu.sort %gather3A_759, %add3A_761 masked %masked_sort3A_762 {descending = true} : (vector<16xf32>, vector<16xi32>, vector<16xi1>) -> (vector<16xi1>, vector<16xf32>, vector<16xi32>)
        %mul3A_766 = arith.constant 4 : i32
        %mul3A_767 = arith.muli %mul3A_766, %scan3A_712 : i32
        %add3A_768 = arith.constant 3 : i32
        %add3A_769 = arith.addi %mul3A_767, %add3A_768 : i32
        %mul3A_770 = arith.constant 16 : i32
        %mul3A_771 = arith.muli %add3A_769, %mul3A_770 : i32
        %mul3A_772 = arith.constant 4 : i32
        %mul3A_773 = arith.muli %mul3A_772, %mul3A_771 : i32
        %add3A_774 = vector.broadcast %mul3A_773 : i32 to vector<16xi32>
        %add3A_775 = arith.addi %add3A_547, %add3A_774 : vector<16xi32>
        %gather3A_776 = tpu.vector_load_idx %arg5[%add3A_775] : memref<4096xf32, #tpu.memory_space<vmem>>[vector<16xi32>], vector<16xf32>,
        %add3A_777 = vector.broadcast %mul3A_771 : i32 to vector<16xi32>
        %add3A_778 = arith.addi %add3A_777, %iota3A : vector<16xi32>
        %masked_sort3A_779 = arith.constant dense<true> : vector<16xi1>
        %masked_sort3A_780, %masked_sort3A_781, %masked_sort3A_782 = tpu.sort %gather3A_776, %add3A_778 masked %masked_sort3A_779 {descending = true} : (vector<16xf32>, vector<16xi32>, vector<16xi1>) -> (vector<16xi1>, vector<16xf32>, vector<16xi32>)
        %rev3A_783 = arith.constant 15 : i32
        %rev3A_784 = vector.broadcast %rev3A_783 : i32 to vector<16xi32>
        %rev3A_785 = tpu.iota {dimensions = array<i32: 0>} : vector<16xi32>
        %rev3A_786 = arith.subi %rev3A_784, %rev3A_785 : vector<16xi32>
        %rev3A_787 = tpu.dynamic_gather %masked_sort3A_747[%rev3A_786] in [0] : vector<16xf32>, vector<16xi32> -> vector<16xf32>
        %rev3A_788 = arith.constant 15 : i32
        %rev3A_789 = vector.broadcast %rev3A_788 : i32 to vector<16xi32>
        %rev3A_790 = tpu.iota {dimensions = array<i32: 0>} : vector<16xi32>
        %rev3A_791 = arith.subi %rev3A_789, %rev3A_790 : vector<16xi32>
        %rev3A_792 = tpu.dynamic_gather %masked_sort3A_748[%rev3A_791] in [0] : vector<16xi32>, vector<16xi32> -> vector<16xi32>
        %ge3A = arith.cmpf oge, %masked_sort3A_730, %rev3A_787 : vector<16xf32>
        %select_n3A = arith.select %ge3A, %masked_sort3A_730, %rev3A_787 : vector<16xi1>, vector<16xf32>
        %select_n3A_793 = arith.select %ge3A, %masked_sort3A_731, %rev3A_792 : vector<16xi1>, vector<16xi32>
        %masked_sort3A_794 = arith.constant dense<true> : vector<16xi1>
        %masked_sort3A_795, %masked_sort3A_796, %masked_sort3A_797 = tpu.sort %select_n3A, %select_n3A_793 masked %masked_sort3A_794 {descending = true} : (vector<16xf32>, vector<16xi32>, vector<16xi1>) -> (vector<16xi1>, vector<16xf32>, vector<16xi32>)
        %rev3A_798 = arith.constant 15 : i32
        %rev3A_799 = vector.broadcast %rev3A_798 : i32 to vector<16xi32>
        %rev3A_800 = tpu.iota {dimensions = array<i32: 0>} : vector<16xi32>
        %rev3A_801 = arith.subi %rev3A_799, %rev3A_800 : vector<16xi32>
        %rev3A_802 = tpu.dynamic_gather %masked_sort3A_781[%rev3A_801] in [0] : vector<16xf32>, vector<16xi32> -> vector<16xf32>
        %rev3A_803 = arith.constant 15 : i32
        %rev3A_804 = vector.broadcast %rev3A_803 : i32 to vector<16xi32>
        %rev3A_805 = tpu.iota {dimensions = array<i32: 0>} : vector<16xi32>
        %rev3A_806 = arith.subi %rev3A_804, %rev3A_805 : vector<16xi32>
        %rev3A_807 = tpu.dynamic_gather %masked_sort3A_782[%rev3A_806] in [0] : vector<16xi32>, vector<16xi32> -> vector<16xi32>
        %ge3A_808 = arith.cmpf oge, %masked_sort3A_764, %rev3A_802 : vector<16xf32>
        %select_n3A_809 = arith.select %ge3A_808, %masked_sort3A_764, %rev3A_802 : vector<16xi1>, vector<16xf32>
        %select_n3A_810 = arith.select %ge3A_808, %masked_sort3A_765, %rev3A_807 : vector<16xi1>, vector<16xi32>
        %masked_sort3A_811 = arith.constant dense<true> : vector<16xi1>
        %masked_sort3A_812, %masked_sort3A_813, %masked_sort3A_814 = tpu.sort %select_n3A_809, %select_n3A_810 masked %masked_sort3A_811 {descending = true} : (vector<16xf32>, vector<16xi32>, vector<16xi1>) -> (vector<16xi1>, vector<16xf32>, vector<16xi32>)
        %rev3A_815 = arith.constant 15 : i32
        %rev3A_816 = vector.broadcast %rev3A_815 : i32 to vector<16xi32>
        %rev3A_817 = tpu.iota {dimensions = array<i32: 0>} : vector<16xi32>
        %rev3A_818 = arith.subi %rev3A_816, %rev3A_817 : vector<16xi32>
        %rev3A_819 = tpu.dynamic_gather %masked_sort3A_813[%rev3A_818] in [0] : vector<16xf32>, vector<16xi32> -> vector<16xf32>
        %rev3A_820 = arith.constant 15 : i32
        %rev3A_821 = vector.broadcast %rev3A_820 : i32 to vector<16xi32>
        %rev3A_822 = tpu.iota {dimensions = array<i32: 0>} : vector<16xi32>
        %rev3A_823 = arith.subi %rev3A_821, %rev3A_822 : vector<16xi32>
        %rev3A_824 = tpu.dynamic_gather %masked_sort3A_814[%rev3A_823] in [0] : vector<16xi32>, vector<16xi32> -> vector<16xi32>
        %ge3A_825 = arith.cmpf oge, %masked_sort3A_796, %rev3A_819 : vector<16xf32>
        %select_n3A_826 = arith.select %ge3A_825, %masked_sort3A_796, %rev3A_819 : vector<16xi1>, vector<16xf32>
        %select_n3A_827 = arith.select %ge3A_825, %masked_sort3A_797, %rev3A_824 : vector<16xi1>, vector<16xi32>
        %masked_sort3A_828 = arith.constant dense<true> : vector<16xi1>
        %masked_sort3A_829, %masked_sort3A_830, %masked_sort3A_831 = tpu.sort %select_n3A_826, %select_n3A_827 masked %masked_sort3A_828 {descending = true} : (vector<16xf32>, vector<16xi32>, vector<16xi1>) -> (vector<16xi1>, vector<16xf32>, vector<16xi32>)
        %rev3A_832 = arith.constant 15 : i32
        %rev3A_833 = vector.broadcast %rev3A_832 : i32 to vector<16xi32>
        %rev3A_834 = tpu.iota {dimensions = array<i32: 0>} : vector<16xi32>
        %rev3A_835 = arith.subi %rev3A_833, %rev3A_834 : vector<16xi32>
        %rev3A_836 = tpu.dynamic_gather %masked_sort3A_830[%rev3A_835] in [0] : vector<16xf32>, vector<16xi32> -> vector<16xf32>
        %rev3A_837 = arith.constant 15 : i32
        %rev3A_838 = vector.broadcast %rev3A_837 : i32 to vector<16xi32>
        %rev3A_839 = tpu.iota {dimensions = array<i32: 0>} : vector<16xi32>
        %rev3A_840 = arith.subi %rev3A_838, %rev3A_839 : vector<16xi32>
        %rev3A_841 = tpu.dynamic_gather %masked_sort3A_831[%rev3A_840] in [0] : vector<16xi32>, vector<16xi32> -> vector<16xi32>
        %ge3A_842 = arith.cmpf oge, %scan3A_713, %rev3A_836 : vector<16xf32>
        %select_n3A_843 = arith.select %ge3A_842, %scan3A_713, %rev3A_836 : vector<16xi1>, vector<16xf32>
        %select_n3A_844 = arith.select %ge3A_842, %scan3A_714, %rev3A_841 : vector<16xi1>, vector<16xi32>
        %masked_sort3A_845 = arith.constant dense<true> : vector<16xi1>
        %masked_sort3A_846, %masked_sort3A_847, %masked_sort3A_848 = tpu.sort %select_n3A_843, %select_n3A_844 masked %masked_sort3A_845 {descending = true} : (vector<16xf32>, vector<16xi32>, vector<16xi1>) -> (vector<16xi1>, vector<16xf32>, vector<16xi32>)
        scf.yield %masked_sort3A_847, %masked_sort3A_848 : vector<16xf32>, vector<16xi32>
      }
      %scan3A_557 = arith.constant 16 : i32
      %shift_right_arithmetic3A_558 = arith.constant 2 : i32
      %shift_right_arithmetic3A_559 = vector.broadcast %shift_right_arithmetic3A_558 : i32 to vector<16xi32>
      %shift_right_arithmetic3A_560 = arith.shrsi %scan3A_556#1, %shift_right_arithmetic3A_559 : vector<16xi32>
      %shift_left3A_561 = arith.constant 7 : i32
      %shift_left3A_562 = vector.broadcast %shift_left3A_561 : i32 to vector<16xi32>
      %shift_left3A_563 = arith.shli %shift_right_arithmetic3A_560, %shift_left3A_562 : vector<16xi32>
      %add3A_564 = vector.broadcast %mul3A_21 : i32 to vector<16xi32>
      %add3A_565 = arith.addi %add3A_564, %shift_left3A_563 : vector<16xi32>
      %and3A_566 = arith.constant 3 : i32
      %and3A_567 = vector.broadcast %and3A_566 : i32 to vector<16xi32>
      %and3A_568 = arith.andi %scan3A_556#1, %and3A_567 : vector<16xi32>
      %shift_left3A_569 = arith.constant 2 : i32
      %shift_left3A_570 = vector.broadcast %shift_left3A_569 : i32 to vector<16xi32>
      %shift_left3A_571 = arith.shli %and3A_568, %shift_left3A_570 : vector<16xi32>
      %add3A_572 = arith.addi %add3A_565, %shift_left3A_571 : vector<16xi32>
      %add3A_573 = arith.constant 3 : i32
      %add3A_574 = vector.broadcast %add3A_573 : i32 to vector<16xi32>
      %add3A_575 = arith.addi %add3A_572, %add3A_574 : vector<16xi32>
      %add3A_576 = arith.constant 0 : i32
      %add3A_577 = vector.broadcast %add3A_576 : i32 to vector<16xi32>
      %add3A_578 = arith.addi %add3A_575, %add3A_577 : vector<16xi32>
      %gather3A_579 = tpu.vector_load_idx %arg4[%add3A_578] : memref<65536xf32, #tpu.memory_space<vmem>>[vector<16xi32>], vector<16xf32>,
      %masked_sort3A_580 = arith.constant dense<true> : vector<16xi1>
      %masked_sort3A_581, %masked_sort3A_582, %masked_sort3A_583 = tpu.sort %gather3A_579, %gather3A_579 masked %masked_sort3A_580 {descending = true} : (vector<16xf32>, vector<16xf32>, vector<16xi1>) -> (vector<16xi1>, vector<16xf32>, vector<16xf32>)
      %add3A_584 = arith.constant 16 : i32
      %add3A_585 = vector.broadcast %add3A_584 : i32 to vector<16xi32>
      %add3A_586 = arith.addi %add3A_575, %add3A_585 : vector<16xi32>
      %gather3A_587 = tpu.vector_load_idx %arg4[%add3A_586] : memref<65536xf32, #tpu.memory_space<vmem>>[vector<16xi32>], vector<16xf32>,
      %masked_sort3A_588 = arith.constant dense<true> : vector<16xi1>
      %masked_sort3A_589, %masked_sort3A_590, %masked_sort3A_591 = tpu.sort %gather3A_587, %gather3A_587 masked %masked_sort3A_588 {descending = true} : (vector<16xf32>, vector<16xf32>, vector<16xi1>) -> (vector<16xi1>, vector<16xf32>, vector<16xf32>)
      %add3A_592 = arith.constant 32 : i32
      %add3A_593 = vector.broadcast %add3A_592 : i32 to vector<16xi32>
      %add3A_594 = arith.addi %add3A_575, %add3A_593 : vector<16xi32>
      %gather3A_595 = tpu.vector_load_idx %arg4[%add3A_594] : memref<65536xf32, #tpu.memory_space<vmem>>[vector<16xi32>], vector<16xf32>,
      %masked_sort3A_596 = arith.constant dense<true> : vector<16xi1>
      %masked_sort3A_597, %masked_sort3A_598, %masked_sort3A_599 = tpu.sort %gather3A_595, %gather3A_595 masked %masked_sort3A_596 {descending = true} : (vector<16xf32>, vector<16xf32>, vector<16xi1>) -> (vector<16xi1>, vector<16xf32>, vector<16xf32>)
      %add3A_600 = arith.constant 48 : i32
      %add3A_601 = vector.broadcast %add3A_600 : i32 to vector<16xi32>
      %add3A_602 = arith.addi %add3A_575, %add3A_601 : vector<16xi32>
      %gather3A_603 = tpu.vector_load_idx %arg4[%add3A_602] : memref<65536xf32, #tpu.memory_space<vmem>>[vector<16xi32>], vector<16xf32>,
      %masked_sort3A_604 = arith.constant dense<true> : vector<16xi1>
      %masked_sort3A_605, %masked_sort3A_606, %masked_sort3A_607 = tpu.sort %gather3A_603, %gather3A_603 masked %masked_sort3A_604 {descending = true} : (vector<16xf32>, vector<16xf32>, vector<16xi1>) -> (vector<16xi1>, vector<16xf32>, vector<16xf32>)
      %add3A_608 = arith.constant 64 : i32
      %add3A_609 = vector.broadcast %add3A_608 : i32 to vector<16xi32>
      %add3A_610 = arith.addi %add3A_575, %add3A_609 : vector<16xi32>
      %gather3A_611 = tpu.vector_load_idx %arg4[%add3A_610] : memref<65536xf32, #tpu.memory_space<vmem>>[vector<16xi32>], vector<16xf32>,
      %masked_sort3A_612 = arith.constant dense<true> : vector<16xi1>
      %masked_sort3A_613, %masked_sort3A_614, %masked_sort3A_615 = tpu.sort %gather3A_611, %gather3A_611 masked %masked_sort3A_612 {descending = true} : (vector<16xf32>, vector<16xf32>, vector<16xi1>) -> (vector<16xi1>, vector<16xf32>, vector<16xf32>)
      %add3A_616 = arith.constant 80 : i32
      %add3A_617 = vector.broadcast %add3A_616 : i32 to vector<16xi32>
      %add3A_618 = arith.addi %add3A_575, %add3A_617 : vector<16xi32>
      %gather3A_619 = tpu.vector_load_idx %arg4[%add3A_618] : memref<65536xf32, #tpu.memory_space<vmem>>[vector<16xi32>], vector<16xf32>,
      %masked_sort3A_620 = arith.constant dense<true> : vector<16xi1>
      %masked_sort3A_621, %masked_sort3A_622, %masked_sort3A_623 = tpu.sort %gather3A_619, %gather3A_619 masked %masked_sort3A_620 {descending = true} : (vector<16xf32>, vector<16xf32>, vector<16xi1>) -> (vector<16xi1>, vector<16xf32>, vector<16xf32>)
      %add3A_624 = arith.constant 96 : i32
      %add3A_625 = vector.broadcast %add3A_624 : i32 to vector<16xi32>
      %add3A_626 = arith.addi %add3A_575, %add3A_625 : vector<16xi32>
      %gather3A_627 = tpu.vector_load_idx %arg4[%add3A_626] : memref<65536xf32, #tpu.memory_space<vmem>>[vector<16xi32>], vector<16xf32>,
      %masked_sort3A_628 = arith.constant dense<true> : vector<16xi1>
      %masked_sort3A_629, %masked_sort3A_630, %masked_sort3A_631 = tpu.sort %gather3A_627, %gather3A_627 masked %masked_sort3A_628 {descending = true} : (vector<16xf32>, vector<16xf32>, vector<16xi1>) -> (vector<16xi1>, vector<16xf32>, vector<16xf32>)
      %add3A_632 = arith.constant 112 : i32
      %add3A_633 = vector.broadcast %add3A_632 : i32 to vector<16xi32>
      %add3A_634 = arith.addi %add3A_575, %add3A_633 : vector<16xi32>
      %gather3A_635 = tpu.vector_load_idx %arg4[%add3A_634] : memref<65536xf32, #tpu.memory_space<vmem>>[vector<16xi32>], vector<16xf32>,
      %masked_sort3A_636 = arith.constant dense<true> : vector<16xi1>
      %masked_sort3A_637, %masked_sort3A_638, %masked_sort3A_639 = tpu.sort %gather3A_635, %gather3A_635 masked %masked_sort3A_636 {descending = true} : (vector<16xf32>, vector<16xf32>, vector<16xi1>) -> (vector<16xi1>, vector<16xf32>, vector<16xf32>)
      %rev3A_640 = arith.constant 15 : i32
      %rev3A_641 = vector.broadcast %rev3A_640 : i32 to vector<16xi32>
      %rev3A_642 = tpu.iota {dimensions = array<i32: 0>} : vector<16xi32>
      %rev3A_643 = arith.subi %rev3A_641, %rev3A_642 : vector<16xi32>
      %rev3A_644 = tpu.dynamic_gather %masked_sort3A_590[%rev3A_643] in [0] : vector<16xf32>, vector<16xi32> -> vector<16xf32>
      %max3A_645 = arith.maximumf %masked_sort3A_582, %rev3A_644 : vector<16xf32>
      %masked_sort3A_646 = arith.constant dense<true> : vector<16xi1>
      %masked_sort3A_647, %masked_sort3A_648, %masked_sort3A_649 = tpu.sort %max3A_645, %max3A_645 masked %masked_sort3A_646 {descending = true} : (vector<16xf32>, vector<16xf32>, vector<16xi1>) -> (vector<16xi1>, vector<16xf32>, vector<16xf32>)
      %rev3A_650 = arith.constant 15 : i32
      %rev3A_651 = vector.broadcast %rev3A_650 : i32 to vector<16xi32>
      %rev3A_652 = tpu.iota {dimensions = array<i32: 0>} : vector<16xi32>
      %rev3A_653 = arith.subi %rev3A_651, %rev3A_652 : vector<16xi32>
      %rev3A_654 = tpu.dynamic_gather %masked_sort3A_606[%rev3A_653] in [0] : vector<16xf32>, vector<16xi32> -> vector<16xf32>
      %max3A_655 = arith.maximumf %masked_sort3A_598, %rev3A_654 : vector<16xf32>
      %masked_sort3A_656 = arith.constant dense<true> : vector<16xi1>
      %masked_sort3A_657, %masked_sort3A_658, %masked_sort3A_659 = tpu.sort %max3A_655, %max3A_655 masked %masked_sort3A_656 {descending = true} : (vector<16xf32>, vector<16xf32>, vector<16xi1>) -> (vector<16xi1>, vector<16xf32>, vector<16xf32>)
      %rev3A_660 = arith.constant 15 : i32
      %rev3A_661 = vector.broadcast %rev3A_660 : i32 to vector<16xi32>
      %rev3A_662 = tpu.iota {dimensions = array<i32: 0>} : vector<16xi32>
      %rev3A_663 = arith.subi %rev3A_661, %rev3A_662 : vector<16xi32>
      %rev3A_664 = tpu.dynamic_gather %masked_sort3A_622[%rev3A_663] in [0] : vector<16xf32>, vector<16xi32> -> vector<16xf32>
      %max3A_665 = arith.maximumf %masked_sort3A_614, %rev3A_664 : vector<16xf32>
      %masked_sort3A_666 = arith.constant dense<true> : vector<16xi1>
      %masked_sort3A_667, %masked_sort3A_668, %masked_sort3A_669 = tpu.sort %max3A_665, %max3A_665 masked %masked_sort3A_666 {descending = true} : (vector<16xf32>, vector<16xf32>, vector<16xi1>) -> (vector<16xi1>, vector<16xf32>, vector<16xf32>)
      %rev3A_670 = arith.constant 15 : i32
      %rev3A_671 = vector.broadcast %rev3A_670 : i32 to vector<16xi32>
      %rev3A_672 = tpu.iota {dimensions = array<i32: 0>} : vector<16xi32>
      %rev3A_673 = arith.subi %rev3A_671, %rev3A_672 : vector<16xi32>
      %rev3A_674 = tpu.dynamic_gather %masked_sort3A_638[%rev3A_673] in [0] : vector<16xf32>, vector<16xi32> -> vector<16xf32>
      %max3A_675 = arith.maximumf %masked_sort3A_630, %rev3A_674 : vector<16xf32>
      %masked_sort3A_676 = arith.constant dense<true> : vector<16xi1>
      %masked_sort3A_677, %masked_sort3A_678, %masked_sort3A_679 = tpu.sort %max3A_675, %max3A_675 masked %masked_sort3A_676 {descending = true} : (vector<16xf32>, vector<16xf32>, vector<16xi1>) -> (vector<16xi1>, vector<16xf32>, vector<16xf32>)
      %rev3A_680 = arith.constant 15 : i32
      %rev3A_681 = vector.broadcast %rev3A_680 : i32 to vector<16xi32>
      %rev3A_682 = tpu.iota {dimensions = array<i32: 0>} : vector<16xi32>
      %rev3A_683 = arith.subi %rev3A_681, %rev3A_682 : vector<16xi32>
      %rev3A_684 = tpu.dynamic_gather %masked_sort3A_658[%rev3A_683] in [0] : vector<16xf32>, vector<16xi32> -> vector<16xf32>
      %max3A_685 = arith.maximumf %masked_sort3A_648, %rev3A_684 : vector<16xf32>
      %masked_sort3A_686 = arith.constant dense<true> : vector<16xi1>
      %masked_sort3A_687, %masked_sort3A_688, %masked_sort3A_689 = tpu.sort %max3A_685, %max3A_685 masked %masked_sort3A_686 {descending = true} : (vector<16xf32>, vector<16xf32>, vector<16xi1>) -> (vector<16xi1>, vector<16xf32>, vector<16xf32>)
      %rev3A_690 = arith.constant 15 : i32
      %rev3A_691 = vector.broadcast %rev3A_690 : i32 to vector<16xi32>
      %rev3A_692 = tpu.iota {dimensions = array<i32: 0>} : vector<16xi32>
      %rev3A_693 = arith.subi %rev3A_691, %rev3A_692 : vector<16xi32>
      %rev3A_694 = tpu.dynamic_gather %masked_sort3A_678[%rev3A_693] in [0] : vector<16xf32>, vector<16xi32> -> vector<16xf32>
      %max3A_695 = arith.maximumf %masked_sort3A_668, %rev3A_694 : vector<16xf32>
      %masked_sort3A_696 = arith.constant dense<true> : vector<16xi1>
      %masked_sort3A_697, %masked_sort3A_698, %masked_sort3A_699 = tpu.sort %max3A_695, %max3A_695 masked %masked_sort3A_696 {descending = true} : (vector<16xf32>, vector<16xf32>, vector<16xi1>) -> (vector<16xi1>, vector<16xf32>, vector<16xf32>)
      %rev3A_700 = arith.constant 15 : i32
      %rev3A_701 = vector.broadcast %rev3A_700 : i32 to vector<16xi32>
      %rev3A_702 = tpu.iota {dimensions = array<i32: 0>} : vector<16xi32>
      %rev3A_703 = arith.subi %rev3A_701, %rev3A_702 : vector<16xi32>
      %rev3A_704 = tpu.dynamic_gather %masked_sort3A_698[%rev3A_703] in [0] : vector<16xf32>, vector<16xi32> -> vector<16xf32>
      %max3A_705 = arith.maximumf %masked_sort3A_688, %rev3A_704 : vector<16xf32>
      %masked_sort3A_706 = arith.constant dense<true> : vector<16xi1>
      %masked_sort3A_707, %masked_sort3A_708, %masked_sort3A_709 = tpu.sort %max3A_705, %max3A_705 masked %masked_sort3A_706 {descending = true} : (vector<16xf32>, vector<16xf32>, vector<16xi1>) -> (vector<16xi1>, vector<16xf32>, vector<16xf32>)
      %swap3A_710 = arith.constant 48 : index
      %swap3A_711 = tpu.vector_load %arg6[%swap3A_710] {strides = array<i32>} : memref<64xf32, #tpu.memory_space<vmem>>, vector<16xf32>,
      tpu.vector_store %arg6[%swap3A_710], %masked_sort3A_708 {strides = array<i32>} : memref<64xf32, #tpu.memory_space<vmem>>, vector<16xf32>,
      "tpu.region"() ({
        %run_scoped3A = tpu.sem_alloc : memref<!tpu.dma_semaphore, #tpu.memory_space<semaphore_mem>>
        %dma_start3A_712 = arith.constant 0 : i32
        %dma_start3A_713 = tpu.memref_slice %arg3[%add3A_18, %dma_start3A_712] : memref<512x64xf32, #tpu.memory_space<hbm>> -> memref<1x64xf32, #tpu.memory_space<hbm>>
        %dma_start3A_714 = tpu.memref_squeeze %dma_start3A_713 : memref<1x64xf32, #tpu.memory_space<hbm>> -> memref<64xf32, #tpu.memory_space<hbm>>
        %dma_start3A_715 = arith.constant 0 : i32
        %dma_start3A_716 = tpu.memref_slice %arg3[%add3A_18, %dma_start3A_715] : memref<512x64xf32, #tpu.memory_space<hbm>> -> memref<1x64xf32, #tpu.memory_space<hbm>>
        %dma_start3A_717 = tpu.memref_squeeze %dma_start3A_716 : memref<1x64xf32, #tpu.memory_space<hbm>> -> memref<64xf32, #tpu.memory_space<hbm>>
        tpu.enqueue_dma source(%arg6 : memref<64xf32, #tpu.memory_space<vmem>>) target(%dma_start3A_717 : memref<64xf32, #tpu.memory_space<hbm>>) target_semaphore(%run_scoped3A : memref<!tpu.dma_semaphore, #tpu.memory_space<semaphore_mem>>)
        %dma_wait3A_718 = arith.constant 0 : i32
        %dma_wait3A_719 = tpu.memref_slice %arg3[%add3A_18, %dma_wait3A_718] : memref<512x64xf32, #tpu.memory_space<hbm>> -> memref<1x64xf32, #tpu.memory_space<hbm>>
        %dma_wait3A_720 = tpu.memref_squeeze %dma_wait3A_719 : memref<1x64xf32, #tpu.memory_space<hbm>> -> memref<64xf32, #tpu.memory_space<hbm>>
        %dma_wait3A_721 = arith.constant 0 : i32
        %dma_wait3A_722 = tpu.memref_slice %arg3[%add3A_18, %dma_wait3A_721] : memref<512x64xf32, #tpu.memory_space<hbm>> -> memref<1x64xf32, #tpu.memory_space<hbm>>
        %dma_wait3A_723 = tpu.memref_squeeze %dma_wait3A_722 : memref<1x64xf32, #tpu.memory_space<hbm>> -> memref<64xf32, #tpu.memory_space<hbm>>
        tpu.wait_dma2 semaphore(%run_scoped3A : memref<!tpu.dma_semaphore, #tpu.memory_space<semaphore_mem>>) src(%arg6 : memref<64xf32, #tpu.memory_space<vmem>>) dst(%dma_wait3A_723 : memref<64xf32, #tpu.memory_space<hbm>>)
        tpu.yield
      }) : () -> ()
    }
    %scan3A_16 = arith.constant 16 : i32
    return
  }
}

</mosaic_0001>

<sc_bundles>
// kernel: kernel.3.cloned.1.call-start
scs
__scs_entry_jumppad:
0x0: {  	(pc) =	sbr.rel $0x88, $3  }
0x1: {  	(tag) =	ssettag $0x0;
	lr =	simm.s32 $0x1  }
0x2: {  	[smem:$0x3FA0] =	sst lr;
	_ =	strace $0xD0000000  }
0x3: {  	_ = 	snop  }
0x4: {  	_ = 	snop  }
0x5: {  	_ = 	snop  }
0x6: {  	_ = 	snop  }
0x7: {  	_ = 	snop  }
__scs_overlays_trampoline_lowered:
0x8: {  	[smem:$0x3FAF] =	sst s0  }
0x9: {  	[smem:$0x3FB0] =	sst s1  }
0xa: {  	[smem:$0x3FB1] =	sst s2  }
0xb: {  	[smem:$0x3FB2] =	sst s3  }
0xc: {  	[smem:$0x3FB3] =	sst s4  }
0xd: {  	[smem:$0x3FB4] =	sst s5  }
0xe: {  	[smem:$0x3FB5] =	sst s6  }
0xf: {  	[smem:$0x3FB6] =	sst s7  }
0x10: {  	[smem:$0x3FB7] =	sst s8  }
0x11: {  	[smem:$0x3FB8] =	sst s9;
	s0 =	simm.s32 @!p0 $0x0  }
0x12: {  	s1 =	sld [smem:$0x3F9E];
	s0 =	simm.s32 @p0 $0x1  }
0x13: {  	[smem:$0x3FB9] =	sst s0;
	s0 =	simm.s32 @!p1 $0x0  }
0x14: {  	s2 =	sld [smem:$0x3F9D];
	s0 =	simm.s32 @p1 $0x1  }
0x15: {  	[smem:$0x3FBA] =	sst s0;
	s0 =	simm.s32 @!p2 $0x0  }
0x16: {  	s3 =	sld [smem:$0x3FDB];
	s0 =	simm.s32 @p2 $0x1  }
0x17: {  	s4 =	simm.s32 $0x1BF5;
	[smem:$0x3FBC] =	sst s0  }
0x18: {  	s0 =	sld [smem:$0x3F9F];
	_ =	swait.ge [sflag:s4], $0x0  }
0x19: {  	s7 =	sld [smem:$0x3FA0]  }
0x1a: {  	s8 =	sadd.s32 $0xFFFFE003, lr  }
0x1b: {  	s9 =	sadd.s32 $0xFFFFFEF7, lr;
	s5 =	simm.s32 $0xFFFFFFFF;
	p2 =	slt.u32 s8, $0xFFFFF086  }
0x1c: {  	p1 =	slt.u32 s9, $0xF7A;
	s5 =	simm.s32 @!p2 $0x0  }
0x1d: {  	s5 =	simm.s32 @p1 $0x1;
	p0 =	seq.s32 s7, s2  }
0x1e: {  	s7 =	smul.u32 @!p0 $0xF7A, s2;
	p2 =	seq.s32 @!p0 s5, $0x0  }
0x1f: {  	s9 =	smul.u32 $0xF7A, s1;
	s8 =	simm.s32 @!p0 $0x1BF5;
	p2 =	por !p2, p0  }
0x20: {  	[sflag:s8] =	ssyncset.s32 @!p0 $0xFFFFF086;
	s6 =	sadd.s32 @!p0 s3, s7;
	s7 =	simm.s32 @!p0 $0x108  }
0x21: {  	s3 =	sadd.s32 s3, s9;
	s6 =	sadd.s32 @!p0 $0x88, s6;
	s7 =	simm.s32 @p2 $0x1082  }
0x22: {  	[simem:s7], [sflag:s8] =	dma.local @!p0 [hbm:s6], $0xF7A  }
0x23: {  	s9 =	sor.u32 $0xD0000000, s2;
	s6 =	simm.s32 $0x108;
	_ =	swait.ge @!p0 [sflag:s8], $0x0  }
0x24: {  	s3 =	sadd.s32 $0x88, s3;
	s6 =	simm.s32 @!p1 $0x1082;
	[sflag:s4] =	ssyncset.s32 $0xFFFFF086  }
0x25: {  	[simem:s6], [sflag:s4] =	dma.local [hbm:s3], $0xF7A  }
0x26: {  	[smem:$0x3FA0] =	sst s1;
	(tag) =	ssettag s2;
	_ =	strace s9  }
0x27: {  	s1 =	sld [smem:$0x3FB0]  }
0x28: {  	s2 =	sld [smem:$0x3FB1]  }
0x29: {  	s4 =	sld [smem:$0x3FB3]  }
0x2a: {  	p0 =	seq.s32 s5, $0x0;
	s5 =	sld [smem:$0x3FB4]  }
0x2b: {  	s6 =	sld [smem:$0x3FB5]  }
0x2c: {  	s7 =	sld [smem:$0x3FB6]  }
0x2d: {  	s3 =	simm.s32 $0x108;
	s8 =	sld [smem:$0x3FB7]  }
0x2e: {  	s3 =	simm.s32 @!p0 $0x1082;
	s9 =	sld [smem:$0x3FB8]  }
0x2f: {  	lr =	sadd.s32 s0, s3;
	s0 =	sld [smem:$0x3FAF]  }
0x30: {  	s3 =	sld [smem:$0x3FB2]  }
0x31: {  	[smem:$0x3FBB] =	sst s10  }
0x32: {  	s10 =	sld [smem:$0x3FB9];
	_ =	sdelay $0x3  }
0x33: {  	p0 =	seq.s32 s10, $0x1;
	s10 =	sld [smem:$0x3FBB];
	_ =	sdelay $0x3  }
0x34: {  	[smem:$0x3FBB] =	sst s10  }
0x35: {  	s10 =	sld [smem:$0x3FBA];
	_ =	sdelay $0x3  }
0x36: {  	p1 =	seq.s32 s10, $0x1;
	s10 =	sld [smem:$0x3FBB];
	_ =	sdelay $0x3  }
0x37: {  	[smem:$0x3FBB] =	sst s10  }
0x38: {  	s10 =	sld [smem:$0x3FBC]  }
0x39: {  	_ = 	snop;
	(pc) =	sbr.ind lr, $3  }
0x3a: {  	_ = 	snop  }
0x3b: {  	_ = 	snop  }
0x3c: {  	p2 =	seq.s32 s10, $0x1;
	s10 =	sld [smem:$0x3FBB]  }
0x3d: {  	_ =	shalt  }
0x3e: {  	_ =	shalt  }
0x3f: {  	_ =	shalt  }
0x40: {  	_ =	shalt  }
0x41: {  	_ =	shalt  }
0x42: {  	_ =	shalt  }
0x43: {  	_ =	shalt  }
0x44: {  	_ =	shalt  }
0x45: {  	_ =	shalt  }
0x46: {  	_ =	shalt  }
0x47: {  	_ =	shalt  }
0x48: {  	_ =	shalt  }
0x49: {  	_ =	shalt  }
0x4a: {  	_ =	shalt  }
0x4b: {  	_ =	shalt  }
0x4c: {  	_ =	shalt  }
0x4d: {  	_ =	shalt  }
0x4e: {  	_ =	shalt  }
0x4f: {  	_ =	shalt  }
0x50: {  	_ =	shalt  }
0x51: {  	_ =	shalt  }
0x52: {  	_ =	shalt  }
0x53: {  	_ =	shalt  }
0x54: {  	_ =	shalt  }
0x55: {  	_ =	shalt  }
0x56: {  	_ =	shalt  }
0x57: {  	_ =	shalt  }
0x58: {  	_ =	shalt  }
0x59: {  	_ =	shalt  }
0x5a: {  	_ =	shalt  }
0x5b: {  	_ =	shalt  }
0x5c: {  	_ =	shalt  }
0x5d: {  	_ =	shalt  }
0x5e: {  	_ =	shalt  }
0x5f: {  	_ =	shalt  }
0x60: {  	_ =	shalt  }
0x61: {  	_ =	shalt  }
0x62: {  	_ =	shalt  }
0x63: {  	_ =	shalt  }
0x64: {  	_ =	shalt  }
0x65: {  	_ =	shalt  }
0x66: {  	_ =	shalt  }
0x67: {  	_ =	shalt  }
0x68: {  	_ =	shalt  }
0x69: {  	_ =	shalt  }
0x6a: {  	_ =	shalt  }
0x6b: {  	_ =	shalt  }
0x6c: {  	_ =	shalt  }
0x6d: {  	_ =	shalt  }
0x6e: {  	_ =	shalt  }
0x6f: {  	_ =	shalt  }
0x70: {  	_ =	shalt  }
0x71: {  	_ =	shalt  }
0x72: {  	_ =	shalt  }
0x73: {  	_ =	shalt  }
0x74: {  	_ =	shalt  }
0x75: {  	_ =	shalt  }
0x76: {  	_ =	shalt  }
0x77: {  	_ =	shalt  }
0x78: {  	_ =	shalt  }
0x79: {  	_ =	shalt  }
0x7a: {  	_ =	shalt  }
0x7b: {  	_ =	shalt  }
0x7c: {  	_ =	shalt  }
0x7d: {  	_ =	shalt  }
0x7e: {  	_ =	shalt  }
0x7f: {  	_ =	shalt  }
0x80: {  	_ =	shalt  }
0x81: {  	_ =	shalt  }
0x82: {  	_ =	shalt  }
0x83: {  	_ =	shalt  }
0x84: {  	_ =	shalt  }
0x85: {  	_ =	shalt  }
0x86: {  	_ =	shalt  }
0x87: {  	_ =	shalt  }
.Lfunc_end0:
.L_simem_size_0:
called_computation_lowered:
.L_overlay_start_0:
0x88: {  	s2 =	sld [smem:$0x3FD9]  }
0x89: {  	s3 =	sld [smem:$0x3FFE];
	_ =	sdelay $0x1  }
0x8a: {  	s1 =	srdreg.scid  }
0x8b: {  	s0 =	sand.u32 $0x1, s1  }
0x8c: {  	s17 =	sshll.u32 s0, $0xA;
	s2 =	sadd.s32 s3, s2  }
0x8d: {  	s2 =	sadd.s32 s2, s17  }
0x8e: {  	[smem:$0x3FC7] =	sst s2  }
0x8f: {  	_ = 	snop  }
0x90: {  	s2 =	sld [smem:$0x3FD0];
	(tm) =	ssettm $0x1  }
0x91: {  	s18 =	sld [smem:$0x3FFB];
	_ =	sdelay $0x3  }
0x92: {  	_ =	strace s18  }
0x93: {  	s3 =	sld [smem:$0x3FFC];
	_ =	sdelay $0x3  }
0x94: {  	_ =	strace s3  }
0x95: {  	s3 =	sld [smem:$0x3FFD];
	_ =	sdelay $0x3  }
0x96: {  	_ =	strace s3  }
0x97: {  	_ =	strace $0x8FFFFFFF  }
0x98: {  	s19 =	sld [smem:$0x3FDB];
	_ =	sdelay $0x1  }
0x99: {  	s4 =	simm.s32 $_scs_section_size  }
0x9a: {  	s5 =	simm.s32 $_size__tile_overlayer_lowered;
	s6 =	simm.s32 $_tile_overlayer_lowered  }
0x9b: {  	s22 =	simm.s32 $0x1BFF;
	s21 =	sshll.u32 s6, $0x1;
	s3 =	sadd.s32 s4, s19  }
0x9c: {  	s7 =	simm.s32 $0x0;
	s20 =	sshll.u32 s5, $0x1;
	s5 =	sadd.s32 s21, s3  }
0x9d: {  	[timem:s7], [sflag:s22] =	dma.local [hbm:s5], s20  }
0x9e: {  	_ =	swait.ge [sflag:s22], s20  }
0x9f: {  	s4 =	ssub.s32 $0x0, s20;
	[sflag:s22] =	ssyncset.done $0x0  }
0xa0: {  	[sflag:s22] =	ssyncadd.s32 s4;
	_ =	sdelay $0x1  }
0xa1: {  	s23 =	simm.s32 $0x1B8B  }
0xa2: {  	_ =	swait.ge [sflag:s23], $0x1  }
0xa3: {  	[sflag:s23] =	ssyncset.done $0x0  }
0xa4: {  	s25 =	simm.s32 $0x1B8E;
	s24 =	sld [smem:$0x3FFE];
	[sflag:s23] =	ssyncadd.s32 $0xFFFFFFFF  }
0xa5: {  	s26 =	simm.s32 $execute0_lowered;
	[smem:$0x3FD2] =	sst s25  }
0xa6: {  	s5 =	sshll.u32 s26, $0x1;
	_ =	strace $0x80000046;
	[dreg:$0x1] =	wrdreg $0xFFFFFFFF  }
0xa7: {  	s28 =	simm.s32 $_size_execute0_lowered;
	s3 =	sadd.s32 s3, s5;
	[dreg:$0x0] =	wrdreg $0x0  }
0xa8: {  	s5 =	sshll.u32 s28, $0x1;
	[dreg:$0x2] =	wrdreg s3  }
0xa9: {  	[dreg:$0x3] =	wrdreg s5  }
0xaa: {  	[dreg:$0x4] =	wrdreg $0xC0  }
0xab: {  	_ =	task [dreg:s7], $0x5FFFF  }
0xac: {  	[dreg:$0x1] =	wrdreg $0xFFFFFFFF  }
0xad: {  	[dreg:$0x0] =	wrdreg $0x60  }
0xae: {  	[dreg:$0x2] =	wrdreg s24  }
0xaf: {  	[dreg:$0x3] =	wrdreg s2  }
0xb0: {  	[dreg:$0x4] =	wrdreg $0x9  }
0xb1: {  	_ =	task.clear_ibuf [dreg:s7], $0x5FFFF;
	_ =	strace $0x90000046  }
0xb2: {  	s29 =	simm.s32 $0x9;
	_ =	strace $0x80000048  }
0xb3: {  	_ =	swait.ge [sflag:s29], $0x1  }
0xb4: {  	[sflag:s29] =	ssyncadd.s32 $0xFFFFFFFF  }
0xb5: {  	_ =	strace $0x90000048  }
0xb6: {  	_ =	sfence  }
0xb7: {  	s30 =	sld [smem:$0x0];
	_ =	sdelay $0x2  }
0xb8: {  	s31 =	sshll.u32 s1, $0xD;
	s1 =	sshrl.u32 s1, $0x2  }
0xb9: {  	s3 =	sand.u32 $0x4000, s31;
	s1 =	sadd.s32 s1, s30  }
0xba: {  	s0 =	sor.u32 s3, s0;
	s1 =	sshll.u32 s1, $0x11  }
0xbb: {  	s0 =	sor.u32 s1, s0  }
0xbc: {  	s0 =	sadd.s32 $0x8F2B, s0  }
0xbd: {  	[sflag:s0] =	ssyncadd.remote.s32 $0x1  }
0xbe: {  	_ =	sfence.sel $0xFFFF  }
0xbf: {  	[dreg:$0x0] =	wrdreg $0xFFFFFFFF;
	(pc) =	sbr.abs _section_cstart, $3  }
0xc0: {  	[dreg:$0x1] =	wrdreg $0xFFFFFFFF  }
0xc1: {  	_ =	task.clear_ibuf [dreg:s7], $0x2FFFF;
	_ =	strace $0x9FFFFFFF  }
0xc2: {  	(tm) =	ssettm $0x7FFFFFFF  }
0xc3: {  	_ =	shalt  }
tec
execute0_lowered:
.L_overlay_start_1:
0x0: {  	(tag) =	ssettag $0x1  }
0x1: {  	s5 =	rddreg [dreg:$0x0]  }
0x2: {  	s1 =	rddreg [dreg:$0x1]  }
0x3: {  	s0 =	rddreg [dreg:$0x2];
	s3 =	simm.s32 $0x0;
	s4 =	srdreg.scid  }
0x4: {  	s2 =	stileid.u32;
	s9 =	simm.s32 $0x400;
	s10 =	simm.s32 $0x1  }
0x5: {  	s11 =	simm.s32 $0x10000;
	s12 =	simm.s32 $0x11000;
	s13 =	simm.s32 $0x2  }
0x6: {  	v0 =	vlaneseq.u32;
	s14 =	simm.s32 $0x0;
	[smem:$0x7FF] =	sst s3;
	s4 =	sand.u32 $0x1, s4  }
0x7: {  	s7 =	sshll.u32 s2, $0x5;
	v1 =	vmul.u32 $0x4, v0;
	s6 =	ssub.s32 $0x2, s4;
	s4 =	sshll.u32 s4, $0x4  }
0x8: {  	v2 =	vimm.s32 $0x0;
	vm0 =	vcmask $0x300;
	s5 =	sadd.s32 $0x400, s5;
	v4 =	vmul.u32 $0xFFFFFFFF, v0;
	s8 =	sshrl.u32 s6, $0x1;
	s4 =	sor.u32 s4, s7  }
0x9: {  	v2 =	vsel vm0, $0x7, v2;
	_ =	strace $0x80000047;
	v3 =	vor.u32 $0x40, v1;
	s30 =	ssub.s32 s6, s8;
	s31 =	sshll.u32 s4, $0xC  }
0xa: {  	v4 =	vadd.s32 $0xF, v4;
	v5 =	vor.u32 $0x1, v1;
	v6 =	vor.u32 $0x41, v1;
	s8 =	simm.s32 $0x80;
	s6 =	sadd.s32 s5, s31;
	s7 =	smax.u32 s30, $0x1  }
.LBB2_1:
0xb: {  	[tilespmem:s3], [sflag:$0x1] =	stream.strided.gather [hbm4b:s6+s8], $0x8000, s9, s8, $0x38;
	[tilespmem:$0x11080] =	vst v63  }
0xc: {  	p0 =	por $0x0, $0x0;
	s16 =	simm.s32 $0x0  }
.LBB2_2:
0xd: {  	s15 =	simm.s32 $0x1  }
0xe: {  	p1 =	seq.s32 s16, $0xF;
	s18 =	sshll.u32 s16, $0xF;
	s15 =	simm.s32 @!p0 $0x0  }
0xf: {  	_ =	swait.ge [sflag:s10], $0x8000;
	s17 =	sshll.u32 s15, $0xF;
	s15 =	sor.u32 s4, s16  }
0x10: {  	s31 =	sshll.u32 s16, $0x4;
	s18 =	sand.u32 $0x8000, s18;
	s19 =	sadd.s32 @!p1 $0x1, s15  }
0x11: {  	[sflag:s10] =	ssyncset.done $0x0;
	s22 =	simm.s32 @!p1 $0x400;
	s20 =	sshll.u32 @!p1 s19, $0x4  }
0x12: {  	[sflag:s10] =	ssyncadd.s32 $0xFFFF8000;
	s19 =	sshll.u32 @!p1 s19, $0xC;
	s20 =	sand.u32 @!p1 $0x70, s20  }
0x13: {  	s21 =	ssub.s32 @!p1 $0x8000, s18;
	s19 =	sand.u32 @!p1 $0xFFF8000, s19;
	s20 =	sadd.s32 @!p1 s5, s20  }
0x14: {  	s16 =	sadd.s32 $0x1, s16;
	s19 =	sadd.s32 @!p1 s19, s20;
	s20 =	simm.s32 @!p1 $0x80  }
0x15: {  	[tilespmem:s21], [sflag:$0x1] =	stream.strided.gather @!p1 [hbm4b:s19+s20], $0x8000, s22, s20, $0x38;
	[tilespmem:$0x11080] =	vst v63  }
0x16: {  	s19 =	sor.u32 $0x80, s17;
	s17 =	sand.u32 $0x70, s31;
	s20 =	simm.s32 $0x0  }
.LBB2_3:
0x17: {  	v7 =	vld [tilespmem:s19+$0xFFFFFF80]  }
0x18: {  	v8 =	vld [tilespmem:s19+$0xFFFFFF90]  }
0x19: {  	v9 =	vld [tilespmem:s19+$0xFFFFFFA0]  }
0x1a: {  	v10 =	vld [tilespmem:s19+$0xFFFFFFB0]  }
0x1b: {  	v11 =	vld [tilespmem:s19+$0xFFFFFFC0]  }
0x1c: {  	v12 =	vld [tilespmem:s19+$0xFFFFFFD0]  }
0x1d: {  	v7 =	vmax.f32 v7, v8;
	v8 =	vld [tilespmem:s19+$0xFFFFFFE0]  }
0x1e: {  	v58 =	vld [tilespmem:s19+$0xFFFFFFF0];
	v7 =	vmax.f32 v7, v9  }
0x1f: {  	v7 =	vmax.f32 v7, v10  }
0x20: {  	v7 =	vmax.f32 v7, v11  }
0x21: {  	v7 =	vmax.f32 v7, v12  }
0x22: {  	v7 =	vmax.f32 v7, v8  }
0x23: {  	s21 =	sshra.s32 s20, $0x2;
	v7 =	vmax.f32 v7, v58  }
0x24: {  	[tilespmem:s21+$0x10000] =	vst v7  }
0x25: {  	v7 =	vld [tilespmem:s19+$0x0]  }
0x26: {  	v8 =	vld [tilespmem:s19+$0x10]  }
0x27: {  	v59 =	vld [tilespmem:s19+$0x20]  }
0x28: {  	v60 =	vld [tilespmem:s19+$0x30]  }
0x29: {  	v61 =	vld [tilespmem:s19+$0x40]  }
0x2a: {  	v62 =	vld [tilespmem:s19+$0x50]  }
0x2b: {  	v7 =	vmax.f32 v7, v8;
	v8 =	vld [tilespmem:s19+$0x60]  }
0x2c: {  	v63 =	vld [tilespmem:s19+$0x70];
	v7 =	vmax.f32 v7, v59  }
0x2d: {  	p1 =	sne.s32 s20, $0x3F80;
	v7 =	vmax.f32 v7, v60  }
.Ltmp0:
0x2e: {  	v7 =	vmax.f32 v7, v61;
	(pc) =	sbr.rel @p1 .LBB2_3-.Ltmp0, $4  }
0x2f: {  	v7 =	vmax.f32 v7, v62  }
0x30: {  	v7 =	vmax.f32 v7, v8  }
0x31: {  	v7 =	vmax.f32 v7, v63  }
0x32: {  	s20 =	sadd.s32 $0x80, s20;
	s19 =	sadd.s32 $0x100, s19;
	[tilespmem:s21+$0x10010] =	vst v7  }
0x33: {  	s19 =	simm.s32 $0xC0  }
0x34: {  	s20 =	simm.s32 $0x0;
	s21 =	simm.s32 $0x40;
	v7 =	vmov s19  }
0x35: {  	v8 =	vmov s20;
	s20 =	simm.s32 $0x80;
	v9 =	vmov s21;
	v7 =	vshrl.u32 v7, $0x7  }
0x36: {  	v10 =	vmov s20;
	v8 =	vshrl.u32 v8, $0x7;
	v7 =	vshll.u32 v7, v2  }
0x37: {  	v9 =	vshrl.u32 v9, $0x7;
	v8 =	vshll.u32 v8, v2;
	v7 =	vbroadcast v7, $0x0  }
0x38: {  	v9 =	vshll.u32 v9, v2;
	v10 =	vshrl.u32 v10, $0x7;
	v8 =	vbroadcast v8, $0x0  }
0x39: {  	v9 =	vbroadcast v9, $0x0;
	v10 =	vshll.u32 v10, v2;
	v7 =	vor.u32 v3, v7  }
0x3a: {  	v10 =	vbroadcast v10, $0x0;
	v8 =	vor.u32 v1, v8  }
0x3b: {  	v9 =	vor.u32 v3, v9  }
0x3c: {  	v10 =	vor.u32 v1, v10;
	_ =	sdelay $0x1  }
0x3d: {  	v7 =	vld.idx.msk [tilespmem:v7+s11+$0x0], $0xffff  }
0x3e: {  	v8 =	vld.idx.msk [tilespmem:v8+s11+$0x0], $0xffff  }
0x3f: {  	v9 =	vld.idx.msk [tilespmem:v9+s11+$0x0], $0xffff  }
0x40: {  	s22 =	simm.s32 $0x100;
	s21 =	simm.s32 $0x30;
	v10 =	vld.idx.msk [tilespmem:v10+s11+$0x0], $0xffff  }
0x41: {  	s23 =	simm.s32 $0x1C0;
	s24 =	simm.s32 $0x140;
	s25 =	simm.s32 $0x0;
	v11 =	vmov s22;
	v12 =	vor.u32 s21, v0  }
0x42: {  	s26 =	simm.s32 $0x10;
	s22 =	simm.s32 $0x180;
	v13 =	vmov s23;
	v14 =	vmov s24;
	v15 =	vor.u32 s25, v0;
	(xrf1) =	vsort.dscd.msk.f32 $0xffff, v7, v12  }
0x43: {  	s28 =	simm.s32 $0x20;
	v7 =	vmov s22;
	v12 =	vshrl.u32 v13, $0x7;
	v13 =	vor.u32 s26, v0;
	(xrf1) =	vsort.dscd.msk.f32 $0xffff, v8, v15  }
0x44: {  	v8 =	vshrl.u32 v11, $0x7;
	v11 =	vshll.u32 v12, v2;
	v12 =	vor.u32 s28, v0;
	(xrf1) =	vsort.dscd.msk.f32 $0xffff, v9, v13  }
0x45: {  	v8 =	vshll.u32 v8, v2;
	v9 =	vshrl.u32 v14, $0x7;
	v11 =	vbroadcast v11, $0x0;
	(xrf1) =	vsort.dscd.msk.f32 $0xffff, v10, v12  }
0x46: {  	v7 =	vshrl.u32 v7, $0x7;
	v8 =	vbroadcast v8, $0x0;
	v9 =	vshll.u32 v9, v2  }
0x47: {  	v7 =	vshll.u32 v7, v2;
	v9 =	vbroadcast v9, $0x0;
	v10 =	vor.u32 v3, v11  }
0x48: {  	v7 =	vbroadcast v7, $0x0;
	v8 =	vor.u32 v1, v8  }
0x49: {  	v9 =	vor.u32 v3, v9  }
0x4a: {  	v7 =	vor.u32 v1, v7;
	_ =	sdelay $0x1  }
0x4b: {  	s23 =	simm.s32 $0x280;
	s24 =	simm.s32 $0x40;
	v10 =	vld.idx.msk [tilespmem:v10+s11+$0x0], $0xffff  }
0x4c: {  	s29 =	simm.s32 $0x2C0;
	s31 =	simm.s32 $0x70;
	v16 =	vor.u32 s24, v0;
	s22 =	simm.s32 $0x240;
	v15 =	vmov s23;
	v8 =	vld.idx.msk [tilespmem:v8+s11+$0x0], $0xffff  }
0x4d: {  	v13 =	vor.u32 s31, v0;
	v14 =	vmov s22;
	v12 =	vmov s29;
	v9 =	vld.idx.msk [tilespmem:v9+s11+$0x0], $0xffff  }
0x4e: {  	s30 =	simm.s32 $0x200;
	v15 =	vshrl.u32 v15, $0x7;
	v14 =	vshrl.u32 v14, $0x7;
	v12 =	vshrl.u32 v12, $0x7;
	v7 =	vld.idx.msk [tilespmem:v7+s11+$0x0], $0xffff  }
0x4f: {  	v15 =	vshll.u32 v15, v2;
	v11 =	vmov s30;
	v12 =	vshll.u32 v12, v2;
	v17, v18, _ =	vpop (xrf1)  }
0x50: {  	s25 =	simm.s32 $0x50;
	v14 =	vshll.u32 v14, v2;
	v11 =	vshrl.u32 v11, $0x7;
	v12 =	vbroadcast v12, $0x0;
	v19, v20, _ =	vpop (xrf1);
	(xrf1) =	vsort.dscd.msk.f32 $0xffff, v10, v13  }
0x51: {  	v21 =	vor.u32 s25, v0;
	s26 =	simm.s32 $0x60;
	v11 =	vshll.u32 v11, v2;
	v10, v13, _ =	vpop (xrf1);
	(xrf1) =	vsort.dscd.msk.f32 $0xffff, v8, v16;
	v8 =	vperm.xlane v17, v4  }
0x52: {  	v22 =	vor.u32 s26, v0;
	v12 =	vor.u32 v3, v12;
	v16, v17, _ =	vpop (xrf1);
	(xrf1) =	vsort.dscd.msk.f32 $0xffff, v9, v21;
	v9 =	vperm.xlane v18, v4  }
0x53: {  	v11 =	vbroadcast v11, $0x0;
	v10 =	vperm.xlane v10, v4;
	(xrf1) =	vsort.dscd.msk.f32 $0xffff, v7, v22;
	vm0 =	vge.f32 v16, v8  }
0x54: {  	v7 =	vperm.xlane v13, v4;
	v8 =	vsel vm0, v16, v8;
	v9 =	vsel vm0, v17, v9  }
0x55: {  	v11 =	vor.u32 v1, v11;
	v13 =	vbroadcast v14, $0x0;
	vm7 =	vge.f32 v19, v10;
	(xrf1) =	vsort.dscd.msk.f32 $0xffff, v8, v9  }
0x56: {  	v8 =	vsel vm7, v19, v10;
	v7 =	vsel vm7, v20, v7;
	v9 =	vbroadcast v15, $0x0  }
0x57: {  	v10 =	vor.u32 v3, v13;
	(xrf1) =	vsort.dscd.msk.f32 $0xffff, v8, v7  }
0x58: {  	v7 =	vor.u32 v1, v9  }
0x59: {  	s24 =	simm.s32 $0x90;
	s31 =	simm.s32 $0x340  }
0x5a: {  	v58 =	vor.u32 s24, v0;
	s28 =	simm.s32 $0x3C0;
	s23 =	simm.s32 $0x80;
	v14 =	vmov s31;
	v8 =	vld.idx.msk [tilespmem:v12+s11+$0x0], $0xffff  }
0x5b: {  	s29 =	simm.s32 $0x300;
	s30 =	simm.s32 $0xB0;
	v11 =	vld.idx.msk [tilespmem:v11+s11+$0x0], $0xffff;
	v18 =	vor.u32 s23, v0;
	v14 =	vshrl.u32 v14, $0x7;
	v12 =	vmov s28  }
0x5c: {  	s22 =	simm.s32 $0x380;
	v13 =	vor.u32 s30, v0;
	v9 =	vmov s29;
	v12 =	vshrl.u32 v12, $0x7;
	v10 =	vld.idx.msk [tilespmem:v10+s11+$0x0], $0xffff  }
0x5d: {  	v15 =	vmov s22;
	v9 =	vshrl.u32 v9, $0x7;
	v12 =	vshll.u32 v12, v2;
	v7 =	vld.idx.msk [tilespmem:v7+s11+$0x0], $0xffff  }
0x5e: {  	v15 =	vshrl.u32 v15, $0x7;
	v9 =	vshll.u32 v9, v2;
	v12 =	vbroadcast v12, $0x0;
	v16, v17, _ =	vpop (xrf1)  }
0x5f: {  	s25 =	simm.s32 $0xA0;
	v14 =	vshll.u32 v14, v2;
	v15 =	vshll.u32 v15, v2;
	v9 =	vbroadcast v9, $0x0;
	(xrf1) =	vsort.dscd.msk.f32 $0xffff, v8, v13;
	v19, v20, _ =	vpop (xrf1)  }
0x60: {  	v12 =	vor.u32 v3, v12;
	(xrf1) =	vsort.dscd.msk.f32 $0xffff, v11, v18;
	v11 =	vperm.xlane v16, v4;
	v16 =	vor.u32 s25, v0;
	v8, v13, _ =	vpop (xrf1)  }
0x61: {  	v9 =	vor.u32 v1, v9;
	(xrf1) =	vsort.dscd.msk.f32 $0xffff, v10, v58;
	v8 =	vperm.xlane v8, v4;
	v10, v18, _ =	vpop (xrf1)  }
0x62: {  	v14 =	vbroadcast v14, $0x0;
	(xrf1) =	vsort.dscd.msk.f32 $0xffff, v7, v16;
	v7 =	vperm.xlane v17, v4;
	vm8 =	vge.f32 v10, v11  }
0x63: {  	v13 =	vperm.xlane v13, v4;
	v16, v17, _ =	vpop (xrf1);
	vm1 =	vge.f32 v19, v8;
	v10 =	vsel vm8, v10, v11  }
0x64: {  	v7 =	vsel vm8, v18, v7;
	v11 =	vperm.xlane v16, v4;
	v8 =	vsel vm1, v19, v8  }
0x65: {  	v16, v18, _ =	vpop (xrf1);
	(xrf1) =	vsort.dscd.msk.f32 $0xffff, v10, v7;
	v7 =	vperm.xlane v17, v4;
	v10 =	vsel vm1, v20, v13;
	v13 =	vbroadcast v15, $0x0  }
0x66: {  	v14 =	vor.u32 v3, v14;
	(xrf1) =	vsort.dscd.msk.f32 $0xffff, v8, v10;
	vm9 =	vge.f32 v16, v11  }
0x67: {  	v10 =	vor.u32 v1, v13;
	v8 =	vsel vm9, v16, v11;
	v7 =	vsel vm9, v18, v7  }
0x68: {  	(xrf1) =	vsort.dscd.msk.f32 $0xffff, v8, v7  }
0x69: {  	v7 =	vld.idx.msk [tilespmem:v12+s11+$0x0], $0xffff  }
0x6a: {  	s23 =	simm.s32 $0xE0;
	s31 =	simm.s32 $0x480;
	s29 =	simm.s32 $0xF0;
	v9 =	vld.idx.msk [tilespmem:v9+s11+$0x0], $0xffff  }
0x6b: {  	v60 =	vor.u32 s23, v0;
	s30 =	simm.s32 $0x440;
	s22 =	simm.s32 $0xD0;
	v14 =	vld.idx.msk [tilespmem:v14+s11+$0x0], $0xffff;
	v15 =	vmov s31;
	v12 =	vor.u32 s29, v0  }
0x6c: {  	s21 =	simm.s32 $0xC0;
	s26 =	simm.s32 $0x4C0;
	v59 =	vor.u32 s22, v0;
	v15 =	vshrl.u32 v15, $0x7;
	v13 =	vmov s30;
	v10 =	vld.idx.msk [tilespmem:v10+s11+$0x0], $0xffff  }
0x6d: {  	s28 =	simm.s32 $0x400;
	v15 =	vshll.u32 v15, v2;
	v11 =	vmov s26;
	v16 =	vor.u32 s21, v0;
	v17, v18, _ =	vpop (xrf1)  }
0x6e: {  	v13 =	vshrl.u32 v13, $0x7;
	v8 =	vmov s28;
	v11 =	vshrl.u32 v11, $0x7;
	v19, v20, _ =	vpop (xrf1);
	(xrf1) =	vsort.dscd.msk.f32 $0xffff, v7, v12  }
0x6f: {  	v13 =	vshll.u32 v13, v2;
	v8 =	vshrl.u32 v8, $0x7;
	v11 =	vshll.u32 v11, v2;
	v7, v12, _ =	vpop (xrf1);
	(xrf1) =	vsort.dscd.msk.f32 $0xffff, v9, v16  }
0x70: {  	v8 =	vshll.u32 v8, v2;
	v11 =	vbroadcast v11, $0x0;
	v9 =	vperm.xlane v17, v4;
	v16, v17, _ =	vpop (xrf1);
	(xrf1) =	vsort.dscd.msk.f32 $0xffff, v14, v59  }
0x71: {  	v7 =	vperm.xlane v7, v4;
	(xrf1) =	vsort.dscd.msk.f32 $0xffff, v10, v60;
	v10 =	vperm.xlane v18, v4  }
0x72: {  	v8 =	vbroadcast v8, $0x0;
	v11 =	vor.u32 v3, v11;
	vm10 =	vge.f32 v16, v9  }
0x73: {  	v12 =	vperm.xlane v12, v4;
	vm11 =	vge.f32 v19, v7;
	v14, v18, _ =	vpop (xrf1);
	v10 =	vsel vm10, v17, v10  }
0x74: {  	v9 =	vsel vm10, v16, v9;
	v7 =	vsel vm11, v19, v7;
	v14 =	vperm.xlane v14, v4  }
0x75: {  	v15 =	vbroadcast v15, $0x0;
	v12 =	vsel vm11, v20, v12;
	v16, v17, _ =	vpop (xrf1);
	(xrf1) =	vsort.dscd.msk.f32 $0xffff, v9, v10;
	v9 =	vperm.xlane v18, v4  }
0x76: {  	v13 =	vbroadcast v13, $0x0;
	v8 =	vor.u32 v1, v8;
	(xrf1) =	vsort.dscd.msk.f32 $0xffff, v7, v12;
	vm12 =	vge.f32 v16, v14;
	v10, v18, _ =	vpop (xrf1)  }
0x77: {  	v9 =	vsel vm12, v17, v9;
	v7 =	vperm.xlane v10, v4;
	v10 =	vsel vm12, v16, v14  }
0x78: {  	v12 =	vimm.f32 $-Inf;
	v14 =	vperm.xlane v18, v4;
	(xrf1) =	vsort.dscd.msk.f32 $0xffff, v10, v9;
	v10 =	vor.u32 v1, v15  }
0x79: {  	s24 =	simm.s32 $0x5C0;
	v9 =	vimm.s32 $0x0;
	vm13 =	vge.f32 v12, v7  }
0x7a: {  	s25 =	simm.s32 $0x500;
	v13 =	vor.u32 v3, v13;
	v9 =	vsel vm13, v9, v14;
	v14 =	vmov s24  }
0x7b: {  	v11 =	vld.idx.msk [tilespmem:v11+s11+$0x0], $0xffff;
	v7 =	vsel vm13, v12, v7;
	v12 =	vmov s25;
	v14 =	vshrl.u32 v14, $0x7  }
0x7c: {  	v16 =	vld.idx.msk [tilespmem:v8+s11+$0x0], $0xffff;
	v12 =	vshrl.u32 v12, $0x7;
	v14 =	vshll.u32 v14, v2  }
0x7d: {  	s28 =	simm.s32 $0x580;
	(xrf1) =	vsort.dscd.msk.f32 $0xffff, v7, v9;
	v19 =	vld.idx.msk [tilespmem:v10+s11+$0x0], $0xffff;
	v10 =	vshll.u32 v12, v2;
	v12 =	vbroadcast v14, $0x0  }
0x7e: {  	s26 =	simm.s32 $0x540;
	v17 =	vmov s28;
	v20 =	vbroadcast v10, $0x0  }
0x7f: {  	s19 =	simm.s32 $0x130;
	s29 =	simm.s32 $0x100;
	v8 =	vmov s26  }
0x80: {  	v13 =	vld.idx.msk [tilespmem:v13+s11+$0x0], $0xffff;
	v18 =	vor.u32 s29, v0;
	v15 =	vor.u32 s19, v0;
	v8 =	vshrl.u32 v8, $0x7;
	v9, v14, _ =	vpop (xrf1)  }
0x81: {  	v7 =	vshll.u32 v8, v2;
	v8 =	vshrl.u32 v17, $0x7;
	(xrf1) =	vsort.dscd.msk.f32 $0xffff, v11, v15;
	v17, v61, _ =	vpop (xrf1)  }
0x82: {  	v62 =	vbroadcast v7, $0x0;
	v7 =	vor.u32 v3, v12;
	v11, v12, _ =	vpop (xrf1);
	(xrf1) =	vsort.dscd.msk.f32 $0xffff, v16, v18;
	v16 =	vperm.xlane v9, v4  }
0x83: {  	s30 =	simm.s32 $0x110;
	v10 =	vshll.u32 v8, v2;
	v8 =	vor.u32 v1, v20;
	v18, v20, _ =	vpop (xrf1)  }
0x84: {  	s31 =	simm.s32 $0x120;
	v15 =	vor.u32 s30, v0;
	vm14 =	vge.f32 v18, v16  }
0x85: {  	v63 =	vor.u32 s31, v0;
	(xrf1) =	vsort.dscd.msk.f32 $0xffff, v13, v15;
	v13 =	vperm.xlane v11, v4;
	v16 =	vsel vm14, v18, v16  }
0x86: {  	v15 =	vperm.xlane v14, v4;
	(xrf1) =	vsort.dscd.msk.f32 $0xffff, v19, v63  }
0x87: {  	v9 =	vor.u32 v3, v62;
	v23 =	vperm.xlane v12, v4;
	v19, v22, _ =	vpop (xrf1);
	vm15 =	vge.f32 v17, v13  }
0x88: {  	v12, v11, _ =	vpop (xrf1);
	v15 =	vsel vm14, v20, v15;
	v14 =	vsel vm15, v17, v13;
	v13 =	vperm.xlane v19, v4  }
0x89: {  	s20 =	simm.s32 $0x6C0;
	v17 =	vsel vm15, v61, v23;
	(xrf1) =	vsort.dscd.msk.f32 $0xffff, v16, v15;
	v15 =	vperm.xlane v22, v4;
	v18, v16, _ =	vpop (xrf1)  }
.LBB2_5:
0x8a: {  	p1 =	sne.s32 s20, $0xFC0;
	v10 =	vbroadcast v10, $0x0;
	(xrf1) =	vsort.dscd.msk.f32 $0xffff, v14, v17;
	vm0 =	vge.f32 v12, v13;
	v14 =	vperm.xlane v18, v4  }
0x8b: {  	v12 =	vsel vm0, v12, v13;
	v11 =	vsel vm0, v11, v15;
	v13 =	vperm.xlane v16, v4;
	v15, v16, _ =	vpop (xrf1)  }
0x8c: {  	v10 =	vor.u32 v1, v10;
	(xrf1) =	vsort.dscd.msk.f32 $0xffff, v12, v11;
	vm0 =	vge.f32 v15, v14  }
0x8d: {  	v11 =	vsel vm0, v15, v14;
	v12 =	vsel vm0, v16, v13  }
0x8e: {  	s21 =	sadd.s32 $0xFFFFFF40, s20;
	s19 =	sadd.s32 $0x40, s19;
	v13 =	vld.idx.msk [tilespmem:v7+s11+$0x0], $0xffff;
	(xrf1) =	vsort.dscd.msk.f32 $0xffff, v11, v12  }
0x8f: {  	s22 =	sadd.s32 $0xFFFFFFC0, s20;
	v7 =	vmov s21;
	s21 =	sadd.s32 $0xFFFFFF80, s20;
	v11 =	vmov s20;
	v12 =	vld.idx.msk [tilespmem:v8+s11+$0x0], $0xffff;
	v8 =	vor.u32 s19, v0  }
0x90: {  	v15 =	vmov s22;
	v21 =	vmov s21;
	v11 =	vshrl.u32 v11, $0x7;
	s21 =	sadd.s32 $0xFFFFFFD0, s19;
	v16 =	vld.idx.msk [tilespmem:v9+s11+$0x0], $0xffff  }
0x91: {  	v7 =	vshrl.u32 v7, $0x7;
	v9 =	vshll.u32 v11, v2;
	v11 =	vor.u32 s21, v0;
	v17 =	vld.idx.msk [tilespmem:v10+s11+$0x0], $0xffff;
	v18, v19, _ =	vpop (xrf1)  }
0x92: {  	v7 =	vshll.u32 v7, v2;
	v10 =	vshrl.u32 v21, $0x7;
	v9 =	vbroadcast v9, $0x0;
	v14, v20, _ =	vpop (xrf1)  }
0x93: {  	v21 =	vbroadcast v7, $0x0;
	v7 =	vshll.u32 v10, v2;
	v10 =	vshrl.u32 v15, $0x7;
	v15, v22, _ =	vpop (xrf1)  }
0x94: {  	s21 =	sadd.s32 $0xFFFFFFE0, s19;
	v23 =	vbroadcast v7, $0x0;
	v10 =	vshll.u32 v10, v2;
	v7 =	vor.u32 v3, v9;
	(xrf1) =	vsort.dscd.msk.f32 $0xffff, v13, v8;
	v13, v24, _ =	vpop (xrf1)  }
0x95: {  	v25 =	vperm.xlane v18, v4;
	v8 =	vor.u32 v1, v21;
	v21 =	vor.u32 s21, v0;
	s21 =	sadd.s32 $0xFFFFFFF0, s19;
	(xrf1) =	vsort.dscd.msk.f32 $0xffff, v12, v11  }
.Ltmp1:
0x96: {  	v15 =	vperm.xlane v15, v4;
	v9 =	vor.u32 v3, v23;
	v23 =	vor.u32 s21, v0;
	(xrf1) =	vsort.dscd.msk.f32 $0xffff, v16, v21;
	(pc) =	sbr.rel @p1 .LBB2_5-.Ltmp1, $4  }
0x97: {  	vm0 =	vge.f32 v13, v25;
	(xrf1) =	vsort.dscd.msk.f32 $0xffff, v17, v23;
	v23 =	vperm.xlane v19, v4;
	v17, v18, _ =	vpop (xrf1)  }
0x98: {  	vm1 =	vge.f32 v14, v15;
	v21 =	vsel vm0, v13, v25;
	v19 =	vperm.xlane v22, v4;
	v12, v11, _ =	vpop (xrf1)  }
0x99: {  	v14 =	vsel vm1, v14, v15;
	v13 =	vperm.xlane v17, v4;
	v15 =	vsel vm0, v24, v23  }
0x9a: {  	s20 =	sadd.s32 $0x100, s20;
	v17 =	vsel vm1, v20, v19;
	(xrf1) =	vsort.dscd.msk.f32 $0xffff, v21, v15;
	v15 =	vperm.xlane v18, v4;
	v18, v16, _ =	vpop (xrf1)  }
0x9b: {  	(xrf1) =	vsort.dscd.msk.f32 $0xffff, v14, v17;
	vm0 =	vge.f32 v12, v13;
	v14 =	vperm.xlane v18, v4  }
0x9c: {  	v12 =	vsel vm0, v12, v13;
	v11 =	vsel vm0, v11, v15;
	v13 =	vperm.xlane v16, v4;
	v15, v16, _ =	vpop (xrf1)  }
0x9d: {  	v10 =	vbroadcast v10, $0x0;
	(xrf1) =	vsort.dscd.msk.f32 $0xffff, v12, v11;
	vm6 =	vge.f32 v15, v14  }
0x9e: {  	v11 =	vsel vm6, v15, v14;
	v12 =	vsel vm6, v16, v13  }
0x9f: {  	v7 =	vld.idx.msk [tilespmem:v7+s11+$0x0], $0xffff;
	v10 =	vor.u32 v1, v10;
	(xrf1) =	vsort.dscd.msk.f32 $0xffff, v11, v12  }
0xa0: {  	v8 =	vld.idx.msk [tilespmem:v8+s11+$0x0], $0xffff;
	s19 =	sadd.s32 $0x40, s19  }
0xa1: {  	v9 =	vld.idx.msk [tilespmem:v9+s11+$0x0], $0xffff;
	s20 =	sadd.s32 $0xFFFFFFD0, s19;
	v11 =	vor.u32 s19, v0  }
0xa2: {  	v14 =	vor.u32 s20, v0  }
0xa3: {  	v12, v13, _ =	vpop (xrf1)  }
0xa4: {  	s26 =	sadd.s32 $0xFFFFFFE0, s19;
	v10 =	vld.idx.msk [tilespmem:v10+s11+$0x0], $0xffff;
	(xrf1) =	vsort.dscd.msk.f32 $0xffff, v7, v11;
	v15, v16, _ =	vpop (xrf1)  }
0xa5: {  	v17 =	vor.u32 s26, v0;
	(xrf1) =	vsort.dscd.msk.f32 $0xffff, v8, v14;
	v8 =	vperm.xlane v12, v4;
	v7, v11, _ =	vpop (xrf1)  }
0xa6: {  	v12, v14, _ =	vpop (xrf1);
	(xrf1) =	vsort.dscd.msk.f32 $0xffff, v9, v17;
	v9 =	vperm.xlane v13, v4  }
0xa7: {  	s19 =	sadd.s32 $0xFFFFFFF0, s19;
	v7 =	vperm.xlane v7, v4;
	vm7 =	vge.f32 v12, v8  }
0xa8: {  	v18 =	vor.u32 s19, v0;
	v11 =	vperm.xlane v11, v4;
	v9 =	vsel vm7, v14, v9  }
0xa9: {  	(xrf1) =	vsort.dscd.msk.f32 $0xffff, v10, v18;
	vm1 =	vge.f32 v15, v7;
	v10, v13, _ =	vpop (xrf1)  }
0xaa: {  	v8 =	vsel vm7, v12, v8;
	v11 =	vsel vm1, v16, v11;
	v12, v17, _ =	vpop (xrf1);
	v10 =	vperm.xlane v10, v4  }
0xab: {  	v7 =	vsel vm1, v15, v7;
	(xrf1) =	vsort.dscd.msk.f32 $0xffff, v8, v9;
	v8 =	vperm.xlane v13, v4;
	v9, v13, _ =	vpop (xrf1)  }
0xac: {  	(xrf1) =	vsort.dscd.msk.f32 $0xffff, v7, v11;
	vm8 =	vge.f32 v12, v10;
	v7 =	vperm.xlane v9, v4  }
0xad: {  	v9 =	vsel vm8, v12, v10;
	v8 =	vsel vm8, v17, v8;
	v10 =	vperm.xlane v13, v4;
	v11, v12, _ =	vpop (xrf1)  }
0xae: {  	(xrf1) =	vsort.dscd.msk.f32 $0xffff, v9, v8;
	vm9 =	vge.f32 v11, v7  }
0xaf: {  	v7 =	vsel vm9, v11, v7;
	v8 =	vsel vm9, v12, v10  }
0xb0: {  	(xrf1) =	vsort.dscd.msk.f32 $0xffff, v7, v8;
	_ =	sdelay $0x3  }
0xb1: {  	v7, v8, _ =	vpop (xrf1)  }
0xb2: {  	v9, v10, _ =	vpop (xrf1)  }
0xb3: {  	v7 =	vperm.xlane v7, v4;
	v8 =	vperm.xlane v8, v4;
	v11, v12, _ =	vpop (xrf1)  }
0xb4: {  	v13, v14, _ =	vpop (xrf1);
	v11 =	vperm.xlane v11, v4;
	v12 =	vperm.xlane v12, v4  }
0xb5: {  	vm10 =	vge.f32 v13, v7  }
0xb6: {  	v15, v16, _ =	vpop (xrf1);
	vm11 =	vge.f32 v9, v11;
	v8 =	vsel vm10, v14, v8  }
0xb7: {  	v9 =	vsel vm11, v9, v11;
	v11 =	vperm.xlane v15, v4  }
0xb8: {  	v7 =	vsel vm10, v13, v7;
	v13, v17, _ =	vpop (xrf1)  }
0xb9: {  	v10 =	vsel vm11, v10, v12;
	(xrf1) =	vsort.dscd.msk.f32 $0xffff, v7, v8;
	v7 =	vperm.xlane v16, v4;
	v8, v12, _ =	vpop (xrf1)  }
0xba: {  	(xrf1) =	vsort.dscd.msk.f32 $0xffff, v9, v10;
	vm12 =	vge.f32 v13, v11;
	v8 =	vperm.xlane v8, v4  }
0xbb: {  	v9 =	vsel vm12, v13, v11;
	v7 =	vsel vm12, v17, v7;
	v10 =	vperm.xlane v12, v4;
	v11, v12, _ =	vpop (xrf1)  }
0xbc: {  	(xrf1) =	vsort.dscd.msk.f32 $0xffff, v9, v7;
	vm13 =	vge.f32 v11, v8  }
0xbd: {  	v7 =	vsel vm13, v11, v8;
	v8 =	vsel vm13, v12, v10  }
0xbe: {  	(xrf1) =	vsort.dscd.msk.f32 $0xffff, v7, v8;
	_ =	sdelay $0x9  }
0xbf: {  	v7, v8, _ =	vpop (xrf1)  }
0xc0: {  	v9, v10, _ =	vpop (xrf1);
	v7 =	vperm.xlane v7, v4  }
0xc1: {  	v8 =	vperm.xlane v8, v4;
	v11, v12, _ =	vpop (xrf1)  }
0xc2: {  	vm14 =	vge.f32 v9, v7;
	v11 =	vperm.xlane v11, v4  }
0xc3: {  	v7 =	vsel vm14, v9, v7;
	v8 =	vsel vm14, v10, v8;
	v9 =	vperm.xlane v12, v4;
	v10, v12, _ =	vpop (xrf1)  }
0xc4: {  	(xrf1) =	vsort.dscd.msk.f32 $0xffff, v7, v8;
	vm15 =	vge.f32 v10, v11  }
0xc5: {  	v7 =	vsel vm15, v10, v11;
	v8 =	vsel vm15, v12, v9  }
0xc6: {  	(xrf1) =	vsort.dscd.msk.f32 $0xffff, v7, v8;
	_ =	sdelay $0xb  }
0xc7: {  	v7, v8, _ =	vpop (xrf1)  }
0xc8: {  	v7 =	vperm.xlane v7, v4  }
0xc9: {  	v8 =	vperm.xlane v8, v4;
	v9, v10, _ =	vpop (xrf1)  }
0xca: {  	vm4 =	vge.f32 v9, v7  }
0xcb: {  	v7 =	vsel vm4, v9, v7;
	v8 =	vsel vm4, v10, v8  }
0xcc: {  	(xrf1) =	vsort.dscd.msk.f32 $0xffff, v7, v8;
	_ =	sdelay $0xd  }
0xcd: {  	v7, v8, _ =	vpop (xrf1)  }
0xce: {  	v7 =	vshll.u32 v8, $0x5  }
0xcf: {  	v8 =	vshll.u32 v8, $0x2;
	v7 =	vand.u32 $0xFFFFFF80, v7  }
0xd0: {  	v8 =	vand.u32 $0xC, v8;
	v7 =	vadd.s32 s18, v7  }
0xd1: {  	v7 =	vor.u32 v8, v7  }
0xd2: {  	v8 =	vor.u32 $0x10, v7  }
0xd3: {  	v9 =	vor.u32 $0x20, v7  }
0xd4: {  	v10 =	vor.u32 $0x30, v7  }
0xd5: {  	v11 =	vor.u32 $0x40, v7  }
0xd6: {  	v13 =	vor.u32 $0x50, v7;
	v12 =	vld.idx.msk [tilespmem:v7+s3+$0x0], $0xffff  }
0xd7: {  	v14 =	vor.u32 $0x60, v7;
	v8 =	vld.idx.msk [tilespmem:v8+s3+$0x0], $0xffff  }
0xd8: {  	v7 =	vor.u32 $0x70, v7;
	v9 =	vld.idx.msk [tilespmem:v9+s3+$0x0], $0xffff  }
0xd9: {  	v10 =	vld.idx.msk [tilespmem:v10+s3+$0x0], $0xffff  }
0xda: {  	v11 =	vld.idx.msk [tilespmem:v11+s3+$0x0], $0xffff  }
0xdb: {  	(xrf1) =	vsort.dscd.msk.f32 $0xffff, v12, v12;
	v12 =	vld.idx.msk [tilespmem:v13+s3+$0x0], $0xffff  }
0xdc: {  	(xrf1) =	vsort.dscd.msk.f32 $0xffff, v8, v8;
	v8 =	vld.idx.msk [tilespmem:v14+s3+$0x0], $0xffff  }
0xdd: {  	v7 =	vld.idx.msk [tilespmem:v7+s3+$0x0], $0xffff;
	(xrf1) =	vsort.dscd.msk.f32 $0xffff, v9, v9  }
0xde: {  	(xrf1) =	vsort.dscd.msk.f32 $0xffff, v10, v10  }
0xdf: {  	(xrf1) =	vsort.dscd.msk.f32 $0xffff, v11, v11  }
0xe0: {  	(xrf1) =	vsort.dscd.msk.f32 $0xffff, v12, v12  }
0xe1: {  	(xrf1) =	vsort.dscd.msk.f32 $0xffff, v8, v8  }
0xe2: {  	(xrf1) =	vsort.dscd.msk.f32 $0xffff, v7, v7;
	_ =	sdelay $0x6  }
0xe3: {  	v7, _, _ =	vpop (xrf1)  }
0xe4: {  	v8, _, _ =	vpop (xrf1)  }
0xe5: {  	v9, _, _ =	vpop (xrf1)  }
0xe6: {  	v10, _, _ =	vpop (xrf1)  }
0xe7: {  	v11, _, _ =	vpop (xrf1)  }
0xe8: {  	v8 =	vperm.xlane v8, v4;
	v12, _, _ =	vpop (xrf1)  }
0xe9: {  	v10 =	vperm.xlane v10, v4;
	v13, _, _ =	vpop (xrf1)  }
0xea: {  	v7 =	vmax.f32 v7, v8;
	v8 =	vperm.xlane v12, v4;
	v14, _, _ =	vpop (xrf1)  }
0xeb: {  	(xrf1) =	vsort.dscd.msk.f32 $0xffff, v7, v7;
	v7 =	vmax.f32 v9, v10;
	v9 =	vperm.xlane v14, v4  }
0xec: {  	(xrf1) =	vsort.dscd.msk.f32 $0xffff, v7, v7;
	v7 =	vmax.f32 v11, v8  }
0xed: {  	(xrf1) =	vsort.dscd.msk.f32 $0xffff, v7, v7;
	v7 =	vmax.f32 v13, v9  }
0xee: {  	(xrf1) =	vsort.dscd.msk.f32 $0xffff, v7, v7;
	_ =	sdelay $0xa  }
0xef: {  	v7, _, _ =	vpop (xrf1)  }
0xf0: {  	v8, _, _ =	vpop (xrf1)  }
0xf1: {  	v9, _, _ =	vpop (xrf1)  }
0xf2: {  	v8 =	vperm.xlane v8, v4;
	v10, _, _ =	vpop (xrf1)  }
0xf3: {  	v10 =	vperm.xlane v10, v4  }
0xf4: {  	v7 =	vmax.f32 v7, v8  }
0xf5: {  	(xrf1) =	vsort.dscd.msk.f32 $0xffff, v7, v7;
	v7 =	vmax.f32 v9, v10  }
0xf6: {  	(xrf1) =	vsort.dscd.msk.f32 $0xffff, v7, v7;
	_ =	sdelay $0xc  }
0xf7: {  	v7, _, _ =	vpop (xrf1)  }
0xf8: {  	v8, _, _ =	vpop (xrf1)  }
0xf9: {  	v8 =	vperm.xlane v8, v4;
	_ =	sdelay $0x1  }
0xfa: {  	v7 =	vmax.f32 v7, v8  }
0xfb: {  	(xrf1) =	vsort.dscd.msk.f32 $0xffff, v7, v7;
	_ =	sdelay $0x4  }
0xfc: {  	s28 =	simm.s32 $0xC0  }
0xfd: {  	s29 =	simm.s32 $0x0;
	s21 =	simm.s32 $0x40;
	v7 =	vmov s28  }
0xfe: {  	s30 =	simm.s32 $0x80;
	v9 =	vmov s21;
	v8 =	vmov s29;
	v7 =	vshrl.u32 v7, $0x7  }
0xff: {  	v10 =	vmov s30;
	v8 =	vshrl.u32 v8, $0x7;
	v7 =	vshll.u32 v7, v2  }
0x100: {  	v9 =	vshrl.u32 v9, $0x7;
	v8 =	vshll.u32 v8, v2;
	v7 =	vbroadcast v7, $0x0  }
0x101: {  	v10 =	vshrl.u32 v10, $0x7;
	v9 =	vshll.u32 v9, v2;
	v8 =	vbroadcast v8, $0x0  }
0x102: {  	v10 =	vshll.u32 v10, v2;
	v9 =	vbroadcast v9, $0x0;
	v7 =	vor.u32 v6, v7  }
0x103: {  	v10 =	vbroadcast v10, $0x0;
	v8 =	vor.u32 v5, v8  }
0x104: {  	v9 =	vor.u32 v6, v9  }
0x105: {  	v10 =	vor.u32 v5, v10;
	v11, _, _ =	vpop (xrf1)  }
0x106: {  	[tilespmem:$0x11000] =	vst v11  }
0x107: {  	v7 =	vld.idx.msk [tilespmem:v7+s11+$0x0], $0xffff  }
0x108: {  	v8 =	vld.idx.msk [tilespmem:v8+s11+$0x0], $0xffff  }
0x109: {  	v9 =	vld.idx.msk [tilespmem:v9+s11+$0x0], $0xffff  }
0x10a: {  	s31 =	simm.s32 $0x30;
	s24 =	simm.s32 $0x0;
	v10 =	vld.idx.msk [tilespmem:v10+s11+$0x0], $0xffff  }
0x10b: {  	s22 =	simm.s32 $0x1C0;
	s23 =	simm.s32 $0x140;
	v15 =	vor.u32 s24, v0;
	v12 =	vor.u32 s31, v0;
	s21 =	simm.s32 $0x100  }
0x10c: {  	s25 =	simm.s32 $0x180;
	s26 =	simm.s32 $0x10;
	v14 =	vmov s23;
	v13 =	vmov s22;
	v11 =	vmov s21;
	(xrf1) =	vsort.dscd.msk.f32 $0xffff, v7, v12  }
0x10d: {  	s28 =	simm.s32 $0x20;
	v7 =	vmov s25;
	v12 =	vshrl.u32 v13, $0x7;
	v13 =	vor.u32 s26, v0;
	(xrf1) =	vsort.dscd.msk.f32 $0xffff, v8, v15  }
0x10e: {  	v8 =	vshrl.u32 v11, $0x7;
	v11 =	vshll.u32 v12, v2;
	v12 =	vor.u32 s28, v0;
	(xrf1) =	vsort.dscd.msk.f32 $0xffff, v9, v13  }
0x10f: {  	v8 =	vshll.u32 v8, v2;
	v9 =	vshrl.u32 v14, $0x7;
	v11 =	vbroadcast v11, $0x0;
	(xrf1) =	vsort.dscd.msk.f32 $0xffff, v10, v12  }
0x110: {  	v7 =	vshrl.u32 v7, $0x7;
	v8 =	vbroadcast v8, $0x0;
	v9 =	vshll.u32 v9, v2  }
0x111: {  	v7 =	vshll.u32 v7, v2;
	v9 =	vbroadcast v9, $0x0;
	v10 =	vor.u32 v6, v11  }
0x112: {  	v7 =	vbroadcast v7, $0x0;
	v8 =	vor.u32 v5, v8  }
0x113: {  	v9 =	vor.u32 v6, v9  }
0x114: {  	v7 =	vor.u32 v5, v7;
	_ =	sdelay $0x1  }
0x115: {  	s24 =	simm.s32 $0x40;
	s23 =	simm.s32 $0x280;
	v10 =	vld.idx.msk [tilespmem:v10+s11+$0x0], $0xffff  }
0x116: {  	v16 =	vor.u32 s24, v0;
	s31 =	simm.s32 $0x70;
	s22 =	simm.s32 $0x240;
	s29 =	simm.s32 $0x2C0;
	v15 =	vmov s23;
	v8 =	vld.idx.msk [tilespmem:v8+s11+$0x0], $0xffff  }
0x117: {  	v13 =	vor.u32 s31, v0;
	v14 =	vmov s22;
	v12 =	vmov s29;
	v9 =	vld.idx.msk [tilespmem:v9+s11+$0x0], $0xffff  }
0x118: {  	s30 =	simm.s32 $0x200;
	v15 =	vshrl.u32 v15, $0x7;
	v14 =	vshrl.u32 v14, $0x7;
	v12 =	vshrl.u32 v12, $0x7;
	v7 =	vld.idx.msk [tilespmem:v7+s11+$0x0], $0xffff  }
0x119: {  	v15 =	vshll.u32 v15, v2;
	v11 =	vmov s30;
	v12 =	vshll.u32 v12, v2;
	v17, v18, _ =	vpop (xrf1)  }
0x11a: {  	s25 =	simm.s32 $0x50;
	v14 =	vshll.u32 v14, v2;
	v11 =	vshrl.u32 v11, $0x7;
	v12 =	vbroadcast v12, $0x0;
	(xrf1) =	vsort.dscd.msk.f32 $0xffff, v10, v13;
	v19, v20, _ =	vpop (xrf1)  }
0x11b: {  	s26 =	simm.s32 $0x60;
	v21 =	vor.u32 s25, v0;
	v11 =	vshll.u32 v11, v2;
	(xrf1) =	vsort.dscd.msk.f32 $0xffff, v8, v16;
	v8 =	vperm.xlane v17, v4;
	v10, v13, _ =	vpop (xrf1)  }
0x11c: {  	v22 =	vor.u32 s26, v0;
	v12 =	vor.u32 v6, v12;
	(xrf1) =	vsort.dscd.msk.f32 $0xffff, v9, v21;
	v9 =	vperm.xlane v18, v4;
	v16, v17, _ =	vpop (xrf1)  }
0x11d: {  	v11 =	vbroadcast v11, $0x0;
	v10 =	vperm.xlane v10, v4;
	(xrf1) =	vsort.dscd.msk.f32 $0xffff, v7, v22;
	vm5 =	vge.f32 v16, v8  }
0x11e: {  	v7 =	vperm.xlane v13, v4;
	v8 =	vsel vm5, v16, v8;
	v9 =	vsel vm5, v17, v9  }
0x11f: {  	v11 =	vor.u32 v5, v11;
	v13 =	vbroadcast v14, $0x0;
	vm6 =	vge.f32 v19, v10;
	(xrf1) =	vsort.dscd.msk.f32 $0xffff, v8, v9  }
0x120: {  	v8 =	vsel vm6, v19, v10;
	v7 =	vsel vm6, v20, v7;
	v9 =	vbroadcast v15, $0x0  }
0x121: {  	v10 =	vor.u32 v6, v13;
	(xrf1) =	vsort.dscd.msk.f32 $0xffff, v8, v7  }
0x122: {  	v7 =	vor.u32 v5, v9  }
0x123: {  	s24 =	simm.s32 $0x90;
	s31 =	simm.s32 $0x340  }
0x124: {  	v57 =	vor.u32 s24, v0;
	s28 =	simm.s32 $0x3C0;
	s23 =	simm.s32 $0x80;
	v14 =	vmov s31;
	v8 =	vld.idx.msk [tilespmem:v12+s11+$0x0], $0xffff  }
0x125: {  	s29 =	simm.s32 $0x300;
	s30 =	simm.s32 $0xB0;
	v11 =	vld.idx.msk [tilespmem:v11+s11+$0x0], $0xffff;
	v18 =	vor.u32 s23, v0;
	v14 =	vshrl.u32 v14, $0x7;
	v12 =	vmov s28  }
0x126: {  	s22 =	simm.s32 $0x380;
	v13 =	vor.u32 s30, v0;
	v9 =	vmov s29;
	v12 =	vshrl.u32 v12, $0x7;
	v10 =	vld.idx.msk [tilespmem:v10+s11+$0x0], $0xffff  }
0x127: {  	v15 =	vmov s22;
	v9 =	vshrl.u32 v9, $0x7;
	v12 =	vshll.u32 v12, v2;
	v7 =	vld.idx.msk [tilespmem:v7+s11+$0x0], $0xffff  }
0x128: {  	v15 =	vshrl.u32 v15, $0x7;
	v9 =	vshll.u32 v9, v2;
	v12 =	vbroadcast v12, $0x0;
	v16, v17, _ =	vpop (xrf1)  }
0x129: {  	s25 =	simm.s32 $0xA0;
	v14 =	vshll.u32 v14, v2;
	v15 =	vshll.u32 v15, v2;
	v9 =	vbroadcast v9, $0x0;
	(xrf1) =	vsort.dscd.msk.f32 $0xffff, v8, v13;
	v19, v20, _ =	vpop (xrf1)  }
0x12a: {  	v12 =	vor.u32 v6, v12;
	(xrf1) =	vsort.dscd.msk.f32 $0xffff, v11, v18;
	v11 =	vperm.xlane v16, v4;
	v16 =	vor.u32 s25, v0;
	v8, v13, _ =	vpop (xrf1)  }
0x12b: {  	v9 =	vor.u32 v5, v9;
	(xrf1) =	vsort.dscd.msk.f32 $0xffff, v10, v57;
	v8 =	vperm.xlane v8, v4;
	v10, v18, _ =	vpop (xrf1)  }
0x12c: {  	v14 =	vbroadcast v14, $0x0;
	(xrf1) =	vsort.dscd.msk.f32 $0xffff, v7, v16;
	v7 =	vperm.xlane v17, v4;
	vm7 =	vge.f32 v10, v11  }
0x12d: {  	v13 =	vperm.xlane v13, v4;
	vm8 =	vge.f32 v19, v8;
	v10 =	vsel vm7, v10, v11;
	v16, v17, _ =	vpop (xrf1)  }
0x12e: {  	v7 =	vsel vm7, v18, v7;
	v8 =	vsel vm8, v19, v8;
	v11 =	vperm.xlane v16, v4  }
0x12f: {  	v16, v18, _ =	vpop (xrf1);
	(xrf1) =	vsort.dscd.msk.f32 $0xffff, v10, v7;
	v7 =	vperm.xlane v17, v4;
	v10 =	vsel vm8, v20, v13;
	v13 =	vbroadcast v15, $0x0  }
0x130: {  	v14 =	vor.u32 v6, v14;
	(xrf1) =	vsort.dscd.msk.f32 $0xffff, v8, v10;
	vm9 =	vge.f32 v16, v11  }
0x131: {  	v10 =	vor.u32 v5, v13;
	v8 =	vsel vm9, v16, v11;
	v7 =	vsel vm9, v18, v7  }
0x132: {  	(xrf1) =	vsort.dscd.msk.f32 $0xffff, v8, v7  }
0x133: {  	v7 =	vld.idx.msk [tilespmem:v12+s11+$0x0], $0xffff  }
0x134: {  	s29 =	simm.s32 $0xF0;
	v9 =	vld.idx.msk [tilespmem:v9+s11+$0x0], $0xffff  }
0x135: {  	s23 =	simm.s32 $0xE0;
	s31 =	simm.s32 $0x480;
	s22 =	simm.s32 $0xD0;
	v14 =	vld.idx.msk [tilespmem:v14+s11+$0x0], $0xffff;
	v12 =	vor.u32 s29, v0  }
0x136: {  	s21 =	simm.s32 $0xC0;
	v59 =	vor.u32 s23, v0;
	s30 =	simm.s32 $0x440;
	v58 =	vor.u32 s22, v0;
	v15 =	vmov s31;
	v10 =	vld.idx.msk [tilespmem:v10+s11+$0x0], $0xffff  }
0x137: {  	s26 =	simm.s32 $0x4C0;
	v15 =	vshrl.u32 v15, $0x7;
	v13 =	vmov s30;
	v16 =	vor.u32 s21, v0;
	v17, v18, _ =	vpop (xrf1)  }
0x138: {  	s28 =	simm.s32 $0x400;
	v15 =	vshll.u32 v15, v2;
	v11 =	vmov s26;
	v13 =	vshrl.u32 v13, $0x7;
	v19, v20, _ =	vpop (xrf1);
	(xrf1) =	vsort.dscd.msk.f32 $0xffff, v7, v12  }
0x139: {  	v15 =	vbroadcast v15, $0x0;
	v8 =	vmov s28;
	v11 =	vshrl.u32 v11, $0x7;
	v7, v12, _ =	vpop (xrf1);
	(xrf1) =	vsort.dscd.msk.f32 $0xffff, v9, v16  }
0x13a: {  	v8 =	vshrl.u32 v8, $0x7;
	v11 =	vshll.u32 v11, v2;
	v9 =	vperm.xlane v17, v4;
	v16, v17, _ =	vpop (xrf1);
	(xrf1) =	vsort.dscd.msk.f32 $0xffff, v14, v58  }
0x13b: {  	v8 =	vshll.u32 v8, v2;
	v11 =	vbroadcast v11, $0x0;
	(xrf1) =	vsort.dscd.msk.f32 $0xffff, v10, v59;
	v10 =	vperm.xlane v18, v4  }
0x13c: {  	v8 =	vbroadcast v8, $0x0;
	v7 =	vperm.xlane v7, v4;
	vm10 =	vge.f32 v16, v9  }
0x13d: {  	v13 =	vshll.u32 v13, v2;
	v11 =	vor.u32 v6, v11;
	v10 =	vsel vm10, v17, v10  }
0x13e: {  	v8 =	vor.u32 v5, v8;
	v12 =	vperm.xlane v12, v4;
	vm11 =	vge.f32 v19, v7;
	v14, v18, _ =	vpop (xrf1)  }
0x13f: {  	v9 =	vsel vm10, v16, v9;
	v7 =	vsel vm11, v19, v7;
	v14 =	vperm.xlane v14, v4;
	v16, v17, _ =	vpop (xrf1)  }
0x140: {  	v13 =	vbroadcast v13, $0x0;
	v12 =	vsel vm11, v20, v12;
	(xrf1) =	vsort.dscd.msk.f32 $0xffff, v9, v10;
	v9 =	vperm.xlane v18, v4;
	v10, v18, _ =	vpop (xrf1)  }
0x141: {  	(xrf1) =	vsort.dscd.msk.f32 $0xffff, v7, v12;
	v12 =	vimm.f32 $-Inf;
	vm12 =	vge.f32 v16, v14;
	v7 =	vperm.xlane v10, v4  }
0x142: {  	v9 =	vsel vm12, v17, v9;
	v10 =	vsel vm12, v16, v14;
	v14 =	vperm.xlane v18, v4  }
0x143: {  	s24 =	simm.s32 $0x5C0;
	v13 =	vor.u32 v6, v13;
	(xrf1) =	vsort.dscd.msk.f32 $0xffff, v10, v9;
	v9 =	vimm.s32 $0x0;
	vm13 =	vge.f32 v12, v7  }
0x144: {  	v10 =	vor.u32 v5, v15;
	v9 =	vsel vm13, v9, v14;
	v14 =	vmov s24  }
0x145: {  	v14 =	vshrl.u32 v14, $0x7  }
0x146: {  	v7 =	vsel vm13, v12, v7;
	v12 =	vld.idx.msk [tilespmem:v11+s11+$0x0], $0xffff;
	v14 =	vshll.u32 v14, v2  }
0x147: {  	s25 =	simm.s32 $0x500;
	s28 =	simm.s32 $0x580;
	v16 =	vld.idx.msk [tilespmem:v8+s11+$0x0], $0xffff;
	v14 =	vbroadcast v14, $0x0  }
0x148: {  	s26 =	simm.s32 $0x540;
	s29 =	simm.s32 $0x100;
	v13 =	vld.idx.msk [tilespmem:v13+s11+$0x0], $0xffff;
	v17 =	vmov s28;
	v11 =	vmov s25;
	(xrf1) =	vsort.dscd.msk.f32 $0xffff, v7, v9  }
0x149: {  	s19 =	simm.s32 $0x130;
	v8 =	vmov s26;
	v18 =	vor.u32 s29, v0;
	v11 =	vshrl.u32 v11, $0x7;
	v19 =	vld.idx.msk [tilespmem:v10+s11+$0x0], $0xffff  }
0x14a: {  	v15 =	vor.u32 s19, v0;
	v8 =	vshrl.u32 v8, $0x7;
	v10 =	vshll.u32 v11, v2;
	v7, v20, _ =	vpop (xrf1)  }
0x14b: {  	s30 =	simm.s32 $0x110;
	v8 =	vshll.u32 v8, v2;
	v9 =	vbroadcast v10, $0x0;
	v10 =	vshrl.u32 v17, $0x7;
	v17, v60, _ =	vpop (xrf1);
	(xrf1) =	vsort.dscd.msk.f32 $0xffff, v12, v15  }
0x14c: {  	s31 =	simm.s32 $0x120;
	v61 =	vbroadcast v8, $0x0;
	v8 =	vor.u32 v6, v14;
	v15 =	vor.u32 s30, v0;
	v12, v14, _ =	vpop (xrf1);
	(xrf1) =	vsort.dscd.msk.f32 $0xffff, v16, v18  }
0x14d: {  	v62 =	vor.u32 s31, v0;
	v7 =	vperm.xlane v7, v4;
	(xrf1) =	vsort.dscd.msk.f32 $0xffff, v13, v15;
	v15 =	vperm.xlane v12, v4  }
0x14e: {  	v16, v18, _ =	vpop (xrf1);
	(xrf1) =	vsort.dscd.msk.f32 $0xffff, v19, v62;
	v19 =	vperm.xlane v20, v4  }
0x14f: {  	vm14 =	vge.f32 v16, v7;
	vm15 =	vge.f32 v17, v15  }
0x150: {  	v15 =	vsel vm15, v17, v15;
	v17 =	vsel vm14, v18, v19;
	_ =	sdelay $0x1  }
0x151: {  	v11 =	vshll.u32 v10, v2;
	v10 =	vor.u32 v6, v61;
	v23 =	vperm.xlane v14, v4;
	v20, v63, _ =	vpop (xrf1)  }
0x152: {  	v9 =	vor.u32 v5, v9;
	v16 =	vsel vm14, v16, v7;
	v13, v12, _ =	vpop (xrf1);
	v14 =	vperm.xlane v20, v4  }
0x153: {  	v7 =	vmov s18;
	s18 =	simm.s32 $0x6C0;
	v18 =	vsel vm15, v60, v23;
	(xrf1) =	vsort.dscd.msk.f32 $0xffff, v16, v17;
	v16 =	vperm.xlane v63, v4;
	v19, v17, _ =	vpop (xrf1)  }
.LBB2_7:
0x154: {  	p1 =	sne.s32 s18, $0xFC0;
	v11 =	vbroadcast v11, $0x0;
	(xrf1) =	vsort.dscd.msk.f32 $0xffff, v15, v18;
	vm0 =	vge.f32 v13, v14;
	v15 =	vperm.xlane v19, v4  }
0x155: {  	v13 =	vsel vm0, v13, v14;
	v12 =	vsel vm0, v12, v16;
	v14 =	vperm.xlane v17, v4;
	v16, v17, _ =	vpop (xrf1)  }
0x156: {  	v11 =	vor.u32 v5, v11;
	(xrf1) =	vsort.dscd.msk.f32 $0xffff, v13, v12;
	vm0 =	vge.f32 v16, v15  }
0x157: {  	v12 =	vsel vm0, v16, v15;
	v13 =	vsel vm0, v17, v14  }
0x158: {  	s20 =	sadd.s32 $0xFFFFFF40, s18;
	s19 =	sadd.s32 $0x40, s19;
	v14 =	vld.idx.msk [tilespmem:v8+s11+$0x0], $0xffff;
	(xrf1) =	vsort.dscd.msk.f32 $0xffff, v12, v13  }
0x159: {  	s21 =	sadd.s32 $0xFFFFFFC0, s18;
	v8 =	vmov s20;
	s20 =	sadd.s32 $0xFFFFFF80, s18;
	v12 =	vmov s18;
	v13 =	vld.idx.msk [tilespmem:v9+s11+$0x0], $0xffff;
	v9 =	vor.u32 s19, v0  }
0x15a: {  	v16 =	vmov s21;
	v22 =	vmov s20;
	v12 =	vshrl.u32 v12, $0x7;
	s20 =	sadd.s32 $0xFFFFFFD0, s19;
	v17 =	vld.idx.msk [tilespmem:v10+s11+$0x0], $0xffff  }
0x15b: {  	v8 =	vshrl.u32 v8, $0x7;
	v10 =	vshll.u32 v12, v2;
	v12 =	vor.u32 s20, v0;
	v18 =	vld.idx.msk [tilespmem:v11+s11+$0x0], $0xffff;
	v19, v20, _ =	vpop (xrf1)  }
0x15c: {  	v8 =	vshll.u32 v8, v2;
	v11 =	vshrl.u32 v22, $0x7;
	v10 =	vbroadcast v10, $0x0;
	v15, v21, _ =	vpop (xrf1)  }
0x15d: {  	v22 =	vbroadcast v8, $0x0;
	v8 =	vshll.u32 v11, v2;
	v11 =	vshrl.u32 v16, $0x7;
	v16, v23, _ =	vpop (xrf1)  }
0x15e: {  	s20 =	sadd.s32 $0xFFFFFFE0, s19;
	v24 =	vbroadcast v8, $0x0;
	v11 =	vshll.u32 v11, v2;
	v8 =	vor.u32 v6, v10;
	(xrf1) =	vsort.dscd.msk.f32 $0xffff, v14, v9;
	v14, v25, _ =	vpop (xrf1)  }
0x15f: {  	v26 =	vperm.xlane v19, v4;
	v9 =	vor.u32 v5, v22;
	v22 =	vor.u32 s20, v0;
	s20 =	sadd.s32 $0xFFFFFFF0, s19;
	(xrf1) =	vsort.dscd.msk.f32 $0xffff, v13, v12  }
.Ltmp2:
0x160: {  	v16 =	vperm.xlane v16, v4;
	v10 =	vor.u32 v6, v24;
	v24 =	vor.u32 s20, v0;
	(xrf1) =	vsort.dscd.msk.f32 $0xffff, v17, v22;
	(pc) =	sbr.rel @p1 .LBB2_7-.Ltmp2, $4  }
0x161: {  	vm0 =	vge.f32 v14, v26;
	(xrf1) =	vsort.dscd.msk.f32 $0xffff, v18, v24;
	v24 =	vperm.xlane v20, v4;
	v18, v19, _ =	vpop (xrf1)  }
0x162: {  	vm1 =	vge.f32 v15, v16;
	v22 =	vsel vm0, v14, v26;
	v20 =	vperm.xlane v23, v4;
	v13, v12, _ =	vpop (xrf1)  }
0x163: {  	v15 =	vsel vm1, v15, v16;
	v14 =	vperm.xlane v18, v4;
	v16 =	vsel vm0, v25, v24  }
0x164: {  	s18 =	sadd.s32 $0x100, s18;
	v18 =	vsel vm1, v21, v20;
	(xrf1) =	vsort.dscd.msk.f32 $0xffff, v22, v16;
	v16 =	vperm.xlane v19, v4;
	v19, v17, _ =	vpop (xrf1)  }
0x165: {  	(xrf1) =	vsort.dscd.msk.f32 $0xffff, v15, v18;
	vm0 =	vge.f32 v13, v14;
	v15 =	vperm.xlane v19, v4  }
0x166: {  	v13 =	vsel vm0, v13, v14;
	v12 =	vsel vm0, v12, v16;
	v14 =	vperm.xlane v17, v4;
	v16, v17, _ =	vpop (xrf1)  }
0x167: {  	v11 =	vbroadcast v11, $0x0;
	(xrf1) =	vsort.dscd.msk.f32 $0xffff, v13, v12;
	vm6 =	vge.f32 v16, v15  }
0x168: {  	v12 =	vsel vm6, v16, v15;
	v13 =	vsel vm6, v17, v14  }
0x169: {  	v8 =	vld.idx.msk [tilespmem:v8+s11+$0x0], $0xffff;
	v11 =	vor.u32 v5, v11;
	(xrf1) =	vsort.dscd.msk.f32 $0xffff, v12, v13  }
0x16a: {  	v9 =	vld.idx.msk [tilespmem:v9+s11+$0x0], $0xffff;
	s18 =	sadd.s32 $0x40, s19  }
0x16b: {  	v10 =	vld.idx.msk [tilespmem:v10+s11+$0x0], $0xffff;
	s19 =	sadd.s32 $0xFFFFFFD0, s18;
	v12 =	vor.u32 s18, v0  }
0x16c: {  	v15 =	vor.u32 s19, v0  }
0x16d: {  	v13, v14, _ =	vpop (xrf1)  }
0x16e: {  	s21 =	sadd.s32 $0xFFFFFFE0, s18;
	v11 =	vld.idx.msk [tilespmem:v11+s11+$0x0], $0xffff;
	(xrf1) =	vsort.dscd.msk.f32 $0xffff, v8, v12;
	v16, v17, _ =	vpop (xrf1)  }
0x16f: {  	v18 =	vor.u32 s21, v0;
	(xrf1) =	vsort.dscd.msk.f32 $0xffff, v9, v15;
	v9 =	vperm.xlane v13, v4;
	v8, v12, _ =	vpop (xrf1)  }
0x170: {  	v13, v15, _ =	vpop (xrf1);
	(xrf1) =	vsort.dscd.msk.f32 $0xffff, v10, v18;
	v10 =	vperm.xlane v14, v4  }
0x171: {  	s18 =	sadd.s32 $0xFFFFFFF0, s18;
	v8 =	vperm.xlane v8, v4;
	vm7 =	vge.f32 v13, v9  }
0x172: {  	v19 =	vor.u32 s18, v0;
	v12 =	vperm.xlane v12, v4;
	v10 =	vsel vm7, v15, v10  }
0x173: {  	(xrf1) =	vsort.dscd.msk.f32 $0xffff, v11, v19;
	vm1 =	vge.f32 v16, v8;
	v11, v14, _ =	vpop (xrf1)  }
0x174: {  	v9 =	vsel vm7, v13, v9;
	v12 =	vsel vm1, v17, v12;
	v13, v18, _ =	vpop (xrf1);
	v11 =	vperm.xlane v11, v4  }
0x175: {  	v8 =	vsel vm1, v16, v8;
	(xrf1) =	vsort.dscd.msk.f32 $0xffff, v9, v10;
	v9 =	vperm.xlane v14, v4;
	v10, v14, _ =	vpop (xrf1)  }
0x176: {  	(xrf1) =	vsort.dscd.msk.f32 $0xffff, v8, v12;
	vm8 =	vge.f32 v13, v11;
	v8 =	vperm.xlane v10, v4  }
0x177: {  	v10 =	vsel vm8, v13, v11;
	v9 =	vsel vm8, v18, v9;
	v11 =	vperm.xlane v14, v4;
	v12, v13, _ =	vpop (xrf1)  }
0x178: {  	(xrf1) =	vsort.dscd.msk.f32 $0xffff, v10, v9;
	vm9 =	vge.f32 v12, v8  }
0x179: {  	v8 =	vsel vm9, v12, v8;
	v9 =	vsel vm9, v13, v11  }
0x17a: {  	(xrf1) =	vsort.dscd.msk.f32 $0xffff, v8, v9;
	_ =	sdelay $0x3  }
0x17b: {  	v8, v9, _ =	vpop (xrf1)  }
0x17c: {  	v10, v11, _ =	vpop (xrf1)  }
0x17d: {  	v8 =	vperm.xlane v8, v4;
	v9 =	vperm.xlane v9, v4;
	v12, v13, _ =	vpop (xrf1)  }
0x17e: {  	v14, v15, _ =	vpop (xrf1);
	v12 =	vperm.xlane v12, v4;
	v13 =	vperm.xlane v13, v4  }
0x17f: {  	vm10 =	vge.f32 v14, v8  }
0x180: {  	v16, v17, _ =	vpop (xrf1);
	vm11 =	vge.f32 v10, v12;
	v9 =	vsel vm10, v15, v9  }
0x181: {  	v10 =	vsel vm11, v10, v12;
	v12 =	vperm.xlane v16, v4  }
0x182: {  	v8 =	vsel vm10, v14, v8;
	v14, v18, _ =	vpop (xrf1)  }
0x183: {  	v11 =	vsel vm11, v11, v13;
	(xrf1) =	vsort.dscd.msk.f32 $0xffff, v8, v9;
	v8 =	vperm.xlane v17, v4;
	v9, v13, _ =	vpop (xrf1)  }
0x184: {  	(xrf1) =	vsort.dscd.msk.f32 $0xffff, v10, v11;
	vm12 =	vge.f32 v14, v12;
	v9 =	vperm.xlane v9, v4  }
0x185: {  	v10 =	vsel vm12, v14, v12;
	v8 =	vsel vm12, v18, v8;
	v11 =	vperm.xlane v13, v4;
	v12, v13, _ =	vpop (xrf1)  }
0x186: {  	(xrf1) =	vsort.dscd.msk.f32 $0xffff, v10, v8;
	vm13 =	vge.f32 v12, v9  }
0x187: {  	v8 =	vsel vm13, v12, v9;
	v9 =	vsel vm13, v13, v11  }
0x188: {  	(xrf1) =	vsort.dscd.msk.f32 $0xffff, v8, v9;
	_ =	sdelay $0x9  }
0x189: {  	v8, v9, _ =	vpop (xrf1)  }
0x18a: {  	v10, v11, _ =	vpop (xrf1);
	v8 =	vperm.xlane v8, v4  }
0x18b: {  	v9 =	vperm.xlane v9, v4;
	v12, v13, _ =	vpop (xrf1)  }
0x18c: {  	vm14 =	vge.f32 v10, v8;
	v12 =	vperm.xlane v12, v4  }
0x18d: {  	v8 =	vsel vm14, v10, v8;
	v9 =	vsel vm14, v11, v9;
	v10 =	vperm.xlane v13, v4;
	v11, v13, _ =	vpop (xrf1)  }
0x18e: {  	(xrf1) =	vsort.dscd.msk.f32 $0xffff, v8, v9;
	vm15 =	vge.f32 v11, v12  }
0x18f: {  	v8 =	vsel vm15, v11, v12;
	v9 =	vsel vm15, v13, v10  }
0x190: {  	(xrf1) =	vsort.dscd.msk.f32 $0xffff, v8, v9;
	_ =	sdelay $0xb  }
0x191: {  	v8, v9, _ =	vpop (xrf1)  }
0x192: {  	v8 =	vperm.xlane v8, v4  }
0x193: {  	v9 =	vperm.xlane v9, v4;
	v10, v11, _ =	vpop (xrf1)  }
0x194: {  	vm4 =	vge.f32 v10, v8  }
0x195: {  	v8 =	vsel vm4, v10, v8;
	v9 =	vsel vm4, v11, v9  }
0x196: {  	(xrf1) =	vsort.dscd.msk.f32 $0xffff, v8, v9;
	_ =	sdelay $0xd  }
0x197: {  	v8, v9, _ =	vpop (xrf1)  }
0x198: {  	v8 =	vshll.u32 v9, $0x5  }
0x199: {  	v9 =	vshll.u32 v9, $0x2;
	v8 =	vand.u32 $0xFFFFFF80, v8  }
0x19a: {  	v9 =	vand.u32 $0xC, v9;
	v8 =	vadd.s32 v7, v8  }
0x19b: {  	v8 =	vor.u32 v9, v8  }
0x19c: {  	v9 =	vor.u32 $0x1, v8  }
0x19d: {  	v10 =	vor.u32 $0x11, v8  }
0x19e: {  	v11 =	vor.u32 $0x21, v8  }
0x19f: {  	v12 =	vor.u32 $0x31, v8  }
0x1a0: {  	v13 =	vor.u32 $0x41, v8  }
0x1a1: {  	v14 =	vor.u32 $0x51, v8;
	v9 =	vld.idx.msk [tilespmem:v9+s3+$0x0], $0xffff  }
0x1a2: {  	v15 =	vor.u32 $0x61, v8;
	v10 =	vld.idx.msk [tilespmem:v10+s3+$0x0], $0xffff  }
0x1a3: {  	v8 =	vor.u32 $0x71, v8;
	v11 =	vld.idx.msk [tilespmem:v11+s3+$0x0], $0xffff  }
0x1a4: {  	v12 =	vld.idx.msk [tilespmem:v12+s3+$0x0], $0xffff  }
0x1a5: {  	v13 =	vld.idx.msk [tilespmem:v13+s3+$0x0], $0xffff  }
0x1a6: {  	(xrf1) =	vsort.dscd.msk.f32 $0xffff, v9, v9;
	v9 =	vld.idx.msk [tilespmem:v14+s3+$0x0], $0xffff  }
0x1a7: {  	(xrf1) =	vsort.dscd.msk.f32 $0xffff, v10, v10;
	v10 =	vld.idx.msk [tilespmem:v15+s3+$0x0], $0xffff  }
0x1a8: {  	v8 =	vld.idx.msk [tilespmem:v8+s3+$0x0], $0xffff;
	(xrf1) =	vsort.dscd.msk.f32 $0xffff, v11, v11  }
0x1a9: {  	(xrf1) =	vsort.dscd.msk.f32 $0xffff, v12, v12  }
0x1aa: {  	(xrf1) =	vsort.dscd.msk.f32 $0xffff, v13, v13  }
0x1ab: {  	(xrf1) =	vsort.dscd.msk.f32 $0xffff, v9, v9  }
0x1ac: {  	(xrf1) =	vsort.dscd.msk.f32 $0xffff, v10, v10  }
0x1ad: {  	(xrf1) =	vsort.dscd.msk.f32 $0xffff, v8, v8;
	_ =	sdelay $0x6  }
0x1ae: {  	v8, _, _ =	vpop (xrf1)  }
0x1af: {  	v9, _, _ =	vpop (xrf1)  }
0x1b0: {  	v10, _, _ =	vpop (xrf1)  }
0x1b1: {  	v11, _, _ =	vpop (xrf1)  }
0x1b2: {  	v12, _, _ =	vpop (xrf1)  }
0x1b3: {  	v9 =	vperm.xlane v9, v4;
	v13, _, _ =	vpop (xrf1)  }
0x1b4: {  	v11 =	vperm.xlane v11, v4;
	v14, _, _ =	vpop (xrf1)  }
0x1b5: {  	v8 =	vmax.f32 v8, v9;
	v9 =	vperm.xlane v13, v4;
	v15, _, _ =	vpop (xrf1)  }
0x1b6: {  	(xrf1) =	vsort.dscd.msk.f32 $0xffff, v8, v8;
	v8 =	vmax.f32 v10, v11;
	v10 =	vperm.xlane v15, v4  }
0x1b7: {  	(xrf1) =	vsort.dscd.msk.f32 $0xffff, v8, v8;
	v8 =	vmax.f32 v12, v9  }
0x1b8: {  	(xrf1) =	vsort.dscd.msk.f32 $0xffff, v8, v8;
	v8 =	vmax.f32 v14, v10  }
0x1b9: {  	(xrf1) =	vsort.dscd.msk.f32 $0xffff, v8, v8;
	_ =	sdelay $0xa  }
0x1ba: {  	v8, _, _ =	vpop (xrf1)  }
0x1bb: {  	v9, _, _ =	vpop (xrf1)  }
0x1bc: {  	v10, _, _ =	vpop (xrf1)  }
0x1bd: {  	v9 =	vperm.xlane v9, v4;
	v11, _, _ =	vpop (xrf1)  }
0x1be: {  	v11 =	vperm.xlane v11, v4  }
0x1bf: {  	v8 =	vmax.f32 v8, v9  }
0x1c0: {  	(xrf1) =	vsort.dscd.msk.f32 $0xffff, v8, v8;
	v8 =	vmax.f32 v10, v11  }
0x1c1: {  	(xrf1) =	vsort.dscd.msk.f32 $0xffff, v8, v8;
	_ =	sdelay $0xc  }
0x1c2: {  	v8, _, _ =	vpop (xrf1)  }
0x1c3: {  	v9, _, _ =	vpop (xrf1)  }
0x1c4: {  	v9 =	vperm.xlane v9, v4;
	_ =	sdelay $0x1  }
0x1c5: {  	v8 =	vmax.f32 v8, v9  }
0x1c6: {  	(xrf1) =	vsort.dscd.msk.f32 $0xffff, v8, v8;
	_ =	sdelay $0x3  }
0x1c7: {  	s24 =	simm.s32 $0x80  }
0x1c8: {  	s22 =	simm.s32 $0xC0;
	v13 =	vmov s24  }
0x1c9: {  	s23 =	simm.s32 $0x0;
	s20 =	simm.s32 $0x40;
	v13 =	vshrl.u32 v13, $0x7;
	v10 =	vmov s22  }
0x1ca: {  	v12 =	vmov s20;
	v11 =	vmov s23;
	v10 =	vshrl.u32 v10, $0x7  }
0x1cb: {  	v13 =	vshll.u32 v13, v2;
	v11 =	vshrl.u32 v11, $0x7;
	v10 =	vshll.u32 v10, v2  }
0x1cc: {  	v12 =	vshrl.u32 v12, $0x7;
	v11 =	vshll.u32 v11, v2;
	v10 =	vbroadcast v10, $0x0  }
0x1cd: {  	v12 =	vshll.u32 v12, v2;
	v11 =	vbroadcast v11, $0x0;
	v9 =	vor.u32 $0x42, v1  }
0x1ce: {  	v12 =	vbroadcast v12, $0x0;
	v8 =	vor.u32 $0x2, v1;
	v10 =	vor.u32 v9, v10  }
0x1cf: {  	v13 =	vbroadcast v13, $0x0;
	v11 =	vor.u32 v8, v11  }
0x1d0: {  	v12 =	vor.u32 v9, v12  }
0x1d1: {  	v13 =	vor.u32 v8, v13;
	v14, _, _ =	vpop (xrf1)  }
0x1d2: {  	[tilespmem:$0x11010] =	vst v14  }
0x1d3: {  	v10 =	vld.idx.msk [tilespmem:v10+s11+$0x0], $0xffff  }
0x1d4: {  	v11 =	vld.idx.msk [tilespmem:v11+s11+$0x0], $0xffff  }
0x1d5: {  	v12 =	vld.idx.msk [tilespmem:v12+s11+$0x0], $0xffff  }
0x1d6: {  	s25 =	simm.s32 $0x30;
	s28 =	simm.s32 $0x1C0;
	v13 =	vld.idx.msk [tilespmem:v13+s11+$0x0], $0xffff  }
0x1d7: {  	s26 =	simm.s32 $0x100;
	s29 =	simm.s32 $0x140;
	s30 =	simm.s32 $0x0;
	v16 =	vmov s28;
	v15 =	vor.u32 s25, v0  }
0x1d8: {  	s31 =	simm.s32 $0x10;
	s21 =	simm.s32 $0x180;
	v17 =	vmov s29;
	v18 =	vor.u32 s30, v0;
	v14 =	vmov s26;
	(xrf1) =	vsort.dscd.msk.f32 $0xffff, v10, v15  }
0x1d9: {  	s19 =	simm.s32 $0x20;
	v10 =	vmov s21;
	v15 =	vshrl.u32 v16, $0x7;
	v16 =	vor.u32 s31, v0;
	(xrf1) =	vsort.dscd.msk.f32 $0xffff, v11, v18  }
0x1da: {  	v11 =	vshrl.u32 v14, $0x7;
	v14 =	vshll.u32 v15, v2;
	v15 =	vor.u32 s19, v0;
	(xrf1) =	vsort.dscd.msk.f32 $0xffff, v12, v16  }
0x1db: {  	v11 =	vshll.u32 v11, v2;
	v12 =	vshrl.u32 v17, $0x7;
	v14 =	vbroadcast v14, $0x0;
	(xrf1) =	vsort.dscd.msk.f32 $0xffff, v13, v15  }
0x1dc: {  	v10 =	vshrl.u32 v10, $0x7;
	v11 =	vbroadcast v11, $0x0;
	v12 =	vshll.u32 v12, v2  }
0x1dd: {  	v10 =	vshll.u32 v10, v2;
	v12 =	vbroadcast v12, $0x0;
	v13 =	vor.u32 v9, v14  }
0x1de: {  	v10 =	vbroadcast v10, $0x0;
	v11 =	vor.u32 v8, v11  }
0x1df: {  	v12 =	vor.u32 v9, v12  }
0x1e0: {  	v10 =	vor.u32 v8, v10;
	_ =	sdelay $0x1  }
0x1e1: {  	s24 =	simm.s32 $0x280;
	s25 =	simm.s32 $0x40;
	v13 =	vld.idx.msk [tilespmem:v13+s11+$0x0], $0xffff  }
0x1e2: {  	s20 =	simm.s32 $0x2C0;
	v19 =	vor.u32 s25, v0;
	s22 =	simm.s32 $0x70;
	s23 =	simm.s32 $0x240;
	v18 =	vmov s24;
	v11 =	vld.idx.msk [tilespmem:v11+s11+$0x0], $0xffff  }
0x1e3: {  	v16 =	vor.u32 s22, v0;
	v17 =	vmov s23;
	v15 =	vmov s20;
	v12 =	vld.idx.msk [tilespmem:v12+s11+$0x0], $0xffff  }
0x1e4: {  	s21 =	simm.s32 $0x200;
	v18 =	vshrl.u32 v18, $0x7;
	v17 =	vshrl.u32 v17, $0x7;
	v15 =	vshrl.u32 v15, $0x7;
	v10 =	vld.idx.msk [tilespmem:v10+s11+$0x0], $0xffff  }
0x1e5: {  	v18 =	vshll.u32 v18, v2;
	v14 =	vmov s21;
	v15 =	vshll.u32 v15, v2;
	v20, v21, _ =	vpop (xrf1)  }
0x1e6: {  	s26 =	simm.s32 $0x50;
	v17 =	vshll.u32 v17, v2;
	v14 =	vshrl.u32 v14, $0x7;
	v15 =	vbroadcast v15, $0x0;
	(xrf1) =	vsort.dscd.msk.f32 $0xffff, v13, v16;
	v22, v23, _ =	vpop (xrf1)  }
0x1e7: {  	s28 =	simm.s32 $0x60;
	v24 =	vor.u32 s26, v0;
	v14 =	vshll.u32 v14, v2;
	(xrf1) =	vsort.dscd.msk.f32 $0xffff, v11, v19;
	v11 =	vperm.xlane v20, v4;
	v13, v16, _ =	vpop (xrf1)  }
0x1e8: {  	v25 =	vor.u32 s28, v0;
	v15 =	vor.u32 v9, v15;
	(xrf1) =	vsort.dscd.msk.f32 $0xffff, v12, v24;
	v12 =	vperm.xlane v21, v4;
	v19, v20, _ =	vpop (xrf1)  }
0x1e9: {  	v14 =	vbroadcast v14, $0x0;
	v13 =	vperm.xlane v13, v4;
	(xrf1) =	vsort.dscd.msk.f32 $0xffff, v10, v25;
	vm5 =	vge.f32 v19, v11  }
0x1ea: {  	v10 =	vperm.xlane v16, v4;
	v11 =	vsel vm5, v19, v11;
	v12 =	vsel vm5, v20, v12  }
0x1eb: {  	v14 =	vor.u32 v8, v14;
	v16 =	vbroadcast v17, $0x0;
	vm6 =	vge.f32 v22, v13;
	(xrf1) =	vsort.dscd.msk.f32 $0xffff, v11, v12  }
0x1ec: {  	v11 =	vsel vm6, v22, v13;
	v10 =	vsel vm6, v23, v10;
	v12 =	vbroadcast v18, $0x0  }
0x1ed: {  	v13 =	vor.u32 v9, v16;
	(xrf1) =	vsort.dscd.msk.f32 $0xffff, v11, v10  }
0x1ee: {  	v10 =	vor.u32 v8, v12  }
0x1ef: {  	s24 =	simm.s32 $0x90;
	s21 =	simm.s32 $0x340  }
0x1f0: {  	s29 =	simm.s32 $0x3C0;
	s23 =	simm.s32 $0x80;
	v58 =	vor.u32 s24, v0;
	v17 =	vmov s21;
	v11 =	vld.idx.msk [tilespmem:v15+s11+$0x0], $0xffff  }
0x1f1: {  	s30 =	simm.s32 $0x300;
	s31 =	simm.s32 $0xB0;
	v14 =	vld.idx.msk [tilespmem:v14+s11+$0x0], $0xffff;
	v21 =	vor.u32 s23, v0;
	v17 =	vshrl.u32 v17, $0x7;
	v15 =	vmov s29  }
0x1f2: {  	s22 =	simm.s32 $0x380;
	v16 =	vor.u32 s31, v0;
	v12 =	vmov s30;
	v15 =	vshrl.u32 v15, $0x7;
	v13 =	vld.idx.msk [tilespmem:v13+s11+$0x0], $0xffff  }
0x1f3: {  	v18 =	vmov s22;
	v12 =	vshrl.u32 v12, $0x7;
	v15 =	vshll.u32 v15, v2;
	v10 =	vld.idx.msk [tilespmem:v10+s11+$0x0], $0xffff  }
0x1f4: {  	v18 =	vshrl.u32 v18, $0x7;
	v12 =	vshll.u32 v12, v2;
	v15 =	vbroadcast v15, $0x0;
	v19, v20, _ =	vpop (xrf1)  }
0x1f5: {  	s25 =	simm.s32 $0xA0;
	v17 =	vshll.u32 v17, v2;
	v18 =	vshll.u32 v18, v2;
	v12 =	vbroadcast v12, $0x0;
	(xrf1) =	vsort.dscd.msk.f32 $0xffff, v11, v16;
	v22, v23, _ =	vpop (xrf1)  }
0x1f6: {  	v15 =	vor.u32 v9, v15;
	(xrf1) =	vsort.dscd.msk.f32 $0xffff, v14, v21;
	v14 =	vperm.xlane v19, v4;
	v19 =	vor.u32 s25, v0;
	v11, v16, _ =	vpop (xrf1)  }
0x1f7: {  	v12 =	vor.u32 v8, v12;
	(xrf1) =	vsort.dscd.msk.f32 $0xffff, v13, v58;
	v11 =	vperm.xlane v11, v4;
	v13, v21, _ =	vpop (xrf1)  }
0x1f8: {  	v17 =	vbroadcast v17, $0x0;
	(xrf1) =	vsort.dscd.msk.f32 $0xffff, v10, v19;
	v10 =	vperm.xlane v20, v4;
	vm7 =	vge.f32 v13, v14  }
0x1f9: {  	v16 =	vperm.xlane v16, v4;
	vm8 =	vge.f32 v22, v11;
	v13 =	vsel vm7, v13, v14;
	v19, v20, _ =	vpop (xrf1)  }
0x1fa: {  	v10 =	vsel vm7, v21, v10;
	v11 =	vsel vm8, v22, v11;
	v14 =	vperm.xlane v19, v4  }
0x1fb: {  	v19, v21, _ =	vpop (xrf1);
	(xrf1) =	vsort.dscd.msk.f32 $0xffff, v13, v10;
	v10 =	vperm.xlane v20, v4;
	v13 =	vsel vm8, v23, v16;
	v16 =	vbroadcast v18, $0x0  }
0x1fc: {  	v17 =	vor.u32 v9, v17;
	(xrf1) =	vsort.dscd.msk.f32 $0xffff, v11, v13;
	vm9 =	vge.f32 v19, v14  }
0x1fd: {  	v13 =	vor.u32 v8, v16;
	v11 =	vsel vm9, v19, v14;
	v10 =	vsel vm9, v21, v10  }
0x1fe: {  	(xrf1) =	vsort.dscd.msk.f32 $0xffff, v11, v10  }
0x1ff: {  	v10 =	vld.idx.msk [tilespmem:v15+s11+$0x0], $0xffff  }
0x200: {  	s23 =	simm.s32 $0xE0;
	s31 =	simm.s32 $0x480;
	s29 =	simm.s32 $0xF0;
	v12 =	vld.idx.msk [tilespmem:v12+s11+$0x0], $0xffff  }
0x201: {  	v60 =	vor.u32 s23, v0;
	s22 =	simm.s32 $0xD0;
	s30 =	simm.s32 $0x440;
	v17 =	vld.idx.msk [tilespmem:v17+s11+$0x0], $0xffff;
	v18 =	vmov s31;
	v15 =	vor.u32 s29, v0  }
0x202: {  	s26 =	simm.s32 $0x4C0;
	s21 =	simm.s32 $0xC0;
	v59 =	vor.u32 s22, v0;
	v18 =	vshrl.u32 v18, $0x7;
	v16 =	vmov s30;
	v13 =	vld.idx.msk [tilespmem:v13+s11+$0x0], $0xffff  }
0x203: {  	s28 =	simm.s32 $0x400;
	v18 =	vshll.u32 v18, v2;
	v14 =	vmov s26;
	v19 =	vor.u32 s21, v0;
	v20, v21, _ =	vpop (xrf1)  }
0x204: {  	v16 =	vshrl.u32 v16, $0x7;
	v11 =	vmov s28;
	v14 =	vshrl.u32 v14, $0x7;
	v22, v23, _ =	vpop (xrf1);
	(xrf1) =	vsort.dscd.msk.f32 $0xffff, v10, v15  }
0x205: {  	v16 =	vshll.u32 v16, v2;
	v11 =	vshrl.u32 v11, $0x7;
	v14 =	vshll.u32 v14, v2;
	v10, v15, _ =	vpop (xrf1);
	(xrf1) =	vsort.dscd.msk.f32 $0xffff, v12, v19  }
0x206: {  	v11 =	vshll.u32 v11, v2;
	v14 =	vbroadcast v14, $0x0;
	v12 =	vperm.xlane v20, v4;
	v19, v20, _ =	vpop (xrf1);
	(xrf1) =	vsort.dscd.msk.f32 $0xffff, v17, v59  }
0x207: {  	v10 =	vperm.xlane v10, v4;
	(xrf1) =	vsort.dscd.msk.f32 $0xffff, v13, v60;
	v13 =	vperm.xlane v21, v4  }
0x208: {  	v11 =	vbroadcast v11, $0x0;
	v14 =	vor.u32 v9, v14;
	vm10 =	vge.f32 v19, v12  }
0x209: {  	v15 =	vperm.xlane v15, v4;
	vm11 =	vge.f32 v22, v10;
	v17, v21, _ =	vpop (xrf1);
	v13 =	vsel vm10, v20, v13  }
0x20a: {  	v12 =	vsel vm10, v19, v12;
	v10 =	vsel vm11, v22, v10;
	v17 =	vperm.xlane v17, v4  }
0x20b: {  	v18 =	vbroadcast v18, $0x0;
	v15 =	vsel vm11, v23, v15;
	v19, v20, _ =	vpop (xrf1);
	(xrf1) =	vsort.dscd.msk.f32 $0xffff, v12, v13;
	v12 =	vperm.xlane v21, v4  }
0x20c: {  	v16 =	vbroadcast v16, $0x0;
	v11 =	vor.u32 v8, v11;
	(xrf1) =	vsort.dscd.msk.f32 $0xffff, v10, v15;
	vm12 =	vge.f32 v19, v17;
	v13, v21, _ =	vpop (xrf1)  }
0x20d: {  	v12 =	vsel vm12, v20, v12;
	v10 =	vperm.xlane v13, v4;
	v13 =	vsel vm12, v19, v17  }
0x20e: {  	v15 =	vimm.f32 $-Inf;
	v17 =	vperm.xlane v21, v4;
	(xrf1) =	vsort.dscd.msk.f32 $0xffff, v13, v12;
	v13 =	vor.u32 v8, v18  }
0x20f: {  	s24 =	simm.s32 $0x5C0;
	v12 =	vimm.s32 $0x0;
	vm13 =	vge.f32 v15, v10  }
0x210: {  	s25 =	simm.s32 $0x500;
	v16 =	vor.u32 v9, v16;
	v12 =	vsel vm13, v12, v17;
	v17 =	vmov s24  }
0x211: {  	v14 =	vld.idx.msk [tilespmem:v14+s11+$0x0], $0xffff;
	v10 =	vsel vm13, v15, v10;
	v15 =	vmov s25;
	v17 =	vshrl.u32 v17, $0x7  }
0x212: {  	v19 =	vld.idx.msk [tilespmem:v11+s11+$0x0], $0xffff;
	v15 =	vshrl.u32 v15, $0x7;
	v17 =	vshll.u32 v17, v2  }
0x213: {  	s28 =	simm.s32 $0x580;
	(xrf1) =	vsort.dscd.msk.f32 $0xffff, v10, v12;
	v22 =	vld.idx.msk [tilespmem:v13+s11+$0x0], $0xffff;
	v13 =	vshll.u32 v15, v2;
	v15 =	vbroadcast v17, $0x0  }
0x214: {  	s26 =	simm.s32 $0x540;
	v20 =	vmov s28;
	v23 =	vbroadcast v13, $0x0  }
0x215: {  	s18 =	simm.s32 $0x130;
	s29 =	simm.s32 $0x100;
	v11 =	vmov s26  }
0x216: {  	v16 =	vld.idx.msk [tilespmem:v16+s11+$0x0], $0xffff;
	v21 =	vor.u32 s29, v0;
	v18 =	vor.u32 s18, v0;
	v11 =	vshrl.u32 v11, $0x7;
	v12, v17, _ =	vpop (xrf1)  }
0x217: {  	v10 =	vshll.u32 v11, v2;
	v11 =	vshrl.u32 v20, $0x7;
	(xrf1) =	vsort.dscd.msk.f32 $0xffff, v14, v18;
	v20, v61, _ =	vpop (xrf1)  }
0x218: {  	v62 =	vbroadcast v10, $0x0;
	v10 =	vor.u32 v9, v15;
	v14, v15, _ =	vpop (xrf1);
	(xrf1) =	vsort.dscd.msk.f32 $0xffff, v19, v21;
	v19 =	vperm.xlane v12, v4  }
0x219: {  	s30 =	simm.s32 $0x110;
	v13 =	vshll.u32 v11, v2;
	v11 =	vor.u32 v8, v23;
	v21, v23, _ =	vpop (xrf1)  }
0x21a: {  	s31 =	simm.s32 $0x120;
	v18 =	vor.u32 s30, v0;
	vm14 =	vge.f32 v21, v19  }
0x21b: {  	v63 =	vor.u32 s31, v0;
	(xrf1) =	vsort.dscd.msk.f32 $0xffff, v16, v18;
	v16 =	vperm.xlane v14, v4;
	v19 =	vsel vm14, v21, v19  }
0x21c: {  	v18 =	vperm.xlane v17, v4;
	(xrf1) =	vsort.dscd.msk.f32 $0xffff, v22, v63  }
0x21d: {  	v12 =	vor.u32 v9, v62;
	v26 =	vperm.xlane v15, v4;
	v22, v25, _ =	vpop (xrf1);
	vm15 =	vge.f32 v20, v16  }
0x21e: {  	v15, v14, _ =	vpop (xrf1);
	v18 =	vsel vm14, v23, v18;
	v17 =	vsel vm15, v20, v16;
	v16 =	vperm.xlane v22, v4  }
0x21f: {  	s19 =	simm.s32 $0x6C0;
	v20 =	vsel vm15, v61, v26;
	(xrf1) =	vsort.dscd.msk.f32 $0xffff, v19, v18;
	v18 =	vperm.xlane v25, v4;
	v21, v19, _ =	vpop (xrf1)  }
.LBB2_9:
0x220: {  	p1 =	sne.s32 s19, $0xFC0;
	v13 =	vbroadcast v13, $0x0;
	(xrf1) =	vsort.dscd.msk.f32 $0xffff, v17, v20;
	vm0 =	vge.f32 v15, v16;
	v17 =	vperm.xlane v21, v4  }
0x221: {  	v15 =	vsel vm0, v15, v16;
	v14 =	vsel vm0, v14, v18;
	v16 =	vperm.xlane v19, v4;
	v18, v19, _ =	vpop (xrf1)  }
0x222: {  	v13 =	vor.u32 v8, v13;
	(xrf1) =	vsort.dscd.msk.f32 $0xffff, v15, v14;
	vm0 =	vge.f32 v18, v17  }
0x223: {  	v14 =	vsel vm0, v18, v17;
	v15 =	vsel vm0, v19, v16  }
0x224: {  	s20 =	sadd.s32 $0xFFFFFF40, s19;
	s18 =	sadd.s32 $0x40, s18;
	v16 =	vld.idx.msk [tilespmem:v10+s11+$0x0], $0xffff;
	(xrf1) =	vsort.dscd.msk.f32 $0xffff, v14, v15  }
0x225: {  	s21 =	sadd.s32 $0xFFFFFFC0, s19;
	v10 =	vmov s20;
	s20 =	sadd.s32 $0xFFFFFF80, s19;
	v14 =	vmov s19;
	v15 =	vld.idx.msk [tilespmem:v11+s11+$0x0], $0xffff;
	v11 =	vor.u32 s18, v0  }
0x226: {  	v18 =	vmov s21;
	v24 =	vmov s20;
	v14 =	vshrl.u32 v14, $0x7;
	s20 =	sadd.s32 $0xFFFFFFD0, s18;
	v19 =	vld.idx.msk [tilespmem:v12+s11+$0x0], $0xffff  }
0x227: {  	v10 =	vshrl.u32 v10, $0x7;
	v12 =	vshll.u32 v14, v2;
	v14 =	vor.u32 s20, v0;
	v20 =	vld.idx.msk [tilespmem:v13+s11+$0x0], $0xffff;
	v21, v22, _ =	vpop (xrf1)  }
0x228: {  	v10 =	vshll.u32 v10, v2;
	v13 =	vshrl.u32 v24, $0x7;
	v12 =	vbroadcast v12, $0x0;
	v17, v23, _ =	vpop (xrf1)  }
0x229: {  	v24 =	vbroadcast v10, $0x0;
	v10 =	vshll.u32 v13, v2;
	v13 =	vshrl.u32 v18, $0x7;
	v18, v25, _ =	vpop (xrf1)  }
0x22a: {  	s20 =	sadd.s32 $0xFFFFFFE0, s18;
	v26 =	vbroadcast v10, $0x0;
	v13 =	vshll.u32 v13, v2;
	v10 =	vor.u32 v9, v12;
	(xrf1) =	vsort.dscd.msk.f32 $0xffff, v16, v11;
	v16, v27, _ =	vpop (xrf1)  }
0x22b: {  	v28 =	vperm.xlane v21, v4;
	v11 =	vor.u32 v8, v24;
	v24 =	vor.u32 s20, v0;
	s20 =	sadd.s32 $0xFFFFFFF0, s18;
	(xrf1) =	vsort.dscd.msk.f32 $0xffff, v15, v14  }
.Ltmp3:
0x22c: {  	v18 =	vperm.xlane v18, v4;
	v12 =	vor.u32 v9, v26;
	v26 =	vor.u32 s20, v0;
	(xrf1) =	vsort.dscd.msk.f32 $0xffff, v19, v24;
	(pc) =	sbr.rel @p1 .LBB2_9-.Ltmp3, $4  }
0x22d: {  	vm0 =	vge.f32 v16, v28;
	(xrf1) =	vsort.dscd.msk.f32 $0xffff, v20, v26;
	v26 =	vperm.xlane v22, v4;
	v20, v21, _ =	vpop (xrf1)  }
0x22e: {  	vm1 =	vge.f32 v17, v18;
	v24 =	vsel vm0, v16, v28;
	v22 =	vperm.xlane v25, v4;
	v15, v14, _ =	vpop (xrf1)  }
0x22f: {  	v17 =	vsel vm1, v17, v18;
	v16 =	vperm.xlane v20, v4;
	v18 =	vsel vm0, v27, v26  }
0x230: {  	s19 =	sadd.s32 $0x100, s19;
	v20 =	vsel vm1, v23, v22;
	(xrf1) =	vsort.dscd.msk.f32 $0xffff, v24, v18;
	v18 =	vperm.xlane v21, v4;
	v21, v19, _ =	vpop (xrf1)  }
0x231: {  	v9 =	vbroadcast v13, $0x0;
	(xrf1) =	vsort.dscd.msk.f32 $0xffff, v17, v20;
	vm0 =	vge.f32 v15, v16;
	v13 =	vperm.xlane v21, v4  }
0x232: {  	v15 =	vsel vm0, v15, v16;
	v14 =	vsel vm0, v14, v18;
	v16 =	vperm.xlane v19, v4;
	v17, v18, _ =	vpop (xrf1)  }
0x233: {  	(xrf1) =	vsort.dscd.msk.f32 $0xffff, v15, v14;
	vm6 =	vge.f32 v17, v13  }
0x234: {  	v8 =	vor.u32 v8, v9;
	v9 =	vsel vm6, v17, v13;
	v13 =	vsel vm6, v18, v16  }
0x235: {  	(xrf1) =	vsort.dscd.msk.f32 $0xffff, v9, v13;
	v9 =	vld.idx.msk [tilespmem:v10+s11+$0x0], $0xffff  }
0x236: {  	s18 =	sadd.s32 $0x40, s18;
	v10 =	vld.idx.msk [tilespmem:v11+s11+$0x0], $0xffff  }
0x237: {  	s19 =	sadd.s32 $0xFFFFFFD0, s18;
	v11 =	vld.idx.msk [tilespmem:v12+s11+$0x0], $0xffff;
	v12 =	vor.u32 s18, v0  }
0x238: {  	v15 =	vor.u32 s19, v0  }
0x239: {  	v8 =	vld.idx.msk [tilespmem:v8+s11+$0x0], $0xffff;
	v13, v14, _ =	vpop (xrf1)  }
0x23a: {  	v16, v17, _ =	vpop (xrf1);
	(xrf1) =	vsort.dscd.msk.f32 $0xffff, v9, v12  }
0x23b: {  	s21 =	sadd.s32 $0xFFFFFFE0, s18;
	v9, v12, _ =	vpop (xrf1);
	(xrf1) =	vsort.dscd.msk.f32 $0xffff, v10, v15;
	v10 =	vperm.xlane v13, v4  }
0x23c: {  	v18 =	vor.u32 s21, v0;
	s18 =	sadd.s32 $0xFFFFFFF0, s18;
	v13, v15, _ =	vpop (xrf1);
	v9 =	vperm.xlane v9, v4  }
0x23d: {  	v19 =	vor.u32 s18, v0;
	v12 =	vperm.xlane v12, v4;
	(xrf1) =	vsort.dscd.msk.f32 $0xffff, v11, v18;
	vm7 =	vge.f32 v13, v10  }
0x23e: {  	(xrf1) =	vsort.dscd.msk.f32 $0xffff, v8, v19;
	v8 =	vperm.xlane v14, v4;
	v10 =	vsel vm7, v13, v10  }
0x23f: {  	vm1 =	vge.f32 v16, v9;
	v11, v14, _ =	vpop (xrf1)  }
0x240: {  	v12 =	vsel vm1, v17, v12;
	v13, v18, _ =	vpop (xrf1);
	v8 =	vsel vm7, v15, v8;
	v11 =	vperm.xlane v11, v4  }
0x241: {  	v9 =	vsel vm1, v16, v9;
	(xrf1) =	vsort.dscd.msk.f32 $0xffff, v10, v8;
	v8 =	vperm.xlane v14, v4;
	v10, v14, _ =	vpop (xrf1)  }
0x242: {  	(xrf1) =	vsort.dscd.msk.f32 $0xffff, v9, v12;
	vm8 =	vge.f32 v13, v11;
	v9 =	vperm.xlane v10, v4  }
0x243: {  	v10 =	vsel vm8, v13, v11;
	v8 =	vsel vm8, v18, v8;
	v11 =	vperm.xlane v14, v4;
	v12, v13, _ =	vpop (xrf1)  }
0x244: {  	(xrf1) =	vsort.dscd.msk.f32 $0xffff, v10, v8;
	vm9 =	vge.f32 v12, v9  }
0x245: {  	v8 =	vsel vm9, v12, v9;
	v9 =	vsel vm9, v13, v11  }
0x246: {  	(xrf1) =	vsort.dscd.msk.f32 $0xffff, v8, v9;
	_ =	sdelay $0x3  }
0x247: {  	v8, v9, _ =	vpop (xrf1)  }
0x248: {  	v10, v11, _ =	vpop (xrf1)  }
0x249: {  	v8 =	vperm.xlane v8, v4;
	v9 =	vperm.xlane v9, v4;
	v12, v13, _ =	vpop (xrf1)  }
0x24a: {  	v14, v15, _ =	vpop (xrf1);
	v12 =	vperm.xlane v12, v4;
	v13 =	vperm.xlane v13, v4  }
0x24b: {  	vm10 =	vge.f32 v14, v8  }
0x24c: {  	v16, v17, _ =	vpop (xrf1);
	vm11 =	vge.f32 v10, v12;
	v9 =	vsel vm10, v15, v9  }
0x24d: {  	v10 =	vsel vm11, v10, v12;
	v12 =	vperm.xlane v16, v4  }
0x24e: {  	v8 =	vsel vm10, v14, v8;
	v14, v18, _ =	vpop (xrf1)  }
0x24f: {  	v11 =	vsel vm11, v11, v13;
	(xrf1) =	vsort.dscd.msk.f32 $0xffff, v8, v9;
	v8 =	vperm.xlane v17, v4;
	v9, v13, _ =	vpop (xrf1)  }
0x250: {  	(xrf1) =	vsort.dscd.msk.f32 $0xffff, v10, v11;
	vm12 =	vge.f32 v14, v12;
	v9 =	vperm.xlane v9, v4  }
0x251: {  	v10 =	vsel vm12, v14, v12;
	v8 =	vsel vm12, v18, v8;
	v11 =	vperm.xlane v13, v4;
	v12, v13, _ =	vpop (xrf1)  }
0x252: {  	(xrf1) =	vsort.dscd.msk.f32 $0xffff, v10, v8;
	vm13 =	vge.f32 v12, v9  }
0x253: {  	v8 =	vsel vm13, v12, v9;
	v9 =	vsel vm13, v13, v11  }
0x254: {  	(xrf1) =	vsort.dscd.msk.f32 $0xffff, v8, v9;
	_ =	sdelay $0x9  }
0x255: {  	v8, v9, _ =	vpop (xrf1)  }
0x256: {  	v10, v11, _ =	vpop (xrf1);
	v8 =	vperm.xlane v8, v4  }
0x257: {  	v9 =	vperm.xlane v9, v4;
	v12, v13, _ =	vpop (xrf1)  }
0x258: {  	vm14 =	vge.f32 v10, v8;
	v12 =	vperm.xlane v12, v4  }
0x259: {  	v8 =	vsel vm14, v10, v8;
	v9 =	vsel vm14, v11, v9;
	v10 =	vperm.xlane v13, v4;
	v11, v13, _ =	vpop (xrf1)  }
0x25a: {  	(xrf1) =	vsort.dscd.msk.f32 $0xffff, v8, v9;
	vm15 =	vge.f32 v11, v12  }
0x25b: {  	v8 =	vsel vm15, v11, v12;
	v9 =	vsel vm15, v13, v10  }
0x25c: {  	(xrf1) =	vsort.dscd.msk.f32 $0xffff, v8, v9;
	_ =	sdelay $0xb  }
0x25d: {  	v8, v9, _ =	vpop (xrf1)  }
0x25e: {  	v8 =	vperm.xlane v8, v4  }
0x25f: {  	v9 =	vperm.xlane v9, v4;
	v10, v11, _ =	vpop (xrf1)  }
0x260: {  	vm4 =	vge.f32 v10, v8  }
0x261: {  	v8 =	vsel vm4, v10, v8;
	v9 =	vsel vm4, v11, v9  }
0x262: {  	(xrf1) =	vsort.dscd.msk.f32 $0xffff, v8, v9;
	_ =	sdelay $0xd  }
0x263: {  	v8, v9, _ =	vpop (xrf1)  }
0x264: {  	v8 =	vshll.u32 v9, $0x5  }
0x265: {  	v9 =	vshll.u32 v9, $0x2;
	v8 =	vand.u32 $0xFFFFFF80, v8  }
0x266: {  	v9 =	vand.u32 $0xC, v9;
	v8 =	vadd.s32 v7, v8  }
0x267: {  	v8 =	vor.u32 v9, v8  }
0x268: {  	v9 =	vor.u32 $0x2, v8  }
0x269: {  	v10 =	vor.u32 $0x12, v8  }
0x26a: {  	v11 =	vor.u32 $0x22, v8  }
0x26b: {  	v12 =	vor.u32 $0x32, v8  }
0x26c: {  	v13 =	vor.u32 $0x42, v8  }
0x26d: {  	v14 =	vor.u32 $0x52, v8;
	v9 =	vld.idx.msk [tilespmem:v9+s3+$0x0], $0xffff  }
0x26e: {  	v15 =	vor.u32 $0x62, v8;
	v10 =	vld.idx.msk [tilespmem:v10+s3+$0x0], $0xffff  }
0x26f: {  	v8 =	vor.u32 $0x72, v8;
	v11 =	vld.idx.msk [tilespmem:v11+s3+$0x0], $0xffff  }
0x270: {  	v12 =	vld.idx.msk [tilespmem:v12+s3+$0x0], $0xffff  }
0x271: {  	v13 =	vld.idx.msk [tilespmem:v13+s3+$0x0], $0xffff  }
0x272: {  	(xrf1) =	vsort.dscd.msk.f32 $0xffff, v9, v9;
	v9 =	vld.idx.msk [tilespmem:v14+s3+$0x0], $0xffff  }
0x273: {  	(xrf1) =	vsort.dscd.msk.f32 $0xffff, v10, v10;
	v10 =	vld.idx.msk [tilespmem:v15+s3+$0x0], $0xffff  }
0x274: {  	v8 =	vld.idx.msk [tilespmem:v8+s3+$0x0], $0xffff;
	(xrf1) =	vsort.dscd.msk.f32 $0xffff, v11, v11  }
0x275: {  	(xrf1) =	vsort.dscd.msk.f32 $0xffff, v12, v12  }
0x276: {  	(xrf1) =	vsort.dscd.msk.f32 $0xffff, v13, v13  }
0x277: {  	(xrf1) =	vsort.dscd.msk.f32 $0xffff, v9, v9  }
0x278: {  	(xrf1) =	vsort.dscd.msk.f32 $0xffff, v10, v10  }
0x279: {  	(xrf1) =	vsort.dscd.msk.f32 $0xffff, v8, v8;
	_ =	sdelay $0x6  }
0x27a: {  	v8, _, _ =	vpop (xrf1)  }
0x27b: {  	v9, _, _ =	vpop (xrf1)  }
0x27c: {  	v10, _, _ =	vpop (xrf1)  }
0x27d: {  	v11, _, _ =	vpop (xrf1)  }
0x27e: {  	v12, _, _ =	vpop (xrf1)  }
0x27f: {  	v9 =	vperm.xlane v9, v4;
	v13, _, _ =	vpop (xrf1)  }
0x280: {  	v11 =	vperm.xlane v11, v4;
	v14, _, _ =	vpop (xrf1)  }
0x281: {  	v8 =	vmax.f32 v8, v9;
	v9 =	vperm.xlane v13, v4;
	v15, _, _ =	vpop (xrf1)  }
0x282: {  	(xrf1) =	vsort.dscd.msk.f32 $0xffff, v8, v8;
	v8 =	vmax.f32 v10, v11;
	v10 =	vperm.xlane v15, v4  }
0x283: {  	(xrf1) =	vsort.dscd.msk.f32 $0xffff, v8, v8;
	v8 =	vmax.f32 v12, v9  }
0x284: {  	(xrf1) =	vsort.dscd.msk.f32 $0xffff, v8, v8;
	v8 =	vmax.f32 v14, v10  }
0x285: {  	(xrf1) =	vsort.dscd.msk.f32 $0xffff, v8, v8;
	_ =	sdelay $0xa  }
0x286: {  	v8, _, _ =	vpop (xrf1)  }
0x287: {  	v9, _, _ =	vpop (xrf1)  }
0x288: {  	v10, _, _ =	vpop (xrf1)  }
0x289: {  	v9 =	vperm.xlane v9, v4;
	v11, _, _ =	vpop (xrf1)  }
0x28a: {  	v11 =	vperm.xlane v11, v4  }
0x28b: {  	v8 =	vmax.f32 v8, v9  }
0x28c: {  	(xrf1) =	vsort.dscd.msk.f32 $0xffff, v8, v8;
	v8 =	vmax.f32 v10, v11  }
0x28d: {  	(xrf1) =	vsort.dscd.msk.f32 $0xffff, v8, v8;
	_ =	sdelay $0xc  }
0x28e: {  	v8, _, _ =	vpop (xrf1)  }
0x28f: {  	v9, _, _ =	vpop (xrf1)  }
0x290: {  	v9 =	vperm.xlane v9, v4;
	_ =	sdelay $0x1  }
0x291: {  	v8 =	vmax.f32 v8, v9  }
0x292: {  	(xrf1) =	vsort.dscd.msk.f32 $0xffff, v8, v8;
	_ =	sdelay $0x3  }
0x293: {  	s24 =	simm.s32 $0x80  }
0x294: {  	s22 =	simm.s32 $0xC0;
	v13 =	vmov s24  }
0x295: {  	s23 =	simm.s32 $0x0;
	s20 =	simm.s32 $0x40;
	v13 =	vshrl.u32 v13, $0x7;
	v10 =	vmov s22  }
0x296: {  	v12 =	vmov s20;
	v11 =	vmov s23;
	v10 =	vshrl.u32 v10, $0x7  }
0x297: {  	v13 =	vshll.u32 v13, v2;
	v11 =	vshrl.u32 v11, $0x7;
	v10 =	vshll.u32 v10, v2  }
0x298: {  	v12 =	vshrl.u32 v12, $0x7;
	v11 =	vshll.u32 v11, v2;
	v10 =	vbroadcast v10, $0x0  }
0x299: {  	v12 =	vshll.u32 v12, v2;
	v11 =	vbroadcast v11, $0x0;
	v9 =	vor.u32 $0x43, v1  }
0x29a: {  	v12 =	vbroadcast v12, $0x0;
	v8 =	vor.u32 $0x3, v1;
	v10 =	vor.u32 v9, v10  }
0x29b: {  	v13 =	vbroadcast v13, $0x0;
	v11 =	vor.u32 v8, v11  }
0x29c: {  	v12 =	vor.u32 v9, v12  }
0x29d: {  	v13 =	vor.u32 v8, v13;
	v14, _, _ =	vpop (xrf1)  }
0x29e: {  	[tilespmem:$0x11020] =	vst v14  }
0x29f: {  	v10 =	vld.idx.msk [tilespmem:v10+s11+$0x0], $0xffff  }
0x2a0: {  	v11 =	vld.idx.msk [tilespmem:v11+s11+$0x0], $0xffff  }
0x2a1: {  	v12 =	vld.idx.msk [tilespmem:v12+s11+$0x0], $0xffff  }
0x2a2: {  	s25 =	simm.s32 $0x30;
	s28 =	simm.s32 $0x1C0;
	v13 =	vld.idx.msk [tilespmem:v13+s11+$0x0], $0xffff  }
0x2a3: {  	s26 =	simm.s32 $0x100;
	s29 =	simm.s32 $0x140;
	s30 =	simm.s32 $0x0;
	v16 =	vmov s28;
	v15 =	vor.u32 s25, v0  }
0x2a4: {  	s31 =	simm.s32 $0x10;
	s21 =	simm.s32 $0x180;
	v17 =	vmov s29;
	v18 =	vor.u32 s30, v0;
	v14 =	vmov s26;
	(xrf1) =	vsort.dscd.msk.f32 $0xffff, v10, v15  }
0x2a5: {  	s19 =	simm.s32 $0x20;
	v10 =	vmov s21;
	v15 =	vshrl.u32 v16, $0x7;
	v16 =	vor.u32 s31, v0;
	(xrf1) =	vsort.dscd.msk.f32 $0xffff, v11, v18  }
0x2a6: {  	v11 =	vshrl.u32 v14, $0x7;
	v14 =	vshll.u32 v15, v2;
	v15 =	vor.u32 s19, v0;
	(xrf1) =	vsort.dscd.msk.f32 $0xffff, v12, v16  }
0x2a7: {  	v11 =	vshll.u32 v11, v2;
	v12 =	vshrl.u32 v17, $0x7;
	v14 =	vbroadcast v14, $0x0;
	(xrf1) =	vsort.dscd.msk.f32 $0xffff, v13, v15  }
0x2a8: {  	v10 =	vshrl.u32 v10, $0x7;
	v11 =	vbroadcast v11, $0x0;
	v12 =	vshll.u32 v12, v2  }
0x2a9: {  	v10 =	vshll.u32 v10, v2;
	v12 =	vbroadcast v12, $0x0;
	v13 =	vor.u32 v9, v14  }
0x2aa: {  	v10 =	vbroadcast v10, $0x0;
	v11 =	vor.u32 v8, v11  }
0x2ab: {  	v12 =	vor.u32 v9, v12  }
0x2ac: {  	v10 =	vor.u32 v8, v10;
	_ =	sdelay $0x1  }
0x2ad: {  	s24 =	simm.s32 $0x280;
	s25 =	simm.s32 $0x40;
	v13 =	vld.idx.msk [tilespmem:v13+s11+$0x0], $0xffff  }
0x2ae: {  	s20 =	simm.s32 $0x2C0;
	v19 =	vor.u32 s25, v0;
	s22 =	simm.s32 $0x70;
	s23 =	simm.s32 $0x240;
	v18 =	vmov s24;
	v11 =	vld.idx.msk [tilespmem:v11+s11+$0x0], $0xffff  }
0x2af: {  	v16 =	vor.u32 s22, v0;
	v17 =	vmov s23;
	v15 =	vmov s20;
	v12 =	vld.idx.msk [tilespmem:v12+s11+$0x0], $0xffff  }
0x2b0: {  	s21 =	simm.s32 $0x200;
	v18 =	vshrl.u32 v18, $0x7;
	v17 =	vshrl.u32 v17, $0x7;
	v15 =	vshrl.u32 v15, $0x7;
	v10 =	vld.idx.msk [tilespmem:v10+s11+$0x0], $0xffff  }
0x2b1: {  	v18 =	vshll.u32 v18, v2;
	v14 =	vmov s21;
	v15 =	vshll.u32 v15, v2;
	v20, v21, _ =	vpop (xrf1)  }
0x2b2: {  	s26 =	simm.s32 $0x50;
	v17 =	vshll.u32 v17, v2;
	v14 =	vshrl.u32 v14, $0x7;
	v15 =	vbroadcast v15, $0x0;
	(xrf1) =	vsort.dscd.msk.f32 $0xffff, v13, v16;
	v22, v23, _ =	vpop (xrf1)  }
0x2b3: {  	s28 =	simm.s32 $0x60;
	v24 =	vor.u32 s26, v0;
	v14 =	vshll.u32 v14, v2;
	(xrf1) =	vsort.dscd.msk.f32 $0xffff, v11, v19;
	v11 =	vperm.xlane v20, v4;
	v13, v16, _ =	vpop (xrf1)  }
0x2b4: {  	v25 =	vor.u32 s28, v0;
	v15 =	vor.u32 v9, v15;
	(xrf1) =	vsort.dscd.msk.f32 $0xffff, v12, v24;
	v12 =	vperm.xlane v21, v4;
	v19, v20, _ =	vpop (xrf1)  }
0x2b5: {  	v14 =	vbroadcast v14, $0x0;
	v13 =	vperm.xlane v13, v4;
	(xrf1) =	vsort.dscd.msk.f32 $0xffff, v10, v25;
	vm5 =	vge.f32 v19, v11  }
0x2b6: {  	v10 =	vperm.xlane v16, v4;
	v11 =	vsel vm5, v19, v11;
	v12 =	vsel vm5, v20, v12  }
0x2b7: {  	v14 =	vor.u32 v8, v14;
	v16 =	vbroadcast v17, $0x0;
	vm6 =	vge.f32 v22, v13;
	(xrf1) =	vsort.dscd.msk.f32 $0xffff, v11, v12  }
0x2b8: {  	v11 =	vsel vm6, v22, v13;
	v10 =	vsel vm6, v23, v10;
	v12 =	vbroadcast v18, $0x0  }
0x2b9: {  	v13 =	vor.u32 v9, v16;
	(xrf1) =	vsort.dscd.msk.f32 $0xffff, v11, v10  }
0x2ba: {  	v10 =	vor.u32 v8, v12  }
0x2bb: {  	s24 =	simm.s32 $0x90;
	s21 =	simm.s32 $0x340  }
0x2bc: {  	s29 =	simm.s32 $0x3C0;
	s23 =	simm.s32 $0x80;
	v58 =	vor.u32 s24, v0;
	v17 =	vmov s21;
	v11 =	vld.idx.msk [tilespmem:v15+s11+$0x0], $0xffff  }
0x2bd: {  	s30 =	simm.s32 $0x300;
	s31 =	simm.s32 $0xB0;
	v14 =	vld.idx.msk [tilespmem:v14+s11+$0x0], $0xffff;
	v21 =	vor.u32 s23, v0;
	v17 =	vshrl.u32 v17, $0x7;
	v15 =	vmov s29  }
0x2be: {  	s22 =	simm.s32 $0x380;
	v16 =	vor.u32 s31, v0;
	v12 =	vmov s30;
	v15 =	vshrl.u32 v15, $0x7;
	v13 =	vld.idx.msk [tilespmem:v13+s11+$0x0], $0xffff  }
0x2bf: {  	v18 =	vmov s22;
	v12 =	vshrl.u32 v12, $0x7;
	v15 =	vshll.u32 v15, v2;
	v10 =	vld.idx.msk [tilespmem:v10+s11+$0x0], $0xffff  }
0x2c0: {  	v18 =	vshrl.u32 v18, $0x7;
	v12 =	vshll.u32 v12, v2;
	v15 =	vbroadcast v15, $0x0;
	v19, v20, _ =	vpop (xrf1)  }
0x2c1: {  	s25 =	simm.s32 $0xA0;
	v17 =	vshll.u32 v17, v2;
	v18 =	vshll.u32 v18, v2;
	v12 =	vbroadcast v12, $0x0;
	(xrf1) =	vsort.dscd.msk.f32 $0xffff, v11, v16;
	v22, v23, _ =	vpop (xrf1)  }
0x2c2: {  	v15 =	vor.u32 v9, v15;
	(xrf1) =	vsort.dscd.msk.f32 $0xffff, v14, v21;
	v14 =	vperm.xlane v19, v4;
	v19 =	vor.u32 s25, v0;
	v11, v16, _ =	vpop (xrf1)  }
0x2c3: {  	v12 =	vor.u32 v8, v12;
	(xrf1) =	vsort.dscd.msk.f32 $0xffff, v13, v58;
	v11 =	vperm.xlane v11, v4;
	v13, v21, _ =	vpop (xrf1)  }
0x2c4: {  	v17 =	vbroadcast v17, $0x0;
	(xrf1) =	vsort.dscd.msk.f32 $0xffff, v10, v19;
	v10 =	vperm.xlane v20, v4;
	vm7 =	vge.f32 v13, v14  }
0x2c5: {  	v16 =	vperm.xlane v16, v4;
	vm8 =	vge.f32 v22, v11;
	v13 =	vsel vm7, v13, v14;
	v19, v20, _ =	vpop (xrf1)  }
0x2c6: {  	v10 =	vsel vm7, v21, v10;
	v11 =	vsel vm8, v22, v11;
	v14 =	vperm.xlane v19, v4  }
0x2c7: {  	v19, v21, _ =	vpop (xrf1);
	(xrf1) =	vsort.dscd.msk.f32 $0xffff, v13, v10;
	v10 =	vperm.xlane v20, v4;
	v13 =	vsel vm8, v23, v16;
	v16 =	vbroadcast v18, $0x0  }
0x2c8: {  	v17 =	vor.u32 v9, v17;
	(xrf1) =	vsort.dscd.msk.f32 $0xffff, v11, v13;
	vm9 =	vge.f32 v19, v14  }
0x2c9: {  	v13 =	vor.u32 v8, v16;
	v11 =	vsel vm9, v19, v14;
	v10 =	vsel vm9, v21, v10  }
0x2ca: {  	(xrf1) =	vsort.dscd.msk.f32 $0xffff, v11, v10  }
0x2cb: {  	v10 =	vld.idx.msk [tilespmem:v15+s11+$0x0], $0xffff  }
0x2cc: {  	s23 =	simm.s32 $0xE0;
	s31 =	simm.s32 $0x480;
	s29 =	simm.s32 $0xF0;
	v12 =	vld.idx.msk [tilespmem:v12+s11+$0x0], $0xffff  }
0x2cd: {  	v60 =	vor.u32 s23, v0;
	s22 =	simm.s32 $0xD0;
	s30 =	simm.s32 $0x440;
	v17 =	vld.idx.msk [tilespmem:v17+s11+$0x0], $0xffff;
	v18 =	vmov s31;
	v15 =	vor.u32 s29, v0  }
0x2ce: {  	s26 =	simm.s32 $0x4C0;
	s21 =	simm.s32 $0xC0;
	v59 =	vor.u32 s22, v0;
	v18 =	vshrl.u32 v18, $0x7;
	v16 =	vmov s30;
	v13 =	vld.idx.msk [tilespmem:v13+s11+$0x0], $0xffff  }
0x2cf: {  	s28 =	simm.s32 $0x400;
	v18 =	vshll.u32 v18, v2;
	v14 =	vmov s26;
	v19 =	vor.u32 s21, v0;
	v20, v21, _ =	vpop (xrf1)  }
0x2d0: {  	v16 =	vshrl.u32 v16, $0x7;
	v11 =	vmov s28;
	v14 =	vshrl.u32 v14, $0x7;
	v22, v23, _ =	vpop (xrf1);
	(xrf1) =	vsort.dscd.msk.f32 $0xffff, v10, v15  }
0x2d1: {  	v16 =	vshll.u32 v16, v2;
	v11 =	vshrl.u32 v11, $0x7;
	v14 =	vshll.u32 v14, v2;
	v10, v15, _ =	vpop (xrf1);
	(xrf1) =	vsort.dscd.msk.f32 $0xffff, v12, v19  }
0x2d2: {  	v11 =	vshll.u32 v11, v2;
	v14 =	vbroadcast v14, $0x0;
	v12 =	vperm.xlane v20, v4;
	v19, v20, _ =	vpop (xrf1);
	(xrf1) =	vsort.dscd.msk.f32 $0xffff, v17, v59  }
0x2d3: {  	v10 =	vperm.xlane v10, v4;
	(xrf1) =	vsort.dscd.msk.f32 $0xffff, v13, v60;
	v13 =	vperm.xlane v21, v4  }
0x2d4: {  	v11 =	vbroadcast v11, $0x0;
	v14 =	vor.u32 v9, v14;
	vm10 =	vge.f32 v19, v12  }
0x2d5: {  	v15 =	vperm.xlane v15, v4;
	vm11 =	vge.f32 v22, v10;
	v17, v21, _ =	vpop (xrf1);
	v13 =	vsel vm10, v20, v13  }
0x2d6: {  	v12 =	vsel vm10, v19, v12;
	v10 =	vsel vm11, v22, v10;
	v17 =	vperm.xlane v17, v4  }
0x2d7: {  	v18 =	vbroadcast v18, $0x0;
	v15 =	vsel vm11, v23, v15;
	v19, v20, _ =	vpop (xrf1);
	(xrf1) =	vsort.dscd.msk.f32 $0xffff, v12, v13;
	v12 =	vperm.xlane v21, v4  }
0x2d8: {  	v16 =	vbroadcast v16, $0x0;
	v11 =	vor.u32 v8, v11;
	(xrf1) =	vsort.dscd.msk.f32 $0xffff, v10, v15;
	vm12 =	vge.f32 v19, v17;
	v13, v21, _ =	vpop (xrf1)  }
0x2d9: {  	v12 =	vsel vm12, v20, v12;
	v10 =	vperm.xlane v13, v4;
	v13 =	vsel vm12, v19, v17  }
0x2da: {  	v15 =	vimm.f32 $-Inf;
	v17 =	vperm.xlane v21, v4;
	(xrf1) =	vsort.dscd.msk.f32 $0xffff, v13, v12;
	v13 =	vor.u32 v8, v18  }
0x2db: {  	s24 =	simm.s32 $0x5C0;
	v12 =	vimm.s32 $0x0;
	vm13 =	vge.f32 v15, v10  }
0x2dc: {  	s25 =	simm.s32 $0x500;
	v16 =	vor.u32 v9, v16;
	v12 =	vsel vm13, v12, v17;
	v17 =	vmov s24  }
0x2dd: {  	v14 =	vld.idx.msk [tilespmem:v14+s11+$0x0], $0xffff;
	v10 =	vsel vm13, v15, v10;
	v15 =	vmov s25;
	v17 =	vshrl.u32 v17, $0x7  }
0x2de: {  	v19 =	vld.idx.msk [tilespmem:v11+s11+$0x0], $0xffff;
	v15 =	vshrl.u32 v15, $0x7;
	v17 =	vshll.u32 v17, v2  }
0x2df: {  	s28 =	simm.s32 $0x580;
	(xrf1) =	vsort.dscd.msk.f32 $0xffff, v10, v12;
	v22 =	vld.idx.msk [tilespmem:v13+s11+$0x0], $0xffff;
	v13 =	vshll.u32 v15, v2;
	v15 =	vbroadcast v17, $0x0  }
0x2e0: {  	s26 =	simm.s32 $0x540;
	v20 =	vmov s28;
	v23 =	vbroadcast v13, $0x0  }
0x2e1: {  	s18 =	simm.s32 $0x130;
	s29 =	simm.s32 $0x100;
	v11 =	vmov s26  }
0x2e2: {  	v16 =	vld.idx.msk [tilespmem:v16+s11+$0x0], $0xffff;
	v21 =	vor.u32 s29, v0;
	v18 =	vor.u32 s18, v0;
	v11 =	vshrl.u32 v11, $0x7;
	v12, v17, _ =	vpop (xrf1)  }
0x2e3: {  	v10 =	vshll.u32 v11, v2;
	v11 =	vshrl.u32 v20, $0x7;
	(xrf1) =	vsort.dscd.msk.f32 $0xffff, v14, v18;
	v20, v61, _ =	vpop (xrf1)  }
0x2e4: {  	v62 =	vbroadcast v10, $0x0;
	v10 =	vor.u32 v9, v15;
	v14, v15, _ =	vpop (xrf1);
	(xrf1) =	vsort.dscd.msk.f32 $0xffff, v19, v21;
	v19 =	vperm.xlane v12, v4  }
0x2e5: {  	s30 =	simm.s32 $0x110;
	v13 =	vshll.u32 v11, v2;
	v11 =	vor.u32 v8, v23;
	v21, v23, _ =	vpop (xrf1)  }
0x2e6: {  	s31 =	simm.s32 $0x120;
	v18 =	vor.u32 s30, v0;
	vm14 =	vge.f32 v21, v19  }
0x2e7: {  	v63 =	vor.u32 s31, v0;
	(xrf1) =	vsort.dscd.msk.f32 $0xffff, v16, v18;
	v16 =	vperm.xlane v14, v4;
	v19 =	vsel vm14, v21, v19  }
0x2e8: {  	v18 =	vperm.xlane v17, v4;
	(xrf1) =	vsort.dscd.msk.f32 $0xffff, v22, v63  }
0x2e9: {  	v12 =	vor.u32 v9, v62;
	v26 =	vperm.xlane v15, v4;
	v22, v25, _ =	vpop (xrf1);
	vm15 =	vge.f32 v20, v16  }
0x2ea: {  	v15, v14, _ =	vpop (xrf1);
	v18 =	vsel vm14, v23, v18;
	v17 =	vsel vm15, v20, v16;
	v16 =	vperm.xlane v22, v4  }
0x2eb: {  	s19 =	simm.s32 $0x6C0;
	v20 =	vsel vm15, v61, v26;
	(xrf1) =	vsort.dscd.msk.f32 $0xffff, v19, v18;
	v18 =	vperm.xlane v25, v4;
	v21, v19, _ =	vpop (xrf1)  }
.LBB2_11:
0x2ec: {  	p1 =	sne.s32 s19, $0xFC0;
	v13 =	vbroadcast v13, $0x0;
	(xrf1) =	vsort.dscd.msk.f32 $0xffff, v17, v20;
	vm0 =	vge.f32 v15, v16;
	v17 =	vperm.xlane v21, v4  }
0x2ed: {  	v15 =	vsel vm0, v15, v16;
	v14 =	vsel vm0, v14, v18;
	v16 =	vperm.xlane v19, v4;
	v18, v19, _ =	vpop (xrf1)  }
0x2ee: {  	v13 =	vor.u32 v8, v13;
	(xrf1) =	vsort.dscd.msk.f32 $0xffff, v15, v14;
	vm0 =	vge.f32 v18, v17  }
0x2ef: {  	v14 =	vsel vm0, v18, v17;
	v15 =	vsel vm0, v19, v16  }
0x2f0: {  	s20 =	sadd.s32 $0xFFFFFF40, s19;
	s18 =	sadd.s32 $0x40, s18;
	v16 =	vld.idx.msk [tilespmem:v10+s11+$0x0], $0xffff;
	(xrf1) =	vsort.dscd.msk.f32 $0xffff, v14, v15  }
0x2f1: {  	s21 =	sadd.s32 $0xFFFFFFC0, s19;
	v10 =	vmov s20;
	s20 =	sadd.s32 $0xFFFFFF80, s19;
	v14 =	vmov s19;
	v15 =	vld.idx.msk [tilespmem:v11+s11+$0x0], $0xffff;
	v11 =	vor.u32 s18, v0  }
0x2f2: {  	v18 =	vmov s21;
	v24 =	vmov s20;
	v14 =	vshrl.u32 v14, $0x7;
	s20 =	sadd.s32 $0xFFFFFFD0, s18;
	v19 =	vld.idx.msk [tilespmem:v12+s11+$0x0], $0xffff  }
0x2f3: {  	v10 =	vshrl.u32 v10, $0x7;
	v12 =	vshll.u32 v14, v2;
	v14 =	vor.u32 s20, v0;
	v20 =	vld.idx.msk [tilespmem:v13+s11+$0x0], $0xffff;
	v21, v22, _ =	vpop (xrf1)  }
0x2f4: {  	v10 =	vshll.u32 v10, v2;
	v13 =	vshrl.u32 v24, $0x7;
	v12 =	vbroadcast v12, $0x0;
	v17, v23, _ =	vpop (xrf1)  }
0x2f5: {  	v24 =	vbroadcast v10, $0x0;
	v10 =	vshll.u32 v13, v2;
	v13 =	vshrl.u32 v18, $0x7;
	v18, v25, _ =	vpop (xrf1)  }
0x2f6: {  	s20 =	sadd.s32 $0xFFFFFFE0, s18;
	v26 =	vbroadcast v10, $0x0;
	v13 =	vshll.u32 v13, v2;
	v10 =	vor.u32 v9, v12;
	(xrf1) =	vsort.dscd.msk.f32 $0xffff, v16, v11;
	v16, v27, _ =	vpop (xrf1)  }
0x2f7: {  	v28 =	vperm.xlane v21, v4;
	v11 =	vor.u32 v8, v24;
	v24 =	vor.u32 s20, v0;
	s20 =	sadd.s32 $0xFFFFFFF0, s18;
	(xrf1) =	vsort.dscd.msk.f32 $0xffff, v15, v14  }
.Ltmp4:
0x2f8: {  	v18 =	vperm.xlane v18, v4;
	v12 =	vor.u32 v9, v26;
	v26 =	vor.u32 s20, v0;
	(xrf1) =	vsort.dscd.msk.f32 $0xffff, v19, v24;
	(pc) =	sbr.rel @p1 .LBB2_11-.Ltmp4, $4  }
0x2f9: {  	vm0 =	vge.f32 v16, v28;
	(xrf1) =	vsort.dscd.msk.f32 $0xffff, v20, v26;
	v26 =	vperm.xlane v22, v4;
	v20, v21, _ =	vpop (xrf1)  }
0x2fa: {  	vm1 =	vge.f32 v17, v18;
	v24 =	vsel vm0, v16, v28;
	v22 =	vperm.xlane v25, v4;
	v15, v14, _ =	vpop (xrf1)  }
0x2fb: {  	v17 =	vsel vm1, v17, v18;
	v16 =	vperm.xlane v20, v4;
	v18 =	vsel vm0, v27, v26  }
0x2fc: {  	s19 =	sadd.s32 $0x100, s19;
	v20 =	vsel vm1, v23, v22;
	(xrf1) =	vsort.dscd.msk.f32 $0xffff, v24, v18;
	v18 =	vperm.xlane v21, v4;
	v21, v19, _ =	vpop (xrf1)  }
0x2fd: {  	v9 =	vbroadcast v13, $0x0;
	(xrf1) =	vsort.dscd.msk.f32 $0xffff, v17, v20;
	vm0 =	vge.f32 v15, v16;
	v31 =	vperm.xlane v21, v4  }
0x2fe: {  	v32 =	vperm.xlane v19, v4;
	v15 =	vsel vm0, v15, v16;
	v14 =	vsel vm0, v14, v18;
	v33, v34, _ =	vpop (xrf1)  }
0x2ff: {  	(xrf1) =	vsort.dscd.msk.f32 $0xffff, v15, v14;
	vm5 =	vge.f32 v33, v31  }
0x300: {  	v8 =	vor.u32 v8, v9;
	v35 =	vsel vm5, v33, v31;
	v36 =	vsel vm5, v34, v32  }
0x301: {  	(xrf1) =	vsort.dscd.msk.f32 $0xffff, v35, v36  }
0x302: {  	v37 =	vld.idx.msk [tilespmem:v10+s11+$0x0], $0xffff  }
0x303: {  	v38 =	vld.idx.msk [tilespmem:v11+s11+$0x0], $0xffff  }
0x304: {  	v39 =	vld.idx.msk [tilespmem:v12+s11+$0x0], $0xffff  }
0x305: {  	s18 =	sadd.s32 $0x40, s18;
	v8 =	vld.idx.msk [tilespmem:v8+s11+$0x0], $0xffff  }
0x306: {  	v40 =	vor.u32 s18, v0;
	s19 =	sadd.s32 $0xFFFFFFD0, s18;
	v42, v41, _ =	vpop (xrf1)  }
0x307: {  	s31 =	sadd.s32 $0xFFFFFFE0, s18;
	v43 =	vor.u32 s19, v0;
	(xrf1) =	vsort.dscd.msk.f32 $0xffff, v37, v40;
	v45, v44, _ =	vpop (xrf1)  }
0x308: {  	s18 =	sadd.s32 $0xFFFFFFF0, s18;
	v46 =	vor.u32 s31, v0;
	(xrf1) =	vsort.dscd.msk.f32 $0xffff, v38, v43;
	v47 =	vperm.xlane v42, v4;
	v9, v12, _ =	vpop (xrf1)  }
0x309: {  	v50 =	vor.u32 s18, v0;
	v49, v48, _ =	vpop (xrf1);
	(xrf1) =	vsort.dscd.msk.f32 $0xffff, v39, v46;
	v9 =	vperm.xlane v9, v4  }
0x30a: {  	vm6 =	vge.f32 v49, v47;
	(xrf1) =	vsort.dscd.msk.f32 $0xffff, v8, v50;
	v8 =	vperm.xlane v41, v4  }
0x30b: {  	v12 =	vperm.xlane v12, v4;
	vm1 =	vge.f32 v45, v9;
	v10 =	vsel vm6, v49, v47;
	v51, v52, _ =	vpop (xrf1)  }
0x30c: {  	v9 =	vsel vm1, v45, v9;
	v54, v53, _ =	vpop (xrf1);
	v8 =	vsel vm6, v48, v8;
	v11 =	vperm.xlane v51, v4  }
0x30d: {  	v12 =	vsel vm1, v44, v12;
	(xrf1) =	vsort.dscd.msk.f32 $0xffff, v10, v8;
	v8 =	vperm.xlane v52, v4;
	v55, v56, _ =	vpop (xrf1)  }
0x30e: {  	(xrf1) =	vsort.dscd.msk.f32 $0xffff, v9, v12;
	vm7 =	vge.f32 v54, v11;
	v57 =	vperm.xlane v55, v4  }
0x30f: {  	v58 =	vsel vm7, v54, v11;
	v8 =	vsel vm7, v53, v8;
	v59 =	vperm.xlane v56, v4;
	v60, v61, _ =	vpop (xrf1)  }
0x310: {  	(xrf1) =	vsort.dscd.msk.f32 $0xffff, v58, v8;
	vm8 =	vge.f32 v60, v57  }
0x311: {  	v8 =	vsel vm8, v60, v57;
	v62 =	vsel vm8, v61, v59  }
0x312: {  	(xrf1) =	vsort.dscd.msk.f32 $0xffff, v8, v62;
	_ =	sdelay $0x4  }
0x313: {  	v8, v9, _ =	vpop (xrf1)  }
0x314: {  	v63, v21, _ =	vpop (xrf1)  }
0x315: {  	v8 =	vperm.xlane v8, v4;
	v22, v23, _ =	vpop (xrf1)  }
0x316: {  	v25, v24, _ =	vpop (xrf1);
	v12 =	vperm.xlane v22, v4  }
0x317: {  	v9 =	vperm.xlane v9, v4;
	vm9 =	vge.f32 v25, v8  }
0x318: {  	v13 =	vperm.xlane v23, v4;
	vm10 =	vge.f32 v63, v12;
	v8 =	vsel vm9, v25, v8;
	v26, v27, _ =	vpop (xrf1)  }
0x319: {  	v9 =	vsel vm9, v24, v9;
	v10 =	vsel vm10, v63, v12;
	v29, v28, _ =	vpop (xrf1);
	v30 =	vperm.xlane v26, v4  }
0x31a: {  	v11 =	vsel vm10, v21, v13;
	(xrf1) =	vsort.dscd.msk.f32 $0xffff, v8, v9;
	v8 =	vperm.xlane v27, v4;
	v32, v31, _ =	vpop (xrf1)  }
0x31b: {  	(xrf1) =	vsort.dscd.msk.f32 $0xffff, v10, v11;
	vm11 =	vge.f32 v29, v30;
	v9 =	vperm.xlane v32, v4  }
0x31c: {  	v33 =	vsel vm11, v29, v30;
	v8 =	vsel vm11, v28, v8;
	v34 =	vperm.xlane v31, v4;
	v35, v36, _ =	vpop (xrf1)  }
0x31d: {  	(xrf1) =	vsort.dscd.msk.f32 $0xffff, v33, v8;
	vm12 =	vge.f32 v35, v9  }
0x31e: {  	v8 =	vsel vm12, v35, v9;
	v37 =	vsel vm12, v36, v34  }
0x31f: {  	(xrf1) =	vsort.dscd.msk.f32 $0xffff, v8, v37;
	_ =	sdelay $0x9  }
0x320: {  	v8, v9, _ =	vpop (xrf1)  }
0x321: {  	v38, v39, _ =	vpop (xrf1);
	v8 =	vperm.xlane v8, v4  }
0x322: {  	v9 =	vperm.xlane v9, v4;
	v40, v41, _ =	vpop (xrf1)  }
0x323: {  	vm13 =	vge.f32 v38, v8;
	v12 =	vperm.xlane v40, v4  }
0x324: {  	v8 =	vsel vm13, v38, v8;
	v9 =	vsel vm13, v39, v9;
	v42 =	vperm.xlane v41, v4;
	v43, v44, _ =	vpop (xrf1)  }
0x325: {  	(xrf1) =	vsort.dscd.msk.f32 $0xffff, v8, v9;
	vm14 =	vge.f32 v43, v12  }
0x326: {  	v8 =	vsel vm14, v43, v12;
	v45 =	vsel vm14, v44, v42  }
0x327: {  	(xrf1) =	vsort.dscd.msk.f32 $0xffff, v8, v45;
	_ =	sdelay $0xb  }
0x328: {  	v8, v9, _ =	vpop (xrf1)  }
0x329: {  	v8 =	vperm.xlane v8, v4  }
0x32a: {  	v9 =	vperm.xlane v9, v4;
	v47, v46, _ =	vpop (xrf1)  }
0x32b: {  	vm15 =	vge.f32 v47, v8  }
0x32c: {  	v8 =	vsel vm15, v47, v8;
	v9 =	vsel vm15, v46, v9  }
0x32d: {  	(xrf1) =	vsort.dscd.msk.f32 $0xffff, v8, v9;
	_ =	sdelay $0xd  }
0x32e: {  	v8, v9, _ =	vpop (xrf1)  }
0x32f: {  	v8 =	vshll.u32 v9, $0x5  }
0x330: {  	v9 =	vshll.u32 v9, $0x2;
	v8 =	vand.u32 $0xFFFFFF80, v8  }
0x331: {  	v7 =	vadd.s32 v7, v8;
	v8 =	vand.u32 $0xC, v9  }
0x332: {  	v7 =	vor.u32 v8, v7  }
0x333: {  	v8 =	vor.u32 $0x3, v7  }
0x334: {  	v48 =	vor.u32 $0x13, v7  }
0x335: {  	v49 =	vor.u32 $0x23, v7  }
0x336: {  	v50 =	vor.u32 $0x33, v7  }
0x337: {  	v51 =	vor.u32 $0x43, v7  }
0x338: {  	v52 =	vor.u32 $0x53, v7;
	v8 =	vld.idx.msk [tilespmem:v8+s3+$0x0], $0xffff  }
0x339: {  	v53 =	vor.u32 $0x63, v7;
	v9 =	vld.idx.msk [tilespmem:v48+s3+$0x0], $0xffff  }
0x33a: {  	v7 =	vor.u32 $0x73, v7;
	v10 =	vld.idx.msk [tilespmem:v49+s3+$0x0], $0xffff  }
0x33b: {  	v11 =	vld.idx.msk [tilespmem:v50+s3+$0x0], $0xffff  }
0x33c: {  	v12 =	vld.idx.msk [tilespmem:v51+s3+$0x0], $0xffff  }
0x33d: {  	(xrf1) =	vsort.dscd.msk.f32 $0xffff, v8, v8;
	v8 =	vld.idx.msk [tilespmem:v52+s3+$0x0], $0xffff  }
0x33e: {  	v54 =	vld.idx.msk [tilespmem:v53+s3+$0x0], $0xffff;
	(xrf1) =	vsort.dscd.msk.f32 $0xffff, v9, v9  }
0x33f: {  	v7 =	vld.idx.msk [tilespmem:v7+s3+$0x0], $0xffff;
	(xrf1) =	vsort.dscd.msk.f32 $0xffff, v10, v10  }
0x340: {  	(xrf1) =	vsort.dscd.msk.f32 $0xffff, v11, v11  }
0x341: {  	(xrf1) =	vsort.dscd.msk.f32 $0xffff, v12, v12  }
0x342: {  	(xrf1) =	vsort.dscd.msk.f32 $0xffff, v8, v8  }
0x343: {  	(xrf1) =	vsort.dscd.msk.f32 $0xffff, v54, v54  }
0x344: {  	(xrf1) =	vsort.dscd.msk.f32 $0xffff, v7, v7;
	_ =	sdelay $0x6  }
0x345: {  	v7, _, _ =	vpop (xrf1)  }
0x346: {  	v8, _, _ =	vpop (xrf1)  }
0x347: {  	v55, _, _ =	vpop (xrf1)  }
0x348: {  	v56, _, _ =	vpop (xrf1)  }
0x349: {  	v57, _, _ =	vpop (xrf1)  }
0x34a: {  	v8 =	vperm.xlane v8, v4;
	v58, _, _ =	vpop (xrf1)  }
0x34b: {  	v10 =	vperm.xlane v56, v4;
	v59, _, _ =	vpop (xrf1)  }
0x34c: {  	v7 =	vmax.f32 v7, v8;
	v8 =	vperm.xlane v58, v4;
	v60, _, _ =	vpop (xrf1)  }
0x34d: {  	(xrf1) =	vsort.dscd.msk.f32 $0xffff, v7, v7;
	v7 =	vmax.f32 v55, v10;
	v61 =	vperm.xlane v60, v4  }
0x34e: {  	(xrf1) =	vsort.dscd.msk.f32 $0xffff, v7, v7;
	v7 =	vmax.f32 v57, v8  }
0x34f: {  	(xrf1) =	vsort.dscd.msk.f32 $0xffff, v7, v7;
	v7 =	vmax.f32 v59, v61  }
0x350: {  	(xrf1) =	vsort.dscd.msk.f32 $0xffff, v7, v7;
	_ =	sdelay $0xa  }
0x351: {  	v7, _, _ =	vpop (xrf1)  }
0x352: {  	v8, _, _ =	vpop (xrf1)  }
0x353: {  	v62, _, _ =	vpop (xrf1)  }
0x354: {  	v8 =	vperm.xlane v8, v4;
	v63, _, _ =	vpop (xrf1)  }
0x355: {  	v10 =	vperm.xlane v63, v4  }
0x356: {  	v7 =	vmax.f32 v7, v8  }
0x357: {  	(xrf1) =	vsort.dscd.msk.f32 $0xffff, v7, v7;
	v7 =	vmax.f32 v62, v10  }
0x358: {  	(xrf1) =	vsort.dscd.msk.f32 $0xffff, v7, v7;
	_ =	sdelay $0xc  }
0x359: {  	v7, _, _ =	vpop (xrf1)  }
0x35a: {  	v8, _, _ =	vpop (xrf1)  }
0x35b: {  	v8 =	vperm.xlane v8, v4;
	_ =	sdelay $0x1  }
0x35c: {  	v7 =	vmax.f32 v7, v8  }
0x35d: {  	(xrf1) =	vsort.dscd.msk.f32 $0xffff, v7, v7;
	_ =	sdelay $0xc  }
0x35e: {  	s15 =	sshll.u32 s15, $0x4  }
0x35f: {  	s17 =	sadd.s32 s1, s17;
	p1 =	sne.s32 s16, $0x10;
	s15 =	sand.u32 $0x1F80, s15;
	v7, _, _ =	vpop (xrf1)  }
.Ltmp5:
0x360: {  	s15 =	sadd.s32 s15, s17;
	[tilespmem:$0x11030] =	vst v7;
	(pc) =	sbr.rel @p1 .LBB2_2-.Ltmp5, $4  }
0x361: {  	[hbm4b:s15+s3] =	stream.linear.scatter [tilespmem:s12], [sflag:$0x2], $0x80, $0x38;
	[tilespmem:$0x11080] =	vst v63  }
0x362: {  	_ =	swait.ge [sflag:s13], $0x80  }
0x363: {  	[sflag:s13] =	ssyncset.done $0x0  }
0x364: {  	p0 =	por !p0, !p0;
	[sflag:s13] =	ssyncadd.s32 $0xFFFFFF80  }
0x365: {  	s14 =	sadd.s32 $0x1, s14  }
0x366: {  	p0 =	sne.s32 s14, s7  }
.Ltmp6:
0x367: {  	_ = 	snop;
	(pc) =	sbr.rel @p0 .LBB2_1-.Ltmp6, $1  }
0x368: {  	_ =	sdelay $0x3  }
0x369: {  	_ =	sfence.sel $0x180000  }
0x36a: {  	[bflag:$0x0] =	sbarrier.arrive $0xFFFF  }
0x36b: {  	p0 =	sne.s32 s2, $0x0;
	_ =	strace $0x90000047  }
0x36c: {  	s0 =	sadd.s32 @!p0 $0x100000, s0;
	[bflag:$0x2] =	sbarrier.arrive $0xFFFF  }
0x36d: {  	[sflag:s0] =	ssyncadd.tile.s32 @!p0 $0x1;
	_ =	shalt  }
.Lfunc_end2:
_tile_overlayer_lowered:
.L_overlay_start_2:
0x36e: {  	(tag) =	ssettag $0x2  }
0x36f: {  	s0 =	rddreg [dreg:$0x0];
	s2 =	stileid.u32  }
0x370: {  	s1 =	rddreg [dreg:$0x1];
	p0 =	sne.s32 s2, $0x0  }
0x371: {  	s3 =	rddreg [dreg:$0x2];
	[bflag:$0x3] =	sbarrier.arrive $0xFFFF;
	s2 =	simm.s32 @!p0 $0x1C02  }
0x372: {  	[timem:s3], [sflag:s2] =	dma.local @!p0 [hbm:s0], s1  }
0x373: {  	s0 =	simm.s32 @!p0 $0x2  }
0x374: {  	_ =	swait.ge @!p0 [sflag:s0], s1  }
0x375: {  	s1 =	ssub.s32 @!p0 $0x0, s1;
	[sflag:s0] =	ssyncset.done @!p0 $0x0  }
0x376: {  	[sflag:s0] =	ssyncadd.s32 @!p0 s1  }
0x377: {  	[bflag:$0x3] =	sbarrier.arrive $0xFFFF  }
0x378: {  	_ =	shalt  }

</sc_bundles>
